<compile_context>
chip_gen: v7x
topology: tpu7x:2x2x1
jax: 0.10.2.dev20260603
libtpu: 0.0.44.dev20260713+nightly
codegen_flags: <defaults>
</compile_context>

<pallas_src>
import jax
import jax.numpy as jnp
from jax import lax
from jax.experimental import pallas as pl
from jax.experimental.pallas import tpu as pltpu
from jax.experimental.pallas import tpu_sc as plsc

N_NODES = 10000
N_EDGES = 320000
D_IN = 128
HID = 64
N_GRAPHS = 100

NC = 2
NS = 16
NW = NC * NS

CHUNK = 128
E_PAD = 327680
NCHUNK = E_PAD // (NW * CHUNK)
ROWS_PER_SUB = 632
NPAD = ROWS_PER_SUB * NS


GRP = 2
NGRP = NCHUNK // GRP


def _sc_edge_body(p_hbm, src_hbm, dst_hbm, zero_hbm, out_hbm,
                  src_v, dst_v, rows_v, acc_sh, src_sem, stage_sem, gsem, ssem):
    cid = lax.axis_index("c")
    sid = lax.axis_index("s")
    wid = sid * NC + cid
    row0 = sid * ROWS_PER_SUB

    pltpu.async_copy(src_hbm.at[wid], src_v, src_sem)
    pltpu.async_copy(dst_hbm.at[wid], dst_v, stage_sem)
    pltpu.async_copy(zero_hbm.at[pl.ds(row0, ROWS_PER_SUB)],
                     acc_sh.at[pl.ds(row0, ROWS_PER_SUB)], stage_sem)
    pltpu.make_async_copy(src_hbm.at[wid], src_v, src_sem).wait()

    for b in range(GRP):
        pltpu.async_copy(p_hbm.at[src_v.at[b]], rows_v.at[b], gsem)

    pltpu.make_async_copy(dst_hbm.at[wid], dst_v, stage_sem).wait()
    pltpu.make_async_copy(zero_hbm.at[pl.ds(row0, ROWS_PER_SUB)],
                          acc_sh.at[pl.ds(row0, ROWS_PER_SUB)], stage_sem).wait()
    plsc.subcore_barrier()

    def grp_step(g, carry):
        half = (g % 2) * GRP
        nxt = ((g + 1) % 2) * GRP

        @pl.when(g > 0)
        def _():
            for b in range(GRP):
                j = (g - 1) * GRP + b
                pltpu.make_async_copy(rows_v.at[nxt + b],
                                      acc_sh.at[dst_v.at[j]], ssem).wait()

        @pl.when(g + 1 < NGRP)
        def _():
            for b in range(GRP):
                j = (g + 1) * GRP + b
                pltpu.async_copy(p_hbm.at[src_v.at[j]], rows_v.at[nxt + b], gsem)

        for b in range(GRP):
            j = g * GRP + b
            pltpu.make_async_copy(p_hbm.at[src_v.at[j]],
                                  rows_v.at[half + b], gsem).wait()
        for b in range(GRP):
            j = g * GRP + b
            pltpu.async_copy(rows_v.at[half + b], acc_sh.at[dst_v.at[j]],
                             ssem, add=True)
        return carry

    lax.fori_loop(0, NGRP, grp_step, 0, unroll=2)

    lasth = ((NGRP - 1) % 2) * GRP
    for b in range(GRP):
        j = (NGRP - 1) * GRP + b
        pltpu.make_async_copy(rows_v.at[lasth + b],
                              acc_sh.at[dst_v.at[j]], ssem).wait()
    plsc.subcore_barrier()
    pltpu.sync_copy(acc_sh.at[pl.ds(row0, ROWS_PER_SUB)],
                    out_hbm.at[cid, pl.ds(row0, ROWS_PER_SUB)])


_sc_edge = pl.kernel(
    _sc_edge_body,
    out_type=jax.ShapeDtypeStruct((NC, NPAD, HID), jnp.float32),
    mesh=plsc.VectorSubcoreMesh(core_axis_name="c", subcore_axis_name="s"),
    scratch_types=[
        pltpu.VMEM((NCHUNK, CHUNK), jnp.int32),
        pltpu.VMEM((NCHUNK, CHUNK), jnp.int32),
        pltpu.VMEM((2 * GRP, CHUNK, HID), jnp.float32),
        pltpu.VMEM_SHARED((NPAD, HID), jnp.float32),
        pltpu.SemaphoreType.DMA,
        pltpu.SemaphoreType.DMA,
        pltpu.SemaphoreType.DMA,
        pltpu.SemaphoreType.DMA,
    ],
    compiler_params=pltpu.CompilerParams(use_tc_tiling_on_sc=False),
)


def _mm_body(x_ref, w_ref, o_ref):
    o_ref[...] = jnp.dot(x_ref[...], w_ref[...],
                         preferred_element_type=jnp.float32)


def _fuse_body(p_ref, a_ref, b_ref, w_ref, o_ref):
    h = p_ref[...] + a_ref[0, :N_NODES, :] + a_ref[1, :N_NODES, :] + b_ref[...]
    h = jnp.maximum(h, 0.0)
    o_ref[...] = jnp.dot(h, w_ref[...], preferred_element_type=jnp.float32)


def _final_body(p_ref, a_ref, b3_ref, batch_ref, wf_ref, bf_ref,
                wp_ref, bp_ref, o_ref):
    h = p_ref[...] + a_ref[0, :N_NODES, :] + a_ref[1, :N_NODES, :] + b3_ref[...]
    gid = lax.broadcasted_iota(jnp.int32, (N_GRAPHS, N_NODES), 0)
    m = (batch_ref[...] == gid).astype(jnp.float32)
    sums = jnp.dot(m, h, preferred_element_type=jnp.float32)
    counts = jnp.sum(m, axis=1, keepdims=True)
    g = sums / jnp.maximum(counts, 1.0)
    g = jnp.dot(g, wf_ref[...], preferred_element_type=jnp.float32) + bf_ref[...]
    g = jnp.dot(g, wp_ref[...], preferred_element_type=jnp.float32) + bp_ref[...]
    o_ref[...] = jax.nn.sigmoid(g)


_mm1 = pl.pallas_call(
    _mm_body, out_shape=jax.ShapeDtypeStruct((N_NODES, HID), jnp.float32))

_fuse = pl.pallas_call(
    _fuse_body, out_shape=jax.ShapeDtypeStruct((N_NODES, HID), jnp.float32))

_final = pl.pallas_call(
    _final_body, out_shape=jax.ShapeDtypeStruct((N_GRAPHS, 1), jnp.float32))


def kernel(x, edge_index, batch, W1, b1, W2, b2, W3, b3, Wf, bf, Wp, bp):
    src = edge_index[0].astype(jnp.int32)
    dst = edge_index[1].astype(jnp.int32)

    npad = E_PAD - N_EDGES
    pad_src = (jnp.arange(npad, dtype=jnp.int32) * 131) % N_NODES
    pad_dst = N_NODES + (jnp.arange(npad, dtype=jnp.int32) % (NPAD - N_NODES))
    src_w = jnp.concatenate([src, pad_src]).reshape(NW, NCHUNK, CHUNK)
    dst_w = jnp.concatenate([dst, pad_dst]).reshape(NW, NCHUNK, CHUNK)
    zeros = jnp.zeros((NPAD, HID), jnp.float32)

    p1 = _mm1(x, W1)
    a1 = _sc_edge(p1, src_w, dst_w, zeros)
    p2 = _fuse(p1, a1, b1.reshape(1, HID), W2)
    a2 = _sc_edge(p2, src_w, dst_w, zeros)
    p3 = _fuse(p2, a2, b2.reshape(1, HID), W3)
    a3 = _sc_edge(p3, src_w, dst_w, zeros)
    return _final(p3, a3, b3.reshape(1, HID), batch.reshape(1, N_NODES).astype(jnp.int32),
                  Wf, bf.reshape(1, 32), Wp, bp.reshape(1, 1))

# --- scband reference (transcript-rebuilt; emitter-appended) ---
"""Pipeline reference for scband-histo-gin-31937376813167 (READ-ONLY COPY).

The authoritative reference and input builder live on the scoring server;
editing this copy changes nothing except your own understanding.
"""

import jax, jax.numpy as jnp
import numpy as np

N_NODES = 10000
N_EDGES = 320000
D_IN = 128
HID = 64
N_GRAPHS = 100


def setup_inputs(seed: int = 0) -> dict:
    key = jax.random.key(seed)
    ks = jax.random.split(key, 16)
    x = jax.random.normal(ks[0], (N_NODES, D_IN), dtype=jnp.float32)
    edge_index = jax.random.randint(ks[1], (2, N_EDGES), 0, N_NODES)
    batch = jnp.sort(jax.random.randint(ks[2], (N_NODES,), 0, N_GRAPHS))
    # GINConv 1: Linear(D_IN -> HID)
    W1 = jax.random.normal(ks[3], (D_IN, HID), dtype=jnp.float32) * (1.0 / np.sqrt(D_IN))
    b1 = jnp.zeros((HID,), dtype=jnp.float32)
    # GINConv 2: Linear(HID -> HID)
    W2 = jax.random.normal(ks[4], (HID, HID), dtype=jnp.float32) * (1.0 / np.sqrt(HID))
    b2 = jnp.zeros((HID,), dtype=jnp.float32)
    # GINConv 3 (referenced in forward; instantiated as GINConv(HID, HID))
    W3 = jax.random.normal(ks[5], (HID, HID), dtype=jnp.float32) * (1.0 / np.sqrt(HID))
    b3 = jnp.zeros((HID,), dtype=jnp.float32)
    # fc1: Linear(HID -> 32)
    Wf = jax.random.normal(ks[6], (HID, 32), dtype=jnp.float32) * (1.0 / np.sqrt(HID))
    bf = jnp.zeros((32,), dtype=jnp.float32)
    # predict: Linear(32 -> 1)
    Wp = jax.random.normal(ks[7], (32, 1), dtype=jnp.float32) * (1.0 / np.sqrt(32))
    bp = jnp.zeros((1,), dtype=jnp.float32)
    return {"x": x, "edge_index": edge_index, "batch": batch,
            "W1": W1, "b1": b1, "W2": W2, "b2": b2, "W3": W3, "b3": b3,
            "Wf": Wf, "bf": bf, "Wp": Wp, "bp": bp}


def _gin_conv(h, src, dst, W, b):
    # GIN aggregation: (1+eps)*h_i + sum_{j in N(i)} h_j, eps=0, then Linear
    msgs = jnp.take(h, src, axis=0)                       # gather (SparseCore)
    agg = jax.ops.segment_sum(msgs, dst, num_segments=N_NODES)  # scatter-add
    return (h + agg) @ W + b


def _global_mean_pool(h, batch):
    sums = jax.ops.segment_sum(h, batch, num_segments=N_GRAPHS)
    counts = jax.ops.segment_sum(jnp.ones((h.shape[0], 1), dtype=h.dtype), batch,
                                 num_segments=N_GRAPHS)
    return sums / jnp.maximum(counts, 1.0)


def reference(x, edge_index, batch, W1, b1, W2, b2, W3, b3, Wf, bf, Wp, bp):
    src = edge_index[0]
    dst = edge_index[1]
    h = _gin_conv(x, src, dst, W1, b1)
    h = jax.nn.relu(h)
    h = _gin_conv(h, src, dst, W2, b2)
    h = jax.nn.relu(h)
    h = _gin_conv(h, src, dst, W3, b3)
    g = _global_mean_pool(h, batch)
    # F.dropout(p=0.5) treated as identity (eval / deterministic reference)
    g = g @ Wf + bf
    g = g @ Wp + bp
    return jax.nn.sigmoid(g)

if __name__ == "__main__":
    import jax
    _d = setup_inputs()
    print(jax.jit(kernel)(*tuple(_d.values())))

</pallas_src>

<mosaic_0001>
#map = affine_map<(d0, d1) -> (0, 0)>
#map1 = affine_map<(d0, d1) -> (0, 0, 0)>
module attributes {stable_mosaic.version = 14 : i64} {
  func.func @_sc_edge_body(%arg0: i32, %arg1: i32, %arg2: memref<10000x64xf32, #tpu.memory_space<hbm>>, %arg3: memref<32x80x128xi32, #tpu.memory_space<hbm>>, %arg4: memref<32x80x128xi32, #tpu.memory_space<hbm>>, %arg5: memref<10112x64xf32, #tpu.memory_space<hbm>>, %arg6: memref<2x10112x64xf32, #tpu.memory_space<hbm>>, %arg7: memref<80x128xi32, #tpu.memory_space<vmem>>, %arg8: memref<80x128xi32, #tpu.memory_space<vmem>>, %arg9: memref<4x128x64xf32, #tpu.memory_space<vmem>>, %arg10: memref<10112x64xf32, #tpu.memory_space<vmem_shared>>, %arg11: memref<!tpu.dma_semaphore, #tpu.memory_space<semaphore_mem>>, %arg12: memref<!tpu.dma_semaphore, #tpu.memory_space<semaphore_mem>>, %arg13: memref<!tpu.dma_semaphore, #tpu.memory_space<semaphore_mem>>, %arg14: memref<!tpu.dma_semaphore, #tpu.memory_space<semaphore_mem>>) attributes {dimension_semantics = [#tpu.dimension_semantics<core_parallel>, #tpu.dimension_semantics<subcore_parallel>], iteration_bounds = array<i64: 2, 16>, scalar_prefetch = 0 : i64, scratch_operands = 8 : i64, tpu.core_type = #tpu.core_type<sc_vector_subcore>, window_params = [{transform_indices = #map}, {transform_indices = #map1}, {transform_indices = #map1}, {transform_indices = #map}, {transform_indices = #map1}]} {
    %mul3A = arith.constant 2 : i32
    %mul3A_0 = arith.muli %arg1, %mul3A : i32
    %add3A = arith.addi %mul3A_0, %arg0 : i32
    %mul3A_1 = arith.constant 632 : i32
    %mul3A_2 = arith.muli %arg1, %mul3A_1 : i32
    %dma_start3A = arith.constant 0 : i32
    %dma_start3A_3 = arith.constant 0 : i32
    %dma_start3A_4 = tpu.memref_slice %arg3[%add3A, %dma_start3A, %dma_start3A_3] : memref<32x80x128xi32, #tpu.memory_space<hbm>> -> memref<1x80x128xi32, #tpu.memory_space<hbm>>
    %dma_start3A_5 = tpu.memref_squeeze %dma_start3A_4 : memref<1x80x128xi32, #tpu.memory_space<hbm>> -> memref<80x128xi32, #tpu.memory_space<hbm>>
    %dma_start3A_6 = arith.constant 0 : i32
    %dma_start3A_7 = arith.constant 0 : i32
    %dma_start3A_8 = tpu.memref_slice %arg3[%add3A, %dma_start3A_6, %dma_start3A_7] : memref<32x80x128xi32, #tpu.memory_space<hbm>> -> memref<1x80x128xi32, #tpu.memory_space<hbm>>
    %dma_start3A_9 = tpu.memref_squeeze %dma_start3A_8 : memref<1x80x128xi32, #tpu.memory_space<hbm>> -> memref<80x128xi32, #tpu.memory_space<hbm>>
    tpu.enqueue_dma source(%dma_start3A_9 : memref<80x128xi32, #tpu.memory_space<hbm>>) target(%arg7 : memref<80x128xi32, #tpu.memory_space<vmem>>) target_semaphore(%arg11 : memref<!tpu.dma_semaphore, #tpu.memory_space<semaphore_mem>>)
    %dma_start3A_10 = arith.constant 0 : i32
    %dma_start3A_11 = arith.constant 0 : i32
    %dma_start3A_12 = tpu.memref_slice %arg4[%add3A, %dma_start3A_10, %dma_start3A_11] : memref<32x80x128xi32, #tpu.memory_space<hbm>> -> memref<1x80x128xi32, #tpu.memory_space<hbm>>
    %dma_start3A_13 = tpu.memref_squeeze %dma_start3A_12 : memref<1x80x128xi32, #tpu.memory_space<hbm>> -> memref<80x128xi32, #tpu.memory_space<hbm>>
    %dma_start3A_14 = arith.constant 0 : i32
    %dma_start3A_15 = arith.constant 0 : i32
    %dma_start3A_16 = tpu.memref_slice %arg4[%add3A, %dma_start3A_14, %dma_start3A_15] : memref<32x80x128xi32, #tpu.memory_space<hbm>> -> memref<1x80x128xi32, #tpu.memory_space<hbm>>
    %dma_start3A_17 = tpu.memref_squeeze %dma_start3A_16 : memref<1x80x128xi32, #tpu.memory_space<hbm>> -> memref<80x128xi32, #tpu.memory_space<hbm>>
    tpu.enqueue_dma source(%dma_start3A_17 : memref<80x128xi32, #tpu.memory_space<hbm>>) target(%arg8 : memref<80x128xi32, #tpu.memory_space<vmem>>) target_semaphore(%arg12 : memref<!tpu.dma_semaphore, #tpu.memory_space<semaphore_mem>>)
    %dma_start3A_18 = arith.constant 0 : i32
    %dma_start3A_19 = tpu.memref_slice %arg10[%mul3A_2, %dma_start3A_18] : memref<10112x64xf32, #tpu.memory_space<vmem_shared>> -> memref<632x64xf32, #tpu.memory_space<vmem_shared>>
    %dma_start3A_20 = arith.constant 0 : i32
    %dma_start3A_21 = tpu.memref_slice %arg5[%mul3A_2, %dma_start3A_20] : memref<10112x64xf32, #tpu.memory_space<hbm>> -> memref<632x64xf32, #tpu.memory_space<hbm>>
    tpu.enqueue_dma source(%dma_start3A_21 : memref<632x64xf32, #tpu.memory_space<hbm>>) target(%dma_start3A_19 : memref<632x64xf32, #tpu.memory_space<vmem_shared>>) target_semaphore(%arg12 : memref<!tpu.dma_semaphore, #tpu.memory_space<semaphore_mem>>)
    %dma_wait3A = arith.constant 0 : i32
    %dma_wait3A_22 = arith.constant 0 : i32
    %dma_wait3A_23 = tpu.memref_slice %arg3[%add3A, %dma_wait3A, %dma_wait3A_22] : memref<32x80x128xi32, #tpu.memory_space<hbm>> -> memref<1x80x128xi32, #tpu.memory_space<hbm>>
    %dma_wait3A_24 = tpu.memref_squeeze %dma_wait3A_23 : memref<1x80x128xi32, #tpu.memory_space<hbm>> -> memref<80x128xi32, #tpu.memory_space<hbm>>
    %dma_wait3A_25 = arith.constant 0 : i32
    %dma_wait3A_26 = arith.constant 0 : i32
    %dma_wait3A_27 = tpu.memref_slice %arg3[%add3A, %dma_wait3A_25, %dma_wait3A_26] : memref<32x80x128xi32, #tpu.memory_space<hbm>> -> memref<1x80x128xi32, #tpu.memory_space<hbm>>
    %dma_wait3A_28 = tpu.memref_squeeze %dma_wait3A_27 : memref<1x80x128xi32, #tpu.memory_space<hbm>> -> memref<80x128xi32, #tpu.memory_space<hbm>>
    tpu.wait_dma2 semaphore(%arg11 : memref<!tpu.dma_semaphore, #tpu.memory_space<semaphore_mem>>) src(%dma_wait3A_28 : memref<80x128xi32, #tpu.memory_space<hbm>>) dst(%arg7 : memref<80x128xi32, #tpu.memory_space<vmem>>)
    %dma_start3A_29 = arith.constant 0 : i32
    %dma_start3A_30 = arith.constant 0 : i32
    %dma_start3A_31 = arith.constant 0 : i32
    %dma_start3A_32 = arith.constant 0 : i32
    %dma_start3A_33 = tpu.memref_slice %arg9[%dma_start3A_30, %dma_start3A_31, %dma_start3A_32] : memref<4x128x64xf32, #tpu.memory_space<vmem>> -> memref<1x128x64xf32, #tpu.memory_space<vmem>>
    %dma_start3A_34 = tpu.memref_squeeze %dma_start3A_33 : memref<1x128x64xf32, #tpu.memory_space<vmem>> -> memref<128x64xf32, #tpu.memory_space<vmem>>
    %dma_start3A_35 = arith.constant 0 : i32
    %dma_start3A_36 = tpu.memref_slice %arg7[%dma_start3A_29, %dma_start3A_35] : memref<80x128xi32, #tpu.memory_space<vmem>> -> memref<1x128xi32, #tpu.memory_space<vmem>>
    %dma_start3A_37 = tpu.memref_squeeze %dma_start3A_36 : memref<1x128xi32, #tpu.memory_space<vmem>> -> memref<128xi32, #tpu.memory_space<vmem>>
    %dma_start3A_38 = arith.constant 0 : i32
    %dma_start3A_39 = arith.constant 0 : i32
    %dma_start3A_40 = tpu.memref_slice %arg2[%dma_start3A_38, %dma_start3A_39] : memref<10000x64xf32, #tpu.memory_space<hbm>> -> memref<10000x64xf32, #tpu.memory_space<hbm>>
    tpu.enqueue_indirect_dma source(%dma_start3A_40 : memref<10000x64xf32, #tpu.memory_space<hbm>>) target(%dma_start3A_34 : memref<128x64xf32, #tpu.memory_space<vmem>>) offsets(%dma_start3A_37 : memref<128xi32, #tpu.memory_space<vmem>>) semaphore(%arg13 : memref<!tpu.dma_semaphore, #tpu.memory_space<semaphore_mem>>)
    %dma_start3A_41 = arith.constant 1 : i32
    %dma_start3A_42 = arith.constant 1 : i32
    %dma_start3A_43 = arith.constant 0 : i32
    %dma_start3A_44 = arith.constant 0 : i32
    %dma_start3A_45 = tpu.memref_slice %arg9[%dma_start3A_42, %dma_start3A_43, %dma_start3A_44] : memref<4x128x64xf32, #tpu.memory_space<vmem>> -> memref<1x128x64xf32, #tpu.memory_space<vmem>>
    %dma_start3A_46 = tpu.memref_squeeze %dma_start3A_45 : memref<1x128x64xf32, #tpu.memory_space<vmem>> -> memref<128x64xf32, #tpu.memory_space<vmem>>
    %dma_start3A_47 = arith.constant 0 : i32
    %dma_start3A_48 = tpu.memref_slice %arg7[%dma_start3A_41, %dma_start3A_47] : memref<80x128xi32, #tpu.memory_space<vmem>> -> memref<1x128xi32, #tpu.memory_space<vmem>>
    %dma_start3A_49 = tpu.memref_squeeze %dma_start3A_48 : memref<1x128xi32, #tpu.memory_space<vmem>> -> memref<128xi32, #tpu.memory_space<vmem>>
    %dma_start3A_50 = arith.constant 0 : i32
    %dma_start3A_51 = arith.constant 0 : i32
    %dma_start3A_52 = tpu.memref_slice %arg2[%dma_start3A_50, %dma_start3A_51] : memref<10000x64xf32, #tpu.memory_space<hbm>> -> memref<10000x64xf32, #tpu.memory_space<hbm>>
    tpu.enqueue_indirect_dma source(%dma_start3A_52 : memref<10000x64xf32, #tpu.memory_space<hbm>>) target(%dma_start3A_46 : memref<128x64xf32, #tpu.memory_space<vmem>>) offsets(%dma_start3A_49 : memref<128xi32, #tpu.memory_space<vmem>>) semaphore(%arg13 : memref<!tpu.dma_semaphore, #tpu.memory_space<semaphore_mem>>)
    %dma_wait3A_53 = arith.constant 0 : i32
    %dma_wait3A_54 = arith.constant 0 : i32
    %dma_wait3A_55 = tpu.memref_slice %arg4[%add3A, %dma_wait3A_53, %dma_wait3A_54] : memref<32x80x128xi32, #tpu.memory_space<hbm>> -> memref<1x80x128xi32, #tpu.memory_space<hbm>>
    %dma_wait3A_56 = tpu.memref_squeeze %dma_wait3A_55 : memref<1x80x128xi32, #tpu.memory_space<hbm>> -> memref<80x128xi32, #tpu.memory_space<hbm>>
    %dma_wait3A_57 = arith.constant 0 : i32
    %dma_wait3A_58 = arith.constant 0 : i32
    %dma_wait3A_59 = tpu.memref_slice %arg4[%add3A, %dma_wait3A_57, %dma_wait3A_58] : memref<32x80x128xi32, #tpu.memory_space<hbm>> -> memref<1x80x128xi32, #tpu.memory_space<hbm>>
    %dma_wait3A_60 = tpu.memref_squeeze %dma_wait3A_59 : memref<1x80x128xi32, #tpu.memory_space<hbm>> -> memref<80x128xi32, #tpu.memory_space<hbm>>
    tpu.wait_dma2 semaphore(%arg12 : memref<!tpu.dma_semaphore, #tpu.memory_space<semaphore_mem>>) src(%dma_wait3A_60 : memref<80x128xi32, #tpu.memory_space<hbm>>) dst(%arg8 : memref<80x128xi32, #tpu.memory_space<vmem>>)
    %dma_wait3A_61 = arith.constant 0 : i32
    %dma_wait3A_62 = tpu.memref_slice %arg10[%mul3A_2, %dma_wait3A_61] : memref<10112x64xf32, #tpu.memory_space<vmem_shared>> -> memref<632x64xf32, #tpu.memory_space<vmem_shared>>
    %dma_wait3A_63 = arith.constant 0 : i32
    %dma_wait3A_64 = tpu.memref_slice %arg5[%mul3A_2, %dma_wait3A_63] : memref<10112x64xf32, #tpu.memory_space<hbm>> -> memref<632x64xf32, #tpu.memory_space<hbm>>
    tpu.wait_dma2 semaphore(%arg12 : memref<!tpu.dma_semaphore, #tpu.memory_space<semaphore_mem>>) src(%dma_wait3A_64 : memref<632x64xf32, #tpu.memory_space<hbm>>) dst(%dma_wait3A_62 : memref<632x64xf32, #tpu.memory_space<vmem_shared>>)
    %barrier3A = arith.constant 0 : index
    tpu.barrier barrier_id(%barrier3A)
    %scan3A = arith.constant 0 : i32
    %scan3A_65 = arith.constant 0 : i32
    %scan3A_66 = arith.constant 40 : i32
    %scan3A_67 = arith.addi %scan3A_65, %scan3A_66 : i32
    %scan3A_68 = arith.constant 2 : i32
    scf.for %scan3A_95 = %scan3A_65 to %scan3A_67 step %scan3A_68  : i32 {
      %jit3A = arith.constant 2 : i32
      %eq3A = arith.constant 0 : i32
      %eq3A_96 = arith.cmpi eq, %jit3A, %eq3A : i32
      %jit3A_97 = arith.constant 1 : i32
      %select_n3A = arith.select %eq3A_96, %jit3A_97, %jit3A : i32
      %rem3A = arith.remsi %scan3A_95, %select_n3A : i32
      %ne3A = arith.constant 0 : i32
      %ne3A_98 = arith.cmpi ne, %rem3A, %ne3A : i32
      %lt3A = arith.constant 0 : i32
      %lt3A_99 = arith.cmpi slt, %rem3A, %lt3A : i32
      %lt3A_100 = arith.constant 0 : i32
      %lt3A_101 = arith.cmpi slt, %select_n3A, %lt3A_100 : i32
      %ne3A_102 = arith.xori %lt3A_99, %lt3A_101 : i1
      %and3A = arith.andi %ne3A_102, %ne3A_98 : i1
      %add3A_103 = arith.addi %rem3A, %select_n3A : i32
      %select_n3A_104 = arith.select %and3A, %add3A_103, %rem3A : i32
      %mul3A_105 = arith.constant 2 : i32
      %mul3A_106 = arith.muli %select_n3A_104, %mul3A_105 : i32
      %add3A_107 = arith.constant 1 : i32
      %add3A_108 = arith.addi %scan3A_95, %add3A_107 : i32
      %jit3A_109 = arith.constant 2 : i32
      %eq3A_110 = arith.constant 0 : i32
      %eq3A_111 = arith.cmpi eq, %jit3A_109, %eq3A_110 : i32
      %jit3A_112 = arith.constant 1 : i32
      %select_n3A_113 = arith.select %eq3A_111, %jit3A_112, %jit3A_109 : i32
      %rem3A_114 = arith.remsi %add3A_108, %select_n3A_113 : i32
      %ne3A_115 = arith.constant 0 : i32
      %ne3A_116 = arith.cmpi ne, %rem3A_114, %ne3A_115 : i32
      %lt3A_117 = arith.constant 0 : i32
      %lt3A_118 = arith.cmpi slt, %rem3A_114, %lt3A_117 : i32
      %lt3A_119 = arith.constant 0 : i32
      %lt3A_120 = arith.cmpi slt, %select_n3A_113, %lt3A_119 : i32
      %ne3A_121 = arith.xori %lt3A_118, %lt3A_120 : i1
      %and3A_122 = arith.andi %ne3A_121, %ne3A_116 : i1
      %add3A_123 = arith.addi %rem3A_114, %select_n3A_113 : i32
      %select_n3A_124 = arith.select %and3A_122, %add3A_123, %rem3A_114 : i32
      %mul3A_125 = arith.constant 2 : i32
      %mul3A_126 = arith.muli %select_n3A_124, %mul3A_125 : i32
      %gt3A = arith.constant 0 : i32
      %gt3A_127 = arith.cmpi sgt, %scan3A_95, %gt3A : i32
      %convert_element_type3A = arith.extui %gt3A_127 : i1 to i32
      %cond3A = arith.constant 0 : i32
      %cond3A_128 = arith.cmpi ne, %convert_element_type3A, %cond3A : i32
      scf.if %cond3A_128 {
        %sub3A = arith.constant 1 : i32
        %sub3A_316 = arith.subi %scan3A_95, %sub3A : i32
        %mul3A_317 = arith.constant 2 : i32
        %mul3A_318 = arith.muli %sub3A_316, %mul3A_317 : i32
        %add3A_319 = arith.constant 0 : i32
        %add3A_320 = arith.addi %mul3A_318, %add3A_319 : i32
        %add3A_321 = arith.constant 0 : i32
        %add3A_322 = arith.addi %mul3A_126, %add3A_321 : i32
        %dma_wait3A_323 = arith.constant 0 : i32
        %dma_wait3A_324 = arith.constant 0 : i32
        %dma_wait3A_325 = tpu.memref_slice %arg9[%add3A_322, %dma_wait3A_323, %dma_wait3A_324] : memref<4x128x64xf32, #tpu.memory_space<vmem>> -> memref<1x128x64xf32, #tpu.memory_space<vmem>>
        %dma_wait3A_326 = tpu.memref_squeeze %dma_wait3A_325 : memref<1x128x64xf32, #tpu.memory_space<vmem>> -> memref<128x64xf32, #tpu.memory_space<vmem>>
        %dma_wait3A_327 = arith.constant 0 : i32
        %dma_wait3A_328 = tpu.memref_slice %arg8[%add3A_320, %dma_wait3A_327] : memref<80x128xi32, #tpu.memory_space<vmem>> -> memref<1x128xi32, #tpu.memory_space<vmem>>
        %dma_wait3A_329 = tpu.memref_squeeze %dma_wait3A_328 : memref<1x128xi32, #tpu.memory_space<vmem>> -> memref<128xi32, #tpu.memory_space<vmem>>
        %dma_wait3A_330 = arith.constant 0 : i32
        %dma_wait3A_331 = arith.constant 0 : i32
        %dma_wait3A_332 = tpu.memref_slice %arg10[%dma_wait3A_330, %dma_wait3A_331] : memref<10112x64xf32, #tpu.memory_space<vmem_shared>> -> memref<10112x64xf32, #tpu.memory_space<vmem_shared>>
        tpu.wait_indirect_dma semaphore(%arg14 : memref<!tpu.dma_semaphore, #tpu.memory_space<semaphore_mem>>) src(%dma_wait3A_326 : memref<128x64xf32, #tpu.memory_space<vmem>>) dst(%dma_wait3A_332 : memref<10112x64xf32, #tpu.memory_space<vmem_shared>>)
        %sub3A_333 = arith.constant 1 : i32
        %sub3A_334 = arith.subi %scan3A_95, %sub3A_333 : i32
        %mul3A_335 = arith.constant 2 : i32
        %mul3A_336 = arith.muli %sub3A_334, %mul3A_335 : i32
        %add3A_337 = arith.constant 1 : i32
        %add3A_338 = arith.addi %mul3A_336, %add3A_337 : i32
        %add3A_339 = arith.constant 1 : i32
        %add3A_340 = arith.addi %mul3A_126, %add3A_339 : i32
        %dma_wait3A_341 = arith.constant 0 : i32
        %dma_wait3A_342 = arith.constant 0 : i32
        %dma_wait3A_343 = tpu.memref_slice %arg9[%add3A_340, %dma_wait3A_341, %dma_wait3A_342] : memref<4x128x64xf32, #tpu.memory_space<vmem>> -> memref<1x128x64xf32, #tpu.memory_space<vmem>>
        %dma_wait3A_344 = tpu.memref_squeeze %dma_wait3A_343 : memref<1x128x64xf32, #tpu.memory_space<vmem>> -> memref<128x64xf32, #tpu.memory_space<vmem>>
        %dma_wait3A_345 = arith.constant 0 : i32
        %dma_wait3A_346 = tpu.memref_slice %arg8[%add3A_338, %dma_wait3A_345] : memref<80x128xi32, #tpu.memory_space<vmem>> -> memref<1x128xi32, #tpu.memory_space<vmem>>
        %dma_wait3A_347 = tpu.memref_squeeze %dma_wait3A_346 : memref<1x128xi32, #tpu.memory_space<vmem>> -> memref<128xi32, #tpu.memory_space<vmem>>
        %dma_wait3A_348 = arith.constant 0 : i32
        %dma_wait3A_349 = arith.constant 0 : i32
        %dma_wait3A_350 = tpu.memref_slice %arg10[%dma_wait3A_348, %dma_wait3A_349] : memref<10112x64xf32, #tpu.memory_space<vmem_shared>> -> memref<10112x64xf32, #tpu.memory_space<vmem_shared>>
        tpu.wait_indirect_dma semaphore(%arg14 : memref<!tpu.dma_semaphore, #tpu.memory_space<semaphore_mem>>) src(%dma_wait3A_344 : memref<128x64xf32, #tpu.memory_space<vmem>>) dst(%dma_wait3A_350 : memref<10112x64xf32, #tpu.memory_space<vmem_shared>>)
      } else {
      }
      %add3A_129 = arith.constant 1 : i32
      %add3A_130 = arith.addi %scan3A_95, %add3A_129 : i32
      %lt3A_131 = arith.constant 40 : i32
      %lt3A_132 = arith.cmpi slt, %add3A_130, %lt3A_131 : i32
      %convert_element_type3A_133 = arith.extui %lt3A_132 : i1 to i32
      %cond3A_134 = arith.constant 0 : i32
      %cond3A_135 = arith.cmpi ne, %convert_element_type3A_133, %cond3A_134 : i32
      scf.if %cond3A_135 {
        %add3A_316 = arith.constant 1 : i32
        %add3A_317 = arith.addi %scan3A_95, %add3A_316 : i32
        %mul3A_318 = arith.constant 2 : i32
        %mul3A_319 = arith.muli %add3A_317, %mul3A_318 : i32
        %add3A_320 = arith.constant 0 : i32
        %add3A_321 = arith.addi %mul3A_319, %add3A_320 : i32
        %add3A_322 = arith.constant 0 : i32
        %add3A_323 = arith.addi %mul3A_126, %add3A_322 : i32
        %dma_start3A_324 = arith.constant 0 : i32
        %dma_start3A_325 = arith.constant 0 : i32
        %dma_start3A_326 = tpu.memref_slice %arg9[%add3A_323, %dma_start3A_324, %dma_start3A_325] : memref<4x128x64xf32, #tpu.memory_space<vmem>> -> memref<1x128x64xf32, #tpu.memory_space<vmem>>
        %dma_start3A_327 = tpu.memref_squeeze %dma_start3A_326 : memref<1x128x64xf32, #tpu.memory_space<vmem>> -> memref<128x64xf32, #tpu.memory_space<vmem>>
        %dma_start3A_328 = arith.constant 0 : i32
        %dma_start3A_329 = tpu.memref_slice %arg7[%add3A_321, %dma_start3A_328] : memref<80x128xi32, #tpu.memory_space<vmem>> -> memref<1x128xi32, #tpu.memory_space<vmem>>
        %dma_start3A_330 = tpu.memref_squeeze %dma_start3A_329 : memref<1x128xi32, #tpu.memory_space<vmem>> -> memref<128xi32, #tpu.memory_space<vmem>>
        %dma_start3A_331 = arith.constant 0 : i32
        %dma_start3A_332 = arith.constant 0 : i32
        %dma_start3A_333 = tpu.memref_slice %arg2[%dma_start3A_331, %dma_start3A_332] : memref<10000x64xf32, #tpu.memory_space<hbm>> -> memref<10000x64xf32, #tpu.memory_space<hbm>>
        tpu.enqueue_indirect_dma source(%dma_start3A_333 : memref<10000x64xf32, #tpu.memory_space<hbm>>) target(%dma_start3A_327 : memref<128x64xf32, #tpu.memory_space<vmem>>) offsets(%dma_start3A_330 : memref<128xi32, #tpu.memory_space<vmem>>) semaphore(%arg13 : memref<!tpu.dma_semaphore, #tpu.memory_space<semaphore_mem>>)
        %add3A_334 = arith.constant 1 : i32
        %add3A_335 = arith.addi %scan3A_95, %add3A_334 : i32
        %mul3A_336 = arith.constant 2 : i32
        %mul3A_337 = arith.muli %add3A_335, %mul3A_336 : i32
        %add3A_338 = arith.constant 1 : i32
        %add3A_339 = arith.addi %mul3A_337, %add3A_338 : i32
        %add3A_340 = arith.constant 1 : i32
        %add3A_341 = arith.addi %mul3A_126, %add3A_340 : i32
        %dma_start3A_342 = arith.constant 0 : i32
        %dma_start3A_343 = arith.constant 0 : i32
        %dma_start3A_344 = tpu.memref_slice %arg9[%add3A_341, %dma_start3A_342, %dma_start3A_343] : memref<4x128x64xf32, #tpu.memory_space<vmem>> -> memref<1x128x64xf32, #tpu.memory_space<vmem>>
        %dma_start3A_345 = tpu.memref_squeeze %dma_start3A_344 : memref<1x128x64xf32, #tpu.memory_space<vmem>> -> memref<128x64xf32, #tpu.memory_space<vmem>>
        %dma_start3A_346 = arith.constant 0 : i32
        %dma_start3A_347 = tpu.memref_slice %arg7[%add3A_339, %dma_start3A_346] : memref<80x128xi32, #tpu.memory_space<vmem>> -> memref<1x128xi32, #tpu.memory_space<vmem>>
        %dma_start3A_348 = tpu.memref_squeeze %dma_start3A_347 : memref<1x128xi32, #tpu.memory_space<vmem>> -> memref<128xi32, #tpu.memory_space<vmem>>
        %dma_start3A_349 = arith.constant 0 : i32
        %dma_start3A_350 = arith.constant 0 : i32
        %dma_start3A_351 = tpu.memref_slice %arg2[%dma_start3A_349, %dma_start3A_350] : memref<10000x64xf32, #tpu.memory_space<hbm>> -> memref<10000x64xf32, #tpu.memory_space<hbm>>
        tpu.enqueue_indirect_dma source(%dma_start3A_351 : memref<10000x64xf32, #tpu.memory_space<hbm>>) target(%dma_start3A_345 : memref<128x64xf32, #tpu.memory_space<vmem>>) offsets(%dma_start3A_348 : memref<128xi32, #tpu.memory_space<vmem>>) semaphore(%arg13 : memref<!tpu.dma_semaphore, #tpu.memory_space<semaphore_mem>>)
      } else {
      }
      %mul3A_136 = arith.constant 2 : i32
      %mul3A_137 = arith.muli %scan3A_95, %mul3A_136 : i32
      %add3A_138 = arith.constant 0 : i32
      %add3A_139 = arith.addi %mul3A_137, %add3A_138 : i32
      %add3A_140 = arith.constant 0 : i32
      %add3A_141 = arith.addi %mul3A_106, %add3A_140 : i32
      %dma_wait3A_142 = arith.constant 0 : i32
      %dma_wait3A_143 = arith.constant 0 : i32
      %dma_wait3A_144 = tpu.memref_slice %arg9[%add3A_141, %dma_wait3A_142, %dma_wait3A_143] : memref<4x128x64xf32, #tpu.memory_space<vmem>> -> memref<1x128x64xf32, #tpu.memory_space<vmem>>
      %dma_wait3A_145 = tpu.memref_squeeze %dma_wait3A_144 : memref<1x128x64xf32, #tpu.memory_space<vmem>> -> memref<128x64xf32, #tpu.memory_space<vmem>>
      %dma_wait3A_146 = arith.constant 0 : i32
      %dma_wait3A_147 = tpu.memref_slice %arg7[%add3A_139, %dma_wait3A_146] : memref<80x128xi32, #tpu.memory_space<vmem>> -> memref<1x128xi32, #tpu.memory_space<vmem>>
      %dma_wait3A_148 = tpu.memref_squeeze %dma_wait3A_147 : memref<1x128xi32, #tpu.memory_space<vmem>> -> memref<128xi32, #tpu.memory_space<vmem>>
      %dma_wait3A_149 = arith.constant 0 : i32
      %dma_wait3A_150 = arith.constant 0 : i32
      %dma_wait3A_151 = tpu.memref_slice %arg2[%dma_wait3A_149, %dma_wait3A_150] : memref<10000x64xf32, #tpu.memory_space<hbm>> -> memref<10000x64xf32, #tpu.memory_space<hbm>>
      tpu.wait_indirect_dma semaphore(%arg13 : memref<!tpu.dma_semaphore, #tpu.memory_space<semaphore_mem>>) src(%dma_wait3A_151 : memref<10000x64xf32, #tpu.memory_space<hbm>>) dst(%dma_wait3A_145 : memref<128x64xf32, #tpu.memory_space<vmem>>)
      %mul3A_152 = arith.constant 2 : i32
      %mul3A_153 = arith.muli %scan3A_95, %mul3A_152 : i32
      %add3A_154 = arith.constant 1 : i32
      %add3A_155 = arith.addi %mul3A_153, %add3A_154 : i32
      %add3A_156 = arith.constant 1 : i32
      %add3A_157 = arith.addi %mul3A_106, %add3A_156 : i32
      %dma_wait3A_158 = arith.constant 0 : i32
      %dma_wait3A_159 = arith.constant 0 : i32
      %dma_wait3A_160 = tpu.memref_slice %arg9[%add3A_157, %dma_wait3A_158, %dma_wait3A_159] : memref<4x128x64xf32, #tpu.memory_space<vmem>> -> memref<1x128x64xf32, #tpu.memory_space<vmem>>
      %dma_wait3A_161 = tpu.memref_squeeze %dma_wait3A_160 : memref<1x128x64xf32, #tpu.memory_space<vmem>> -> memref<128x64xf32, #tpu.memory_space<vmem>>
      %dma_wait3A_162 = arith.constant 0 : i32
      %dma_wait3A_163 = tpu.memref_slice %arg7[%add3A_155, %dma_wait3A_162] : memref<80x128xi32, #tpu.memory_space<vmem>> -> memref<1x128xi32, #tpu.memory_space<vmem>>
      %dma_wait3A_164 = tpu.memref_squeeze %dma_wait3A_163 : memref<1x128xi32, #tpu.memory_space<vmem>> -> memref<128xi32, #tpu.memory_space<vmem>>
      %dma_wait3A_165 = arith.constant 0 : i32
      %dma_wait3A_166 = arith.constant 0 : i32
      %dma_wait3A_167 = tpu.memref_slice %arg2[%dma_wait3A_165, %dma_wait3A_166] : memref<10000x64xf32, #tpu.memory_space<hbm>> -> memref<10000x64xf32, #tpu.memory_space<hbm>>
      tpu.wait_indirect_dma semaphore(%arg13 : memref<!tpu.dma_semaphore, #tpu.memory_space<semaphore_mem>>) src(%dma_wait3A_167 : memref<10000x64xf32, #tpu.memory_space<hbm>>) dst(%dma_wait3A_161 : memref<128x64xf32, #tpu.memory_space<vmem>>)
      %mul3A_168 = arith.constant 2 : i32
      %mul3A_169 = arith.muli %scan3A_95, %mul3A_168 : i32
      %add3A_170 = arith.constant 0 : i32
      %add3A_171 = arith.addi %mul3A_169, %add3A_170 : i32
      %add3A_172 = arith.constant 0 : i32
      %add3A_173 = arith.addi %mul3A_106, %add3A_172 : i32
      %dma_start3A_174 = arith.constant 0 : i32
      %dma_start3A_175 = arith.constant 0 : i32
      %dma_start3A_176 = tpu.memref_slice %arg9[%add3A_173, %dma_start3A_174, %dma_start3A_175] : memref<4x128x64xf32, #tpu.memory_space<vmem>> -> memref<1x128x64xf32, #tpu.memory_space<vmem>>
      %dma_start3A_177 = tpu.memref_squeeze %dma_start3A_176 : memref<1x128x64xf32, #tpu.memory_space<vmem>> -> memref<128x64xf32, #tpu.memory_space<vmem>>
      %dma_start3A_178 = arith.constant 0 : i32
      %dma_start3A_179 = tpu.memref_slice %arg8[%add3A_171, %dma_start3A_178] : memref<80x128xi32, #tpu.memory_space<vmem>> -> memref<1x128xi32, #tpu.memory_space<vmem>>
      %dma_start3A_180 = tpu.memref_squeeze %dma_start3A_179 : memref<1x128xi32, #tpu.memory_space<vmem>> -> memref<128xi32, #tpu.memory_space<vmem>>
      %dma_start3A_181 = arith.constant 0 : i32
      %dma_start3A_182 = arith.constant 0 : i32
      %dma_start3A_183 = tpu.memref_slice %arg10[%dma_start3A_181, %dma_start3A_182] : memref<10112x64xf32, #tpu.memory_space<vmem_shared>> -> memref<10112x64xf32, #tpu.memory_space<vmem_shared>>
      tpu.enqueue_indirect_dma source(%dma_start3A_177 : memref<128x64xf32, #tpu.memory_space<vmem>>) target(%dma_start3A_183 : memref<10112x64xf32, #tpu.memory_space<vmem_shared>>) offsets(%dma_start3A_180 : memref<128xi32, #tpu.memory_space<vmem>>) semaphore(%arg14 : memref<!tpu.dma_semaphore, #tpu.memory_space<semaphore_mem>>) {add = true}
      %mul3A_184 = arith.constant 2 : i32
      %mul3A_185 = arith.muli %scan3A_95, %mul3A_184 : i32
      %add3A_186 = arith.constant 1 : i32
      %add3A_187 = arith.addi %mul3A_185, %add3A_186 : i32
      %add3A_188 = arith.constant 1 : i32
      %add3A_189 = arith.addi %mul3A_106, %add3A_188 : i32
      %dma_start3A_190 = arith.constant 0 : i32
      %dma_start3A_191 = arith.constant 0 : i32
      %dma_start3A_192 = tpu.memref_slice %arg9[%add3A_189, %dma_start3A_190, %dma_start3A_191] : memref<4x128x64xf32, #tpu.memory_space<vmem>> -> memref<1x128x64xf32, #tpu.memory_space<vmem>>
      %dma_start3A_193 = tpu.memref_squeeze %dma_start3A_192 : memref<1x128x64xf32, #tpu.memory_space<vmem>> -> memref<128x64xf32, #tpu.memory_space<vmem>>
      %dma_start3A_194 = arith.constant 0 : i32
      %dma_start3A_195 = tpu.memref_slice %arg8[%add3A_187, %dma_start3A_194] : memref<80x128xi32, #tpu.memory_space<vmem>> -> memref<1x128xi32, #tpu.memory_space<vmem>>
      %dma_start3A_196 = tpu.memref_squeeze %dma_start3A_195 : memref<1x128xi32, #tpu.memory_space<vmem>> -> memref<128xi32, #tpu.memory_space<vmem>>
      %dma_start3A_197 = arith.constant 0 : i32
      %dma_start3A_198 = arith.constant 0 : i32
      %dma_start3A_199 = tpu.memref_slice %arg10[%dma_start3A_197, %dma_start3A_198] : memref<10112x64xf32, #tpu.memory_space<vmem_shared>> -> memref<10112x64xf32, #tpu.memory_space<vmem_shared>>
      tpu.enqueue_indirect_dma source(%dma_start3A_193 : memref<128x64xf32, #tpu.memory_space<vmem>>) target(%dma_start3A_199 : memref<10112x64xf32, #tpu.memory_space<vmem_shared>>) offsets(%dma_start3A_196 : memref<128xi32, #tpu.memory_space<vmem>>) semaphore(%arg14 : memref<!tpu.dma_semaphore, #tpu.memory_space<semaphore_mem>>) {add = true}
      %scan3A_200 = arith.constant 1 : i32
      %scan3A_201 = arith.addi %scan3A_95, %scan3A_200 : i32
      %jit3A_202 = arith.constant 2 : i32
      %eq3A_203 = arith.constant 0 : i32
      %eq3A_204 = arith.cmpi eq, %jit3A_202, %eq3A_203 : i32
      %jit3A_205 = arith.constant 1 : i32
      %select_n3A_206 = arith.select %eq3A_204, %jit3A_205, %jit3A_202 : i32
      %rem3A_207 = arith.remsi %scan3A_201, %select_n3A_206 : i32
      %ne3A_208 = arith.constant 0 : i32
      %ne3A_209 = arith.cmpi ne, %rem3A_207, %ne3A_208 : i32
      %lt3A_210 = arith.constant 0 : i32
      %lt3A_211 = arith.cmpi slt, %rem3A_207, %lt3A_210 : i32
      %lt3A_212 = arith.constant 0 : i32
      %lt3A_213 = arith.cmpi slt, %select_n3A_206, %lt3A_212 : i32
      %ne3A_214 = arith.xori %lt3A_211, %lt3A_213 : i1
      %and3A_215 = arith.andi %ne3A_214, %ne3A_209 : i1
      %add3A_216 = arith.addi %rem3A_207, %select_n3A_206 : i32
      %select_n3A_217 = arith.select %and3A_215, %add3A_216, %rem3A_207 : i32
      %mul3A_218 = arith.constant 2 : i32
      %mul3A_219 = arith.muli %select_n3A_217, %mul3A_218 : i32
      %add3A_220 = arith.constant 1 : i32
      %add3A_221 = arith.addi %scan3A_201, %add3A_220 : i32
      %jit3A_222 = arith.constant 2 : i32
      %eq3A_223 = arith.constant 0 : i32
      %eq3A_224 = arith.cmpi eq, %jit3A_222, %eq3A_223 : i32
      %jit3A_225 = arith.constant 1 : i32
      %select_n3A_226 = arith.select %eq3A_224, %jit3A_225, %jit3A_222 : i32
      %rem3A_227 = arith.remsi %add3A_221, %select_n3A_226 : i32
      %ne3A_228 = arith.constant 0 : i32
      %ne3A_229 = arith.cmpi ne, %rem3A_227, %ne3A_228 : i32
      %lt3A_230 = arith.constant 0 : i32
      %lt3A_231 = arith.cmpi slt, %rem3A_227, %lt3A_230 : i32
      %lt3A_232 = arith.constant 0 : i32
      %lt3A_233 = arith.cmpi slt, %select_n3A_226, %lt3A_232 : i32
      %ne3A_234 = arith.xori %lt3A_231, %lt3A_233 : i1
      %and3A_235 = arith.andi %ne3A_234, %ne3A_229 : i1
      %add3A_236 = arith.addi %rem3A_227, %select_n3A_226 : i32
      %select_n3A_237 = arith.select %and3A_235, %add3A_236, %rem3A_227 : i32
      %mul3A_238 = arith.constant 2 : i32
      %mul3A_239 = arith.muli %select_n3A_237, %mul3A_238 : i32
      %gt3A_240 = arith.constant 0 : i32
      %gt3A_241 = arith.cmpi sgt, %scan3A_201, %gt3A_240 : i32
      %convert_element_type3A_242 = arith.extui %gt3A_241 : i1 to i32
      %cond3A_243 = arith.constant 0 : i32
      %cond3A_244 = arith.cmpi ne, %convert_element_type3A_242, %cond3A_243 : i32
      scf.if %cond3A_244 {
        %sub3A = arith.constant 1 : i32
        %sub3A_316 = arith.subi %scan3A_201, %sub3A : i32
        %mul3A_317 = arith.constant 2 : i32
        %mul3A_318 = arith.muli %sub3A_316, %mul3A_317 : i32
        %add3A_319 = arith.constant 0 : i32
        %add3A_320 = arith.addi %mul3A_318, %add3A_319 : i32
        %add3A_321 = arith.constant 0 : i32
        %add3A_322 = arith.addi %mul3A_239, %add3A_321 : i32
        %dma_wait3A_323 = arith.constant 0 : i32
        %dma_wait3A_324 = arith.constant 0 : i32
        %dma_wait3A_325 = tpu.memref_slice %arg9[%add3A_322, %dma_wait3A_323, %dma_wait3A_324] : memref<4x128x64xf32, #tpu.memory_space<vmem>> -> memref<1x128x64xf32, #tpu.memory_space<vmem>>
        %dma_wait3A_326 = tpu.memref_squeeze %dma_wait3A_325 : memref<1x128x64xf32, #tpu.memory_space<vmem>> -> memref<128x64xf32, #tpu.memory_space<vmem>>
        %dma_wait3A_327 = arith.constant 0 : i32
        %dma_wait3A_328 = tpu.memref_slice %arg8[%add3A_320, %dma_wait3A_327] : memref<80x128xi32, #tpu.memory_space<vmem>> -> memref<1x128xi32, #tpu.memory_space<vmem>>
        %dma_wait3A_329 = tpu.memref_squeeze %dma_wait3A_328 : memref<1x128xi32, #tpu.memory_space<vmem>> -> memref<128xi32, #tpu.memory_space<vmem>>
        %dma_wait3A_330 = arith.constant 0 : i32
        %dma_wait3A_331 = arith.constant 0 : i32
        %dma_wait3A_332 = tpu.memref_slice %arg10[%dma_wait3A_330, %dma_wait3A_331] : memref<10112x64xf32, #tpu.memory_space<vmem_shared>> -> memref<10112x64xf32, #tpu.memory_space<vmem_shared>>
        tpu.wait_indirect_dma semaphore(%arg14 : memref<!tpu.dma_semaphore, #tpu.memory_space<semaphore_mem>>) src(%dma_wait3A_326 : memref<128x64xf32, #tpu.memory_space<vmem>>) dst(%dma_wait3A_332 : memref<10112x64xf32, #tpu.memory_space<vmem_shared>>)
        %sub3A_333 = arith.constant 1 : i32
        %sub3A_334 = arith.subi %scan3A_201, %sub3A_333 : i32
        %mul3A_335 = arith.constant 2 : i32
        %mul3A_336 = arith.muli %sub3A_334, %mul3A_335 : i32
        %add3A_337 = arith.constant 1 : i32
        %add3A_338 = arith.addi %mul3A_336, %add3A_337 : i32
        %add3A_339 = arith.constant 1 : i32
        %add3A_340 = arith.addi %mul3A_239, %add3A_339 : i32
        %dma_wait3A_341 = arith.constant 0 : i32
        %dma_wait3A_342 = arith.constant 0 : i32
        %dma_wait3A_343 = tpu.memref_slice %arg9[%add3A_340, %dma_wait3A_341, %dma_wait3A_342] : memref<4x128x64xf32, #tpu.memory_space<vmem>> -> memref<1x128x64xf32, #tpu.memory_space<vmem>>
        %dma_wait3A_344 = tpu.memref_squeeze %dma_wait3A_343 : memref<1x128x64xf32, #tpu.memory_space<vmem>> -> memref<128x64xf32, #tpu.memory_space<vmem>>
        %dma_wait3A_345 = arith.constant 0 : i32
        %dma_wait3A_346 = tpu.memref_slice %arg8[%add3A_338, %dma_wait3A_345] : memref<80x128xi32, #tpu.memory_space<vmem>> -> memref<1x128xi32, #tpu.memory_space<vmem>>
        %dma_wait3A_347 = tpu.memref_squeeze %dma_wait3A_346 : memref<1x128xi32, #tpu.memory_space<vmem>> -> memref<128xi32, #tpu.memory_space<vmem>>
        %dma_wait3A_348 = arith.constant 0 : i32
        %dma_wait3A_349 = arith.constant 0 : i32
        %dma_wait3A_350 = tpu.memref_slice %arg10[%dma_wait3A_348, %dma_wait3A_349] : memref<10112x64xf32, #tpu.memory_space<vmem_shared>> -> memref<10112x64xf32, #tpu.memory_space<vmem_shared>>
        tpu.wait_indirect_dma semaphore(%arg14 : memref<!tpu.dma_semaphore, #tpu.memory_space<semaphore_mem>>) src(%dma_wait3A_344 : memref<128x64xf32, #tpu.memory_space<vmem>>) dst(%dma_wait3A_350 : memref<10112x64xf32, #tpu.memory_space<vmem_shared>>)
      } else {
      }
      %add3A_245 = arith.constant 1 : i32
      %add3A_246 = arith.addi %scan3A_201, %add3A_245 : i32
      %lt3A_247 = arith.constant 40 : i32
      %lt3A_248 = arith.cmpi slt, %add3A_246, %lt3A_247 : i32
      %convert_element_type3A_249 = arith.extui %lt3A_248 : i1 to i32
      %cond3A_250 = arith.constant 0 : i32
      %cond3A_251 = arith.cmpi ne, %convert_element_type3A_249, %cond3A_250 : i32
      scf.if %cond3A_251 {
        %add3A_316 = arith.constant 1 : i32
        %add3A_317 = arith.addi %scan3A_201, %add3A_316 : i32
        %mul3A_318 = arith.constant 2 : i32
        %mul3A_319 = arith.muli %add3A_317, %mul3A_318 : i32
        %add3A_320 = arith.constant 0 : i32
        %add3A_321 = arith.addi %mul3A_319, %add3A_320 : i32
        %add3A_322 = arith.constant 0 : i32
        %add3A_323 = arith.addi %mul3A_239, %add3A_322 : i32
        %dma_start3A_324 = arith.constant 0 : i32
        %dma_start3A_325 = arith.constant 0 : i32
        %dma_start3A_326 = tpu.memref_slice %arg9[%add3A_323, %dma_start3A_324, %dma_start3A_325] : memref<4x128x64xf32, #tpu.memory_space<vmem>> -> memref<1x128x64xf32, #tpu.memory_space<vmem>>
        %dma_start3A_327 = tpu.memref_squeeze %dma_start3A_326 : memref<1x128x64xf32, #tpu.memory_space<vmem>> -> memref<128x64xf32, #tpu.memory_space<vmem>>
        %dma_start3A_328 = arith.constant 0 : i32
        %dma_start3A_329 = tpu.memref_slice %arg7[%add3A_321, %dma_start3A_328] : memref<80x128xi32, #tpu.memory_space<vmem>> -> memref<1x128xi32, #tpu.memory_space<vmem>>
        %dma_start3A_330 = tpu.memref_squeeze %dma_start3A_329 : memref<1x128xi32, #tpu.memory_space<vmem>> -> memref<128xi32, #tpu.memory_space<vmem>>
        %dma_start3A_331 = arith.constant 0 : i32
        %dma_start3A_332 = arith.constant 0 : i32
        %dma_start3A_333 = tpu.memref_slice %arg2[%dma_start3A_331, %dma_start3A_332] : memref<10000x64xf32, #tpu.memory_space<hbm>> -> memref<10000x64xf32, #tpu.memory_space<hbm>>
        tpu.enqueue_indirect_dma source(%dma_start3A_333 : memref<10000x64xf32, #tpu.memory_space<hbm>>) target(%dma_start3A_327 : memref<128x64xf32, #tpu.memory_space<vmem>>) offsets(%dma_start3A_330 : memref<128xi32, #tpu.memory_space<vmem>>) semaphore(%arg13 : memref<!tpu.dma_semaphore, #tpu.memory_space<semaphore_mem>>)
        %add3A_334 = arith.constant 1 : i32
        %add3A_335 = arith.addi %scan3A_201, %add3A_334 : i32
        %mul3A_336 = arith.constant 2 : i32
        %mul3A_337 = arith.muli %add3A_335, %mul3A_336 : i32
        %add3A_338 = arith.constant 1 : i32
        %add3A_339 = arith.addi %mul3A_337, %add3A_338 : i32
        %add3A_340 = arith.constant 1 : i32
        %add3A_341 = arith.addi %mul3A_239, %add3A_340 : i32
        %dma_start3A_342 = arith.constant 0 : i32
        %dma_start3A_343 = arith.constant 0 : i32
        %dma_start3A_344 = tpu.memref_slice %arg9[%add3A_341, %dma_start3A_342, %dma_start3A_343] : memref<4x128x64xf32, #tpu.memory_space<vmem>> -> memref<1x128x64xf32, #tpu.memory_space<vmem>>
        %dma_start3A_345 = tpu.memref_squeeze %dma_start3A_344 : memref<1x128x64xf32, #tpu.memory_space<vmem>> -> memref<128x64xf32, #tpu.memory_space<vmem>>
        %dma_start3A_346 = arith.constant 0 : i32
        %dma_start3A_347 = tpu.memref_slice %arg7[%add3A_339, %dma_start3A_346] : memref<80x128xi32, #tpu.memory_space<vmem>> -> memref<1x128xi32, #tpu.memory_space<vmem>>
        %dma_start3A_348 = tpu.memref_squeeze %dma_start3A_347 : memref<1x128xi32, #tpu.memory_space<vmem>> -> memref<128xi32, #tpu.memory_space<vmem>>
        %dma_start3A_349 = arith.constant 0 : i32
        %dma_start3A_350 = arith.constant 0 : i32
        %dma_start3A_351 = tpu.memref_slice %arg2[%dma_start3A_349, %dma_start3A_350] : memref<10000x64xf32, #tpu.memory_space<hbm>> -> memref<10000x64xf32, #tpu.memory_space<hbm>>
        tpu.enqueue_indirect_dma source(%dma_start3A_351 : memref<10000x64xf32, #tpu.memory_space<hbm>>) target(%dma_start3A_345 : memref<128x64xf32, #tpu.memory_space<vmem>>) offsets(%dma_start3A_348 : memref<128xi32, #tpu.memory_space<vmem>>) semaphore(%arg13 : memref<!tpu.dma_semaphore, #tpu.memory_space<semaphore_mem>>)
      } else {
      }
      %mul3A_252 = arith.constant 2 : i32
      %mul3A_253 = arith.muli %scan3A_201, %mul3A_252 : i32
      %add3A_254 = arith.constant 0 : i32
      %add3A_255 = arith.addi %mul3A_253, %add3A_254 : i32
      %add3A_256 = arith.constant 0 : i32
      %add3A_257 = arith.addi %mul3A_219, %add3A_256 : i32
      %dma_wait3A_258 = arith.constant 0 : i32
      %dma_wait3A_259 = arith.constant 0 : i32
      %dma_wait3A_260 = tpu.memref_slice %arg9[%add3A_257, %dma_wait3A_258, %dma_wait3A_259] : memref<4x128x64xf32, #tpu.memory_space<vmem>> -> memref<1x128x64xf32, #tpu.memory_space<vmem>>
      %dma_wait3A_261 = tpu.memref_squeeze %dma_wait3A_260 : memref<1x128x64xf32, #tpu.memory_space<vmem>> -> memref<128x64xf32, #tpu.memory_space<vmem>>
      %dma_wait3A_262 = arith.constant 0 : i32
      %dma_wait3A_263 = tpu.memref_slice %arg7[%add3A_255, %dma_wait3A_262] : memref<80x128xi32, #tpu.memory_space<vmem>> -> memref<1x128xi32, #tpu.memory_space<vmem>>
      %dma_wait3A_264 = tpu.memref_squeeze %dma_wait3A_263 : memref<1x128xi32, #tpu.memory_space<vmem>> -> memref<128xi32, #tpu.memory_space<vmem>>
      %dma_wait3A_265 = arith.constant 0 : i32
      %dma_wait3A_266 = arith.constant 0 : i32
      %dma_wait3A_267 = tpu.memref_slice %arg2[%dma_wait3A_265, %dma_wait3A_266] : memref<10000x64xf32, #tpu.memory_space<hbm>> -> memref<10000x64xf32, #tpu.memory_space<hbm>>
      tpu.wait_indirect_dma semaphore(%arg13 : memref<!tpu.dma_semaphore, #tpu.memory_space<semaphore_mem>>) src(%dma_wait3A_267 : memref<10000x64xf32, #tpu.memory_space<hbm>>) dst(%dma_wait3A_261 : memref<128x64xf32, #tpu.memory_space<vmem>>)
      %mul3A_268 = arith.constant 2 : i32
      %mul3A_269 = arith.muli %scan3A_201, %mul3A_268 : i32
      %add3A_270 = arith.constant 1 : i32
      %add3A_271 = arith.addi %mul3A_269, %add3A_270 : i32
      %add3A_272 = arith.constant 1 : i32
      %add3A_273 = arith.addi %mul3A_219, %add3A_272 : i32
      %dma_wait3A_274 = arith.constant 0 : i32
      %dma_wait3A_275 = arith.constant 0 : i32
      %dma_wait3A_276 = tpu.memref_slice %arg9[%add3A_273, %dma_wait3A_274, %dma_wait3A_275] : memref<4x128x64xf32, #tpu.memory_space<vmem>> -> memref<1x128x64xf32, #tpu.memory_space<vmem>>
      %dma_wait3A_277 = tpu.memref_squeeze %dma_wait3A_276 : memref<1x128x64xf32, #tpu.memory_space<vmem>> -> memref<128x64xf32, #tpu.memory_space<vmem>>
      %dma_wait3A_278 = arith.constant 0 : i32
      %dma_wait3A_279 = tpu.memref_slice %arg7[%add3A_271, %dma_wait3A_278] : memref<80x128xi32, #tpu.memory_space<vmem>> -> memref<1x128xi32, #tpu.memory_space<vmem>>
      %dma_wait3A_280 = tpu.memref_squeeze %dma_wait3A_279 : memref<1x128xi32, #tpu.memory_space<vmem>> -> memref<128xi32, #tpu.memory_space<vmem>>
      %dma_wait3A_281 = arith.constant 0 : i32
      %dma_wait3A_282 = arith.constant 0 : i32
      %dma_wait3A_283 = tpu.memref_slice %arg2[%dma_wait3A_281, %dma_wait3A_282] : memref<10000x64xf32, #tpu.memory_space<hbm>> -> memref<10000x64xf32, #tpu.memory_space<hbm>>
      tpu.wait_indirect_dma semaphore(%arg13 : memref<!tpu.dma_semaphore, #tpu.memory_space<semaphore_mem>>) src(%dma_wait3A_283 : memref<10000x64xf32, #tpu.memory_space<hbm>>) dst(%dma_wait3A_277 : memref<128x64xf32, #tpu.memory_space<vmem>>)
      %mul3A_284 = arith.constant 2 : i32
      %mul3A_285 = arith.muli %scan3A_201, %mul3A_284 : i32
      %add3A_286 = arith.constant 0 : i32
      %add3A_287 = arith.addi %mul3A_285, %add3A_286 : i32
      %add3A_288 = arith.constant 0 : i32
      %add3A_289 = arith.addi %mul3A_219, %add3A_288 : i32
      %dma_start3A_290 = arith.constant 0 : i32
      %dma_start3A_291 = arith.constant 0 : i32
      %dma_start3A_292 = tpu.memref_slice %arg9[%add3A_289, %dma_start3A_290, %dma_start3A_291] : memref<4x128x64xf32, #tpu.memory_space<vmem>> -> memref<1x128x64xf32, #tpu.memory_space<vmem>>
      %dma_start3A_293 = tpu.memref_squeeze %dma_start3A_292 : memref<1x128x64xf32, #tpu.memory_space<vmem>> -> memref<128x64xf32, #tpu.memory_space<vmem>>
      %dma_start3A_294 = arith.constant 0 : i32
      %dma_start3A_295 = tpu.memref_slice %arg8[%add3A_287, %dma_start3A_294] : memref<80x128xi32, #tpu.memory_space<vmem>> -> memref<1x128xi32, #tpu.memory_space<vmem>>
      %dma_start3A_296 = tpu.memref_squeeze %dma_start3A_295 : memref<1x128xi32, #tpu.memory_space<vmem>> -> memref<128xi32, #tpu.memory_space<vmem>>
      %dma_start3A_297 = arith.constant 0 : i32
      %dma_start3A_298 = arith.constant 0 : i32
      %dma_start3A_299 = tpu.memref_slice %arg10[%dma_start3A_297, %dma_start3A_298] : memref<10112x64xf32, #tpu.memory_space<vmem_shared>> -> memref<10112x64xf32, #tpu.memory_space<vmem_shared>>
      tpu.enqueue_indirect_dma source(%dma_start3A_293 : memref<128x64xf32, #tpu.memory_space<vmem>>) target(%dma_start3A_299 : memref<10112x64xf32, #tpu.memory_space<vmem_shared>>) offsets(%dma_start3A_296 : memref<128xi32, #tpu.memory_space<vmem>>) semaphore(%arg14 : memref<!tpu.dma_semaphore, #tpu.memory_space<semaphore_mem>>) {add = true}
      %mul3A_300 = arith.constant 2 : i32
      %mul3A_301 = arith.muli %scan3A_201, %mul3A_300 : i32
      %add3A_302 = arith.constant 1 : i32
      %add3A_303 = arith.addi %mul3A_301, %add3A_302 : i32
      %add3A_304 = arith.constant 1 : i32
      %add3A_305 = arith.addi %mul3A_219, %add3A_304 : i32
      %dma_start3A_306 = arith.constant 0 : i32
      %dma_start3A_307 = arith.constant 0 : i32
      %dma_start3A_308 = tpu.memref_slice %arg9[%add3A_305, %dma_start3A_306, %dma_start3A_307] : memref<4x128x64xf32, #tpu.memory_space<vmem>> -> memref<1x128x64xf32, #tpu.memory_space<vmem>>
      %dma_start3A_309 = tpu.memref_squeeze %dma_start3A_308 : memref<1x128x64xf32, #tpu.memory_space<vmem>> -> memref<128x64xf32, #tpu.memory_space<vmem>>
      %dma_start3A_310 = arith.constant 0 : i32
      %dma_start3A_311 = tpu.memref_slice %arg8[%add3A_303, %dma_start3A_310] : memref<80x128xi32, #tpu.memory_space<vmem>> -> memref<1x128xi32, #tpu.memory_space<vmem>>
      %dma_start3A_312 = tpu.memref_squeeze %dma_start3A_311 : memref<1x128xi32, #tpu.memory_space<vmem>> -> memref<128xi32, #tpu.memory_space<vmem>>
      %dma_start3A_313 = arith.constant 0 : i32
      %dma_start3A_314 = arith.constant 0 : i32
      %dma_start3A_315 = tpu.memref_slice %arg10[%dma_start3A_313, %dma_start3A_314] : memref<10112x64xf32, #tpu.memory_space<vmem_shared>> -> memref<10112x64xf32, #tpu.memory_space<vmem_shared>>
      tpu.enqueue_indirect_dma source(%dma_start3A_309 : memref<128x64xf32, #tpu.memory_space<vmem>>) target(%dma_start3A_315 : memref<10112x64xf32, #tpu.memory_space<vmem_shared>>) offsets(%dma_start3A_312 : memref<128xi32, #tpu.memory_space<vmem>>) semaphore(%arg14 : memref<!tpu.dma_semaphore, #tpu.memory_space<semaphore_mem>>) {add = true}
    }
    %scan3A_69 = arith.constant 40 : i32
    %dma_wait3A_70 = arith.constant 2 : i32
    %dma_wait3A_71 = arith.constant 78 : i32
    %dma_wait3A_72 = arith.constant 0 : i32
    %dma_wait3A_73 = arith.constant 0 : i32
    %dma_wait3A_74 = tpu.memref_slice %arg9[%dma_wait3A_70, %dma_wait3A_72, %dma_wait3A_73] : memref<4x128x64xf32, #tpu.memory_space<vmem>> -> memref<1x128x64xf32, #tpu.memory_space<vmem>>
    %dma_wait3A_75 = tpu.memref_squeeze %dma_wait3A_74 : memref<1x128x64xf32, #tpu.memory_space<vmem>> -> memref<128x64xf32, #tpu.memory_space<vmem>>
    %dma_wait3A_76 = arith.constant 0 : i32
    %dma_wait3A_77 = tpu.memref_slice %arg8[%dma_wait3A_71, %dma_wait3A_76] : memref<80x128xi32, #tpu.memory_space<vmem>> -> memref<1x128xi32, #tpu.memory_space<vmem>>
    %dma_wait3A_78 = tpu.memref_squeeze %dma_wait3A_77 : memref<1x128xi32, #tpu.memory_space<vmem>> -> memref<128xi32, #tpu.memory_space<vmem>>
    %dma_wait3A_79 = arith.constant 0 : i32
    %dma_wait3A_80 = arith.constant 0 : i32
    %dma_wait3A_81 = tpu.memref_slice %arg10[%dma_wait3A_79, %dma_wait3A_80] : memref<10112x64xf32, #tpu.memory_space<vmem_shared>> -> memref<10112x64xf32, #tpu.memory_space<vmem_shared>>
    tpu.wait_indirect_dma semaphore(%arg14 : memref<!tpu.dma_semaphore, #tpu.memory_space<semaphore_mem>>) src(%dma_wait3A_75 : memref<128x64xf32, #tpu.memory_space<vmem>>) dst(%dma_wait3A_81 : memref<10112x64xf32, #tpu.memory_space<vmem_shared>>)
    %dma_wait3A_82 = arith.constant 3 : i32
    %dma_wait3A_83 = arith.constant 79 : i32
    %dma_wait3A_84 = arith.constant 0 : i32
    %dma_wait3A_85 = arith.constant 0 : i32
    %dma_wait3A_86 = tpu.memref_slice %arg9[%dma_wait3A_82, %dma_wait3A_84, %dma_wait3A_85] : memref<4x128x64xf32, #tpu.memory_space<vmem>> -> memref<1x128x64xf32, #tpu.memory_space<vmem>>
    %dma_wait3A_87 = tpu.memref_squeeze %dma_wait3A_86 : memref<1x128x64xf32, #tpu.memory_space<vmem>> -> memref<128x64xf32, #tpu.memory_space<vmem>>
    %dma_wait3A_88 = arith.constant 0 : i32
    %dma_wait3A_89 = tpu.memref_slice %arg8[%dma_wait3A_83, %dma_wait3A_88] : memref<80x128xi32, #tpu.memory_space<vmem>> -> memref<1x128xi32, #tpu.memory_space<vmem>>
    %dma_wait3A_90 = tpu.memref_squeeze %dma_wait3A_89 : memref<1x128xi32, #tpu.memory_space<vmem>> -> memref<128xi32, #tpu.memory_space<vmem>>
    %dma_wait3A_91 = arith.constant 0 : i32
    %dma_wait3A_92 = arith.constant 0 : i32
    %dma_wait3A_93 = tpu.memref_slice %arg10[%dma_wait3A_91, %dma_wait3A_92] : memref<10112x64xf32, #tpu.memory_space<vmem_shared>> -> memref<10112x64xf32, #tpu.memory_space<vmem_shared>>
    tpu.wait_indirect_dma semaphore(%arg14 : memref<!tpu.dma_semaphore, #tpu.memory_space<semaphore_mem>>) src(%dma_wait3A_87 : memref<128x64xf32, #tpu.memory_space<vmem>>) dst(%dma_wait3A_93 : memref<10112x64xf32, #tpu.memory_space<vmem_shared>>)
    %barrier3A_94 = arith.constant 0 : index
    tpu.barrier barrier_id(%barrier3A_94)
    "tpu.region"() ({
      %run_scoped3A = tpu.sem_alloc : memref<!tpu.dma_semaphore, #tpu.memory_space<semaphore_mem>>
      %dma_start3A_95 = arith.constant 0 : i32
      %dma_start3A_96 = tpu.memref_slice %arg6[%arg0, %mul3A_2, %dma_start3A_95] : memref<2x10112x64xf32, #tpu.memory_space<hbm>> -> memref<1x632x64xf32, #tpu.memory_space<hbm>>
      %dma_start3A_97 = tpu.memref_squeeze %dma_start3A_96 : memref<1x632x64xf32, #tpu.memory_space<hbm>> -> memref<632x64xf32, #tpu.memory_space<hbm>>
      %dma_start3A_98 = arith.constant 0 : i32
      %dma_start3A_99 = tpu.memref_slice %arg10[%mul3A_2, %dma_start3A_98] : memref<10112x64xf32, #tpu.memory_space<vmem_shared>> -> memref<632x64xf32, #tpu.memory_space<vmem_shared>>
      tpu.enqueue_dma source(%dma_start3A_99 : memref<632x64xf32, #tpu.memory_space<vmem_shared>>) target(%dma_start3A_97 : memref<632x64xf32, #tpu.memory_space<hbm>>) target_semaphore(%run_scoped3A : memref<!tpu.dma_semaphore, #tpu.memory_space<semaphore_mem>>)
      %dma_wait3A_100 = arith.constant 0 : i32
      %dma_wait3A_101 = tpu.memref_slice %arg6[%arg0, %mul3A_2, %dma_wait3A_100] : memref<2x10112x64xf32, #tpu.memory_space<hbm>> -> memref<1x632x64xf32, #tpu.memory_space<hbm>>
      %dma_wait3A_102 = tpu.memref_squeeze %dma_wait3A_101 : memref<1x632x64xf32, #tpu.memory_space<hbm>> -> memref<632x64xf32, #tpu.memory_space<hbm>>
      %dma_wait3A_103 = arith.constant 0 : i32
      %dma_wait3A_104 = tpu.memref_slice %arg10[%mul3A_2, %dma_wait3A_103] : memref<10112x64xf32, #tpu.memory_space<vmem_shared>> -> memref<632x64xf32, #tpu.memory_space<vmem_shared>>
      tpu.wait_dma2 semaphore(%run_scoped3A : memref<!tpu.dma_semaphore, #tpu.memory_space<semaphore_mem>>) src(%dma_wait3A_104 : memref<632x64xf32, #tpu.memory_space<vmem_shared>>) dst(%dma_wait3A_102 : memref<632x64xf32, #tpu.memory_space<hbm>>)
      tpu.yield
    }) : () -> ()
    return
  }
}

#map = affine_map<(d0, d1) -> (0, 0)>
#map1 = affine_map<(d0, d1) -> (0, 0, 0)>
module attributes {stable_mosaic.version = 14 : i64} {
  func.func @_sc_edge_body(%arg0: i32, %arg1: i32, %arg2: memref<10000x64xf32, #tpu.memory_space<hbm>>, %arg3: memref<32x80x128xi32, #tpu.memory_space<hbm>>, %arg4: memref<32x80x128xi32, #tpu.memory_space<hbm>>, %arg5: memref<10112x64xf32, #tpu.memory_space<hbm>>, %arg6: memref<2x10112x64xf32, #tpu.memory_space<hbm>>, %arg7: memref<80x128xi32, #tpu.memory_space<vmem>>, %arg8: memref<80x128xi32, #tpu.memory_space<vmem>>, %arg9: memref<4x128x64xf32, #tpu.memory_space<vmem>>, %arg10: memref<10112x64xf32, #tpu.memory_space<vmem_shared>>, %arg11: memref<!tpu.dma_semaphore, #tpu.memory_space<semaphore_mem>>, %arg12: memref<!tpu.dma_semaphore, #tpu.memory_space<semaphore_mem>>, %arg13: memref<!tpu.dma_semaphore, #tpu.memory_space<semaphore_mem>>, %arg14: memref<!tpu.dma_semaphore, #tpu.memory_space<semaphore_mem>>) attributes {dimension_semantics = [#tpu.dimension_semantics<core_parallel>, #tpu.dimension_semantics<subcore_parallel>], iteration_bounds = array<i64: 2, 16>, scalar_prefetch = 0 : i64, scratch_operands = 8 : i64, tpu.core_type = #tpu.core_type<sc_vector_subcore>, window_params = [{transform_indices = #map}, {transform_indices = #map1}, {transform_indices = #map1}, {transform_indices = #map}, {transform_indices = #map1}]} {
    %mul3A = arith.constant 2 : i32
    %mul3A_0 = arith.muli %arg1, %mul3A : i32
    %add3A = arith.addi %mul3A_0, %arg0 : i32
    %mul3A_1 = arith.constant 632 : i32
    %mul3A_2 = arith.muli %arg1, %mul3A_1 : i32
    %dma_start3A = arith.constant 0 : i32
    %dma_start3A_3 = arith.constant 0 : i32
    %dma_start3A_4 = tpu.memref_slice %arg3[%add3A, %dma_start3A, %dma_start3A_3] : memref<32x80x128xi32, #tpu.memory_space<hbm>> -> memref<1x80x128xi32, #tpu.memory_space<hbm>>
    %dma_start3A_5 = tpu.memref_squeeze %dma_start3A_4 : memref<1x80x128xi32, #tpu.memory_space<hbm>> -> memref<80x128xi32, #tpu.memory_space<hbm>>
    %dma_start3A_6 = arith.constant 0 : i32
    %dma_start3A_7 = arith.constant 0 : i32
    %dma_start3A_8 = tpu.memref_slice %arg3[%add3A, %dma_start3A_6, %dma_start3A_7] : memref<32x80x128xi32, #tpu.memory_space<hbm>> -> memref<1x80x128xi32, #tpu.memory_space<hbm>>
    %dma_start3A_9 = tpu.memref_squeeze %dma_start3A_8 : memref<1x80x128xi32, #tpu.memory_space<hbm>> -> memref<80x128xi32, #tpu.memory_space<hbm>>
    tpu.enqueue_dma source(%dma_start3A_9 : memref<80x128xi32, #tpu.memory_space<hbm>>) target(%arg7 : memref<80x128xi32, #tpu.memory_space<vmem>>) target_semaphore(%arg11 : memref<!tpu.dma_semaphore, #tpu.memory_space<semaphore_mem>>)
    %dma_start3A_10 = arith.constant 0 : i32
    %dma_start3A_11 = arith.constant 0 : i32
    %dma_start3A_12 = tpu.memref_slice %arg4[%add3A, %dma_start3A_10, %dma_start3A_11] : memref<32x80x128xi32, #tpu.memory_space<hbm>> -> memref<1x80x128xi32, #tpu.memory_space<hbm>>
    %dma_start3A_13 = tpu.memref_squeeze %dma_start3A_12 : memref<1x80x128xi32, #tpu.memory_space<hbm>> -> memref<80x128xi32, #tpu.memory_space<hbm>>
    %dma_start3A_14 = arith.constant 0 : i32
    %dma_start3A_15 = arith.constant 0 : i32
    %dma_start3A_16 = tpu.memref_slice %arg4[%add3A, %dma_start3A_14, %dma_start3A_15] : memref<32x80x128xi32, #tpu.memory_space<hbm>> -> memref<1x80x128xi32, #tpu.memory_space<hbm>>
    %dma_start3A_17 = tpu.memref_squeeze %dma_start3A_16 : memref<1x80x128xi32, #tpu.memory_space<hbm>> -> memref<80x128xi32, #tpu.memory_space<hbm>>
    tpu.enqueue_dma source(%dma_start3A_17 : memref<80x128xi32, #tpu.memory_space<hbm>>) target(%arg8 : memref<80x128xi32, #tpu.memory_space<vmem>>) target_semaphore(%arg12 : memref<!tpu.dma_semaphore, #tpu.memory_space<semaphore_mem>>)
    %dma_start3A_18 = arith.constant 0 : i32
    %dma_start3A_19 = tpu.memref_slice %arg10[%mul3A_2, %dma_start3A_18] : memref<10112x64xf32, #tpu.memory_space<vmem_shared>> -> memref<632x64xf32, #tpu.memory_space<vmem_shared>>
    %dma_start3A_20 = arith.constant 0 : i32
    %dma_start3A_21 = tpu.memref_slice %arg5[%mul3A_2, %dma_start3A_20] : memref<10112x64xf32, #tpu.memory_space<hbm>> -> memref<632x64xf32, #tpu.memory_space<hbm>>
    tpu.enqueue_dma source(%dma_start3A_21 : memref<632x64xf32, #tpu.memory_space<hbm>>) target(%dma_start3A_19 : memref<632x64xf32, #tpu.memory_space<vmem_shared>>) target_semaphore(%arg12 : memref<!tpu.dma_semaphore, #tpu.memory_space<semaphore_mem>>)
    %dma_wait3A = arith.constant 0 : i32
    %dma_wait3A_22 = arith.constant 0 : i32
    %dma_wait3A_23 = tpu.memref_slice %arg3[%add3A, %dma_wait3A, %dma_wait3A_22] : memref<32x80x128xi32, #tpu.memory_space<hbm>> -> memref<1x80x128xi32, #tpu.memory_space<hbm>>
    %dma_wait3A_24 = tpu.memref_squeeze %dma_wait3A_23 : memref<1x80x128xi32, #tpu.memory_space<hbm>> -> memref<80x128xi32, #tpu.memory_space<hbm>>
    %dma_wait3A_25 = arith.constant 0 : i32
    %dma_wait3A_26 = arith.constant 0 : i32
    %dma_wait3A_27 = tpu.memref_slice %arg3[%add3A, %dma_wait3A_25, %dma_wait3A_26] : memref<32x80x128xi32, #tpu.memory_space<hbm>> -> memref<1x80x128xi32, #tpu.memory_space<hbm>>
    %dma_wait3A_28 = tpu.memref_squeeze %dma_wait3A_27 : memref<1x80x128xi32, #tpu.memory_space<hbm>> -> memref<80x128xi32, #tpu.memory_space<hbm>>
    tpu.wait_dma2 semaphore(%arg11 : memref<!tpu.dma_semaphore, #tpu.memory_space<semaphore_mem>>) src(%dma_wait3A_28 : memref<80x128xi32, #tpu.memory_space<hbm>>) dst(%arg7 : memref<80x128xi32, #tpu.memory_space<vmem>>)
    %dma_start3A_29 = arith.constant 0 : i32
    %dma_start3A_30 = arith.constant 0 : i32
    %dma_start3A_31 = arith.constant 0 : i32
    %dma_start3A_32 = arith.constant 0 : i32
    %dma_start3A_33 = tpu.memref_slice %arg9[%dma_start3A_30, %dma_start3A_31, %dma_start3A_32] : memref<4x128x64xf32, #tpu.memory_space<vmem>> -> memref<1x128x64xf32, #tpu.memory_space<vmem>>
    %dma_start3A_34 = tpu.memref_squeeze %dma_start3A_33 : memref<1x128x64xf32, #tpu.memory_space<vmem>> -> memref<128x64xf32, #tpu.memory_space<vmem>>
    %dma_start3A_35 = arith.constant 0 : i32
    %dma_start3A_36 = tpu.memref_slice %arg7[%dma_start3A_29, %dma_start3A_35] : memref<80x128xi32, #tpu.memory_space<vmem>> -> memref<1x128xi32, #tpu.memory_space<vmem>>
    %dma_start3A_37 = tpu.memref_squeeze %dma_start3A_36 : memref<1x128xi32, #tpu.memory_space<vmem>> -> memref<128xi32, #tpu.memory_space<vmem>>
    %dma_start3A_38 = arith.constant 0 : i32
    %dma_start3A_39 = arith.constant 0 : i32
    %dma_start3A_40 = tpu.memref_slice %arg2[%dma_start3A_38, %dma_start3A_39] : memref<10000x64xf32, #tpu.memory_space<hbm>> -> memref<10000x64xf32, #tpu.memory_space<hbm>>
    tpu.enqueue_indirect_dma source(%dma_start3A_40 : memref<10000x64xf32, #tpu.memory_space<hbm>>) target(%dma_start3A_34 : memref<128x64xf32, #tpu.memory_space<vmem>>) offsets(%dma_start3A_37 : memref<128xi32, #tpu.memory_space<vmem>>) semaphore(%arg13 : memref<!tpu.dma_semaphore, #tpu.memory_space<semaphore_mem>>)
    %dma_start3A_41 = arith.constant 1 : i32
    %dma_start3A_42 = arith.constant 1 : i32
    %dma_start3A_43 = arith.constant 0 : i32
    %dma_start3A_44 = arith.constant 0 : i32
    %dma_start3A_45 = tpu.memref_slice %arg9[%dma_start3A_42, %dma_start3A_43, %dma_start3A_44] : memref<4x128x64xf32, #tpu.memory_space<vmem>> -> memref<1x128x64xf32, #tpu.memory_space<vmem>>
    %dma_start3A_46 = tpu.memref_squeeze %dma_start3A_45 : memref<1x128x64xf32, #tpu.memory_space<vmem>> -> memref<128x64xf32, #tpu.memory_space<vmem>>
    %dma_start3A_47 = arith.constant 0 : i32
    %dma_start3A_48 = tpu.memref_slice %arg7[%dma_start3A_41, %dma_start3A_47] : memref<80x128xi32, #tpu.memory_space<vmem>> -> memref<1x128xi32, #tpu.memory_space<vmem>>
    %dma_start3A_49 = tpu.memref_squeeze %dma_start3A_48 : memref<1x128xi32, #tpu.memory_space<vmem>> -> memref<128xi32, #tpu.memory_space<vmem>>
    %dma_start3A_50 = arith.constant 0 : i32
    %dma_start3A_51 = arith.constant 0 : i32
    %dma_start3A_52 = tpu.memref_slice %arg2[%dma_start3A_50, %dma_start3A_51] : memref<10000x64xf32, #tpu.memory_space<hbm>> -> memref<10000x64xf32, #tpu.memory_space<hbm>>
    tpu.enqueue_indirect_dma source(%dma_start3A_52 : memref<10000x64xf32, #tpu.memory_space<hbm>>) target(%dma_start3A_46 : memref<128x64xf32, #tpu.memory_space<vmem>>) offsets(%dma_start3A_49 : memref<128xi32, #tpu.memory_space<vmem>>) semaphore(%arg13 : memref<!tpu.dma_semaphore, #tpu.memory_space<semaphore_mem>>)
    %dma_wait3A_53 = arith.constant 0 : i32
    %dma_wait3A_54 = arith.constant 0 : i32
    %dma_wait3A_55 = tpu.memref_slice %arg4[%add3A, %dma_wait3A_53, %dma_wait3A_54] : memref<32x80x128xi32, #tpu.memory_space<hbm>> -> memref<1x80x128xi32, #tpu.memory_space<hbm>>
    %dma_wait3A_56 = tpu.memref_squeeze %dma_wait3A_55 : memref<1x80x128xi32, #tpu.memory_space<hbm>> -> memref<80x128xi32, #tpu.memory_space<hbm>>
    %dma_wait3A_57 = arith.constant 0 : i32
    %dma_wait3A_58 = arith.constant 0 : i32
    %dma_wait3A_59 = tpu.memref_slice %arg4[%add3A, %dma_wait3A_57, %dma_wait3A_58] : memref<32x80x128xi32, #tpu.memory_space<hbm>> -> memref<1x80x128xi32, #tpu.memory_space<hbm>>
    %dma_wait3A_60 = tpu.memref_squeeze %dma_wait3A_59 : memref<1x80x128xi32, #tpu.memory_space<hbm>> -> memref<80x128xi32, #tpu.memory_space<hbm>>
    tpu.wait_dma2 semaphore(%arg12 : memref<!tpu.dma_semaphore, #tpu.memory_space<semaphore_mem>>) src(%dma_wait3A_60 : memref<80x128xi32, #tpu.memory_space<hbm>>) dst(%arg8 : memref<80x128xi32, #tpu.memory_space<vmem>>)
    %dma_wait3A_61 = arith.constant 0 : i32
    %dma_wait3A_62 = tpu.memref_slice %arg10[%mul3A_2, %dma_wait3A_61] : memref<10112x64xf32, #tpu.memory_space<vmem_shared>> -> memref<632x64xf32, #tpu.memory_space<vmem_shared>>
    %dma_wait3A_63 = arith.constant 0 : i32
    %dma_wait3A_64 = tpu.memref_slice %arg5[%mul3A_2, %dma_wait3A_63] : memref<10112x64xf32, #tpu.memory_space<hbm>> -> memref<632x64xf32, #tpu.memory_space<hbm>>
    tpu.wait_dma2 semaphore(%arg12 : memref<!tpu.dma_semaphore, #tpu.memory_space<semaphore_mem>>) src(%dma_wait3A_64 : memref<632x64xf32, #tpu.memory_space<hbm>>) dst(%dma_wait3A_62 : memref<632x64xf32, #tpu.memory_space<vmem_shared>>)
    %barrier3A = arith.constant 0 : index
    tpu.barrier barrier_id(%barrier3A)
    %scan3A = arith.constant 0 : i32
    %scan3A_65 = arith.constant 0 : i32
    %scan3A_66 = arith.constant 40 : i32
    %scan3A_67 = arith.addi %scan3A_65, %scan3A_66 : i32
    %scan3A_68 = arith.constant 2 : i32
    scf.for %scan3A_95 = %scan3A_65 to %scan3A_67 step %scan3A_68  : i32 {
      %jit3A = arith.constant 2 : i32
      %eq3A = arith.constant 0 : i32
      %eq3A_96 = arith.cmpi eq, %jit3A, %eq3A : i32
      %jit3A_97 = arith.constant 1 : i32
      %select_n3A = arith.select %eq3A_96, %jit3A_97, %jit3A : i32
      %rem3A = arith.remsi %scan3A_95, %select_n3A : i32
      %ne3A = arith.constant 0 : i32
      %ne3A_98 = arith.cmpi ne, %rem3A, %ne3A : i32
      %lt3A = arith.constant 0 : i32
      %lt3A_99 = arith.cmpi slt, %rem3A, %lt3A : i32
      %lt3A_100 = arith.constant 0 : i32
      %lt3A_101 = arith.cmpi slt, %select_n3A, %lt3A_100 : i32
      %ne3A_102 = arith.xori %lt3A_99, %lt3A_101 : i1
      %and3A = arith.andi %ne3A_102, %ne3A_98 : i1
      %add3A_103 = arith.addi %rem3A, %select_n3A : i32
      %select_n3A_104 = arith.select %and3A, %add3A_103, %rem3A : i32
      %mul3A_105 = arith.constant 2 : i32
      %mul3A_106 = arith.muli %select_n3A_104, %mul3A_105 : i32
      %add3A_107 = arith.constant 1 : i32
      %add3A_108 = arith.addi %scan3A_95, %add3A_107 : i32
      %jit3A_109 = arith.constant 2 : i32
      %eq3A_110 = arith.constant 0 : i32
      %eq3A_111 = arith.cmpi eq, %jit3A_109, %eq3A_110 : i32
      %jit3A_112 = arith.constant 1 : i32
      %select_n3A_113 = arith.select %eq3A_111, %jit3A_112, %jit3A_109 : i32
      %rem3A_114 = arith.remsi %add3A_108, %select_n3A_113 : i32
      %ne3A_115 = arith.constant 0 : i32
      %ne3A_116 = arith.cmpi ne, %rem3A_114, %ne3A_115 : i32
      %lt3A_117 = arith.constant 0 : i32
      %lt3A_118 = arith.cmpi slt, %rem3A_114, %lt3A_117 : i32
      %lt3A_119 = arith.constant 0 : i32
      %lt3A_120 = arith.cmpi slt, %select_n3A_113, %lt3A_119 : i32
      %ne3A_121 = arith.xori %lt3A_118, %lt3A_120 : i1
      %and3A_122 = arith.andi %ne3A_121, %ne3A_116 : i1
      %add3A_123 = arith.addi %rem3A_114, %select_n3A_113 : i32
      %select_n3A_124 = arith.select %and3A_122, %add3A_123, %rem3A_114 : i32
      %mul3A_125 = arith.constant 2 : i32
      %mul3A_126 = arith.muli %select_n3A_124, %mul3A_125 : i32
      %gt3A = arith.constant 0 : i32
      %gt3A_127 = arith.cmpi sgt, %scan3A_95, %gt3A : i32
      %convert_element_type3A = arith.extui %gt3A_127 : i1 to i32
      %cond3A = arith.constant 0 : i32
      %cond3A_128 = arith.cmpi ne, %convert_element_type3A, %cond3A : i32
      scf.if %cond3A_128 {
        %sub3A = arith.constant 1 : i32
        %sub3A_316 = arith.subi %scan3A_95, %sub3A : i32
        %mul3A_317 = arith.constant 2 : i32
        %mul3A_318 = arith.muli %sub3A_316, %mul3A_317 : i32
        %add3A_319 = arith.constant 0 : i32
        %add3A_320 = arith.addi %mul3A_318, %add3A_319 : i32
        %add3A_321 = arith.constant 0 : i32
        %add3A_322 = arith.addi %mul3A_126, %add3A_321 : i32
        %dma_wait3A_323 = arith.constant 0 : i32
        %dma_wait3A_324 = arith.constant 0 : i32
        %dma_wait3A_325 = tpu.memref_slice %arg9[%add3A_322, %dma_wait3A_323, %dma_wait3A_324] : memref<4x128x64xf32, #tpu.memory_space<vmem>> -> memref<1x128x64xf32, #tpu.memory_space<vmem>>
        %dma_wait3A_326 = tpu.memref_squeeze %dma_wait3A_325 : memref<1x128x64xf32, #tpu.memory_space<vmem>> -> memref<128x64xf32, #tpu.memory_space<vmem>>
        %dma_wait3A_327 = arith.constant 0 : i32
        %dma_wait3A_328 = tpu.memref_slice %arg8[%add3A_320, %dma_wait3A_327] : memref<80x128xi32, #tpu.memory_space<vmem>> -> memref<1x128xi32, #tpu.memory_space<vmem>>
        %dma_wait3A_329 = tpu.memref_squeeze %dma_wait3A_328 : memref<1x128xi32, #tpu.memory_space<vmem>> -> memref<128xi32, #tpu.memory_space<vmem>>
        %dma_wait3A_330 = arith.constant 0 : i32
        %dma_wait3A_331 = arith.constant 0 : i32
        %dma_wait3A_332 = tpu.memref_slice %arg10[%dma_wait3A_330, %dma_wait3A_331] : memref<10112x64xf32, #tpu.memory_space<vmem_shared>> -> memref<10112x64xf32, #tpu.memory_space<vmem_shared>>
        tpu.wait_indirect_dma semaphore(%arg14 : memref<!tpu.dma_semaphore, #tpu.memory_space<semaphore_mem>>) src(%dma_wait3A_326 : memref<128x64xf32, #tpu.memory_space<vmem>>) dst(%dma_wait3A_332 : memref<10112x64xf32, #tpu.memory_space<vmem_shared>>)
        %sub3A_333 = arith.constant 1 : i32
        %sub3A_334 = arith.subi %scan3A_95, %sub3A_333 : i32
        %mul3A_335 = arith.constant 2 : i32
        %mul3A_336 = arith.muli %sub3A_334, %mul3A_335 : i32
        %add3A_337 = arith.constant 1 : i32
        %add3A_338 = arith.addi %mul3A_336, %add3A_337 : i32
        %add3A_339 = arith.constant 1 : i32
        %add3A_340 = arith.addi %mul3A_126, %add3A_339 : i32
        %dma_wait3A_341 = arith.constant 0 : i32
        %dma_wait3A_342 = arith.constant 0 : i32
        %dma_wait3A_343 = tpu.memref_slice %arg9[%add3A_340, %dma_wait3A_341, %dma_wait3A_342] : memref<4x128x64xf32, #tpu.memory_space<vmem>> -> memref<1x128x64xf32, #tpu.memory_space<vmem>>
        %dma_wait3A_344 = tpu.memref_squeeze %dma_wait3A_343 : memref<1x128x64xf32, #tpu.memory_space<vmem>> -> memref<128x64xf32, #tpu.memory_space<vmem>>
        %dma_wait3A_345 = arith.constant 0 : i32
        %dma_wait3A_346 = tpu.memref_slice %arg8[%add3A_338, %dma_wait3A_345] : memref<80x128xi32, #tpu.memory_space<vmem>> -> memref<1x128xi32, #tpu.memory_space<vmem>>
        %dma_wait3A_347 = tpu.memref_squeeze %dma_wait3A_346 : memref<1x128xi32, #tpu.memory_space<vmem>> -> memref<128xi32, #tpu.memory_space<vmem>>
        %dma_wait3A_348 = arith.constant 0 : i32
        %dma_wait3A_349 = arith.constant 0 : i32
        %dma_wait3A_350 = tpu.memref_slice %arg10[%dma_wait3A_348, %dma_wait3A_349] : memref<10112x64xf32, #tpu.memory_space<vmem_shared>> -> memref<10112x64xf32, #tpu.memory_space<vmem_shared>>
        tpu.wait_indirect_dma semaphore(%arg14 : memref<!tpu.dma_semaphore, #tpu.memory_space<semaphore_mem>>) src(%dma_wait3A_344 : memref<128x64xf32, #tpu.memory_space<vmem>>) dst(%dma_wait3A_350 : memref<10112x64xf32, #tpu.memory_space<vmem_shared>>)
      } else {
      }
      %add3A_129 = arith.constant 1 : i32
      %add3A_130 = arith.addi %scan3A_95, %add3A_129 : i32
      %lt3A_131 = arith.constant 40 : i32
      %lt3A_132 = arith.cmpi slt, %add3A_130, %lt3A_131 : i32
      %convert_element_type3A_133 = arith.extui %lt3A_132 : i1 to i32
      %cond3A_134 = arith.constant 0 : i32
      %cond3A_135 = arith.cmpi ne, %convert_element_type3A_133, %cond3A_134 : i32
      scf.if %cond3A_135 {
        %add3A_316 = arith.constant 1 : i32
        %add3A_317 = arith.addi %scan3A_95, %add3A_316 : i32
        %mul3A_318 = arith.constant 2 : i32
        %mul3A_319 = arith.muli %add3A_317, %mul3A_318 : i32
        %add3A_320 = arith.constant 0 : i32
        %add3A_321 = arith.addi %mul3A_319, %add3A_320 : i32
        %add3A_322 = arith.constant 0 : i32
        %add3A_323 = arith.addi %mul3A_126, %add3A_322 : i32
        %dma_start3A_324 = arith.constant 0 : i32
        %dma_start3A_325 = arith.constant 0 : i32
        %dma_start3A_326 = tpu.memref_slice %arg9[%add3A_323, %dma_start3A_324, %dma_start3A_325] : memref<4x128x64xf32, #tpu.memory_space<vmem>> -> memref<1x128x64xf32, #tpu.memory_space<vmem>>
        %dma_start3A_327 = tpu.memref_squeeze %dma_start3A_326 : memref<1x128x64xf32, #tpu.memory_space<vmem>> -> memref<128x64xf32, #tpu.memory_space<vmem>>
        %dma_start3A_328 = arith.constant 0 : i32
        %dma_start3A_329 = tpu.memref_slice %arg7[%add3A_321, %dma_start3A_328] : memref<80x128xi32, #tpu.memory_space<vmem>> -> memref<1x128xi32, #tpu.memory_space<vmem>>
        %dma_start3A_330 = tpu.memref_squeeze %dma_start3A_329 : memref<1x128xi32, #tpu.memory_space<vmem>> -> memref<128xi32, #tpu.memory_space<vmem>>
        %dma_start3A_331 = arith.constant 0 : i32
        %dma_start3A_332 = arith.constant 0 : i32
        %dma_start3A_333 = tpu.memref_slice %arg2[%dma_start3A_331, %dma_start3A_332] : memref<10000x64xf32, #tpu.memory_space<hbm>> -> memref<10000x64xf32, #tpu.memory_space<hbm>>
        tpu.enqueue_indirect_dma source(%dma_start3A_333 : memref<10000x64xf32, #tpu.memory_space<hbm>>) target(%dma_start3A_327 : memref<128x64xf32, #tpu.memory_space<vmem>>) offsets(%dma_start3A_330 : memref<128xi32, #tpu.memory_space<vmem>>) semaphore(%arg13 : memref<!tpu.dma_semaphore, #tpu.memory_space<semaphore_mem>>)
        %add3A_334 = arith.constant 1 : i32
        %add3A_335 = arith.addi %scan3A_95, %add3A_334 : i32
        %mul3A_336 = arith.constant 2 : i32
        %mul3A_337 = arith.muli %add3A_335, %mul3A_336 : i32
        %add3A_338 = arith.constant 1 : i32
        %add3A_339 = arith.addi %mul3A_337, %add3A_338 : i32
        %add3A_340 = arith.constant 1 : i32
        %add3A_341 = arith.addi %mul3A_126, %add3A_340 : i32
        %dma_start3A_342 = arith.constant 0 : i32
        %dma_start3A_343 = arith.constant 0 : i32
        %dma_start3A_344 = tpu.memref_slice %arg9[%add3A_341, %dma_start3A_342, %dma_start3A_343] : memref<4x128x64xf32, #tpu.memory_space<vmem>> -> memref<1x128x64xf32, #tpu.memory_space<vmem>>
        %dma_start3A_345 = tpu.memref_squeeze %dma_start3A_344 : memref<1x128x64xf32, #tpu.memory_space<vmem>> -> memref<128x64xf32, #tpu.memory_space<vmem>>
        %dma_start3A_346 = arith.constant 0 : i32
        %dma_start3A_347 = tpu.memref_slice %arg7[%add3A_339, %dma_start3A_346] : memref<80x128xi32, #tpu.memory_space<vmem>> -> memref<1x128xi32, #tpu.memory_space<vmem>>
        %dma_start3A_348 = tpu.memref_squeeze %dma_start3A_347 : memref<1x128xi32, #tpu.memory_space<vmem>> -> memref<128xi32, #tpu.memory_space<vmem>>
        %dma_start3A_349 = arith.constant 0 : i32
        %dma_start3A_350 = arith.constant 0 : i32
        %dma_start3A_351 = tpu.memref_slice %arg2[%dma_start3A_349, %dma_start3A_350] : memref<10000x64xf32, #tpu.memory_space<hbm>> -> memref<10000x64xf32, #tpu.memory_space<hbm>>
        tpu.enqueue_indirect_dma source(%dma_start3A_351 : memref<10000x64xf32, #tpu.memory_space<hbm>>) target(%dma_start3A_345 : memref<128x64xf32, #tpu.memory_space<vmem>>) offsets(%dma_start3A_348 : memref<128xi32, #tpu.memory_space<vmem>>) semaphore(%arg13 : memref<!tpu.dma_semaphore, #tpu.memory_space<semaphore_mem>>)
      } else {
      }
      %mul3A_136 = arith.constant 2 : i32
      %mul3A_137 = arith.muli %scan3A_95, %mul3A_136 : i32
      %add3A_138 = arith.constant 0 : i32
      %add3A_139 = arith.addi %mul3A_137, %add3A_138 : i32
      %add3A_140 = arith.constant 0 : i32
      %add3A_141 = arith.addi %mul3A_106, %add3A_140 : i32
      %dma_wait3A_142 = arith.constant 0 : i32
      %dma_wait3A_143 = arith.constant 0 : i32
      %dma_wait3A_144 = tpu.memref_slice %arg9[%add3A_141, %dma_wait3A_142, %dma_wait3A_143] : memref<4x128x64xf32, #tpu.memory_space<vmem>> -> memref<1x128x64xf32, #tpu.memory_space<vmem>>
      %dma_wait3A_145 = tpu.memref_squeeze %dma_wait3A_144 : memref<1x128x64xf32, #tpu.memory_space<vmem>> -> memref<128x64xf32, #tpu.memory_space<vmem>>
      %dma_wait3A_146 = arith.constant 0 : i32
      %dma_wait3A_147 = tpu.memref_slice %arg7[%add3A_139, %dma_wait3A_146] : memref<80x128xi32, #tpu.memory_space<vmem>> -> memref<1x128xi32, #tpu.memory_space<vmem>>
      %dma_wait3A_148 = tpu.memref_squeeze %dma_wait3A_147 : memref<1x128xi32, #tpu.memory_space<vmem>> -> memref<128xi32, #tpu.memory_space<vmem>>
      %dma_wait3A_149 = arith.constant 0 : i32
      %dma_wait3A_150 = arith.constant 0 : i32
      %dma_wait3A_151 = tpu.memref_slice %arg2[%dma_wait3A_149, %dma_wait3A_150] : memref<10000x64xf32, #tpu.memory_space<hbm>> -> memref<10000x64xf32, #tpu.memory_space<hbm>>
      tpu.wait_indirect_dma semaphore(%arg13 : memref<!tpu.dma_semaphore, #tpu.memory_space<semaphore_mem>>) src(%dma_wait3A_151 : memref<10000x64xf32, #tpu.memory_space<hbm>>) dst(%dma_wait3A_145 : memref<128x64xf32, #tpu.memory_space<vmem>>)
      %mul3A_152 = arith.constant 2 : i32
      %mul3A_153 = arith.muli %scan3A_95, %mul3A_152 : i32
      %add3A_154 = arith.constant 1 : i32
      %add3A_155 = arith.addi %mul3A_153, %add3A_154 : i32
      %add3A_156 = arith.constant 1 : i32
      %add3A_157 = arith.addi %mul3A_106, %add3A_156 : i32
      %dma_wait3A_158 = arith.constant 0 : i32
      %dma_wait3A_159 = arith.constant 0 : i32
      %dma_wait3A_160 = tpu.memref_slice %arg9[%add3A_157, %dma_wait3A_158, %dma_wait3A_159] : memref<4x128x64xf32, #tpu.memory_space<vmem>> -> memref<1x128x64xf32, #tpu.memory_space<vmem>>
      %dma_wait3A_161 = tpu.memref_squeeze %dma_wait3A_160 : memref<1x128x64xf32, #tpu.memory_space<vmem>> -> memref<128x64xf32, #tpu.memory_space<vmem>>
      %dma_wait3A_162 = arith.constant 0 : i32
      %dma_wait3A_163 = tpu.memref_slice %arg7[%add3A_155, %dma_wait3A_162] : memref<80x128xi32, #tpu.memory_space<vmem>> -> memref<1x128xi32, #tpu.memory_space<vmem>>
      %dma_wait3A_164 = tpu.memref_squeeze %dma_wait3A_163 : memref<1x128xi32, #tpu.memory_space<vmem>> -> memref<128xi32, #tpu.memory_space<vmem>>
      %dma_wait3A_165 = arith.constant 0 : i32
      %dma_wait3A_166 = arith.constant 0 : i32
      %dma_wait3A_167 = tpu.memref_slice %arg2[%dma_wait3A_165, %dma_wait3A_166] : memref<10000x64xf32, #tpu.memory_space<hbm>> -> memref<10000x64xf32, #tpu.memory_space<hbm>>
      tpu.wait_indirect_dma semaphore(%arg13 : memref<!tpu.dma_semaphore, #tpu.memory_space<semaphore_mem>>) src(%dma_wait3A_167 : memref<10000x64xf32, #tpu.memory_space<hbm>>) dst(%dma_wait3A_161 : memref<128x64xf32, #tpu.memory_space<vmem>>)
      %mul3A_168 = arith.constant 2 : i32
      %mul3A_169 = arith.muli %scan3A_95, %mul3A_168 : i32
      %add3A_170 = arith.constant 0 : i32
      %add3A_171 = arith.addi %mul3A_169, %add3A_170 : i32
      %add3A_172 = arith.constant 0 : i32
      %add3A_173 = arith.addi %mul3A_106, %add3A_172 : i32
      %dma_start3A_174 = arith.constant 0 : i32
      %dma_start3A_175 = arith.constant 0 : i32
      %dma_start3A_176 = tpu.memref_slice %arg9[%add3A_173, %dma_start3A_174, %dma_start3A_175] : memref<4x128x64xf32, #tpu.memory_space<vmem>> -> memref<1x128x64xf32, #tpu.memory_space<vmem>>
      %dma_start3A_177 = tpu.memref_squeeze %dma_start3A_176 : memref<1x128x64xf32, #tpu.memory_space<vmem>> -> memref<128x64xf32, #tpu.memory_space<vmem>>
      %dma_start3A_178 = arith.constant 0 : i32
      %dma_start3A_179 = tpu.memref_slice %arg8[%add3A_171, %dma_start3A_178] : memref<80x128xi32, #tpu.memory_space<vmem>> -> memref<1x128xi32, #tpu.memory_space<vmem>>
      %dma_start3A_180 = tpu.memref_squeeze %dma_start3A_179 : memref<1x128xi32, #tpu.memory_space<vmem>> -> memref<128xi32, #tpu.memory_space<vmem>>
      %dma_start3A_181 = arith.constant 0 : i32
      %dma_start3A_182 = arith.constant 0 : i32
      %dma_start3A_183 = tpu.memref_slice %arg10[%dma_start3A_181, %dma_start3A_182] : memref<10112x64xf32, #tpu.memory_space<vmem_shared>> -> memref<10112x64xf32, #tpu.memory_space<vmem_shared>>
      tpu.enqueue_indirect_dma source(%dma_start3A_177 : memref<128x64xf32, #tpu.memory_space<vmem>>) target(%dma_start3A_183 : memref<10112x64xf32, #tpu.memory_space<vmem_shared>>) offsets(%dma_start3A_180 : memref<128xi32, #tpu.memory_space<vmem>>) semaphore(%arg14 : memref<!tpu.dma_semaphore, #tpu.memory_space<semaphore_mem>>) {add = true}
      %mul3A_184 = arith.constant 2 : i32
      %mul3A_185 = arith.muli %scan3A_95, %mul3A_184 : i32
      %add3A_186 = arith.constant 1 : i32
      %add3A_187 = arith.addi %mul3A_185, %add3A_186 : i32
      %add3A_188 = arith.constant 1 : i32
      %add3A_189 = arith.addi %mul3A_106, %add3A_188 : i32
      %dma_start3A_190 = arith.constant 0 : i32
      %dma_start3A_191 = arith.constant 0 : i32
      %dma_start3A_192 = tpu.memref_slice %arg9[%add3A_189, %dma_start3A_190, %dma_start3A_191] : memref<4x128x64xf32, #tpu.memory_space<vmem>> -> memref<1x128x64xf32, #tpu.memory_space<vmem>>
      %dma_start3A_193 = tpu.memref_squeeze %dma_start3A_192 : memref<1x128x64xf32, #tpu.memory_space<vmem>> -> memref<128x64xf32, #tpu.memory_space<vmem>>
      %dma_start3A_194 = arith.constant 0 : i32
      %dma_start3A_195 = tpu.memref_slice %arg8[%add3A_187, %dma_start3A_194] : memref<80x128xi32, #tpu.memory_space<vmem>> -> memref<1x128xi32, #tpu.memory_space<vmem>>
      %dma_start3A_196 = tpu.memref_squeeze %dma_start3A_195 : memref<1x128xi32, #tpu.memory_space<vmem>> -> memref<128xi32, #tpu.memory_space<vmem>>
      %dma_start3A_197 = arith.constant 0 : i32
      %dma_start3A_198 = arith.constant 0 : i32
      %dma_start3A_199 = tpu.memref_slice %arg10[%dma_start3A_197, %dma_start3A_198] : memref<10112x64xf32, #tpu.memory_space<vmem_shared>> -> memref<10112x64xf32, #tpu.memory_space<vmem_shared>>
      tpu.enqueue_indirect_dma source(%dma_start3A_193 : memref<128x64xf32, #tpu.memory_space<vmem>>) target(%dma_start3A_199 : memref<10112x64xf32, #tpu.memory_space<vmem_shared>>) offsets(%dma_start3A_196 : memref<128xi32, #tpu.memory_space<vmem>>) semaphore(%arg14 : memref<!tpu.dma_semaphore, #tpu.memory_space<semaphore_mem>>) {add = true}
      %scan3A_200 = arith.constant 1 : i32
      %scan3A_201 = arith.addi %scan3A_95, %scan3A_200 : i32
      %jit3A_202 = arith.constant 2 : i32
      %eq3A_203 = arith.constant 0 : i32
      %eq3A_204 = arith.cmpi eq, %jit3A_202, %eq3A_203 : i32
      %jit3A_205 = arith.constant 1 : i32
      %select_n3A_206 = arith.select %eq3A_204, %jit3A_205, %jit3A_202 : i32
      %rem3A_207 = arith.remsi %scan3A_201, %select_n3A_206 : i32
      %ne3A_208 = arith.constant 0 : i32
      %ne3A_209 = arith.cmpi ne, %rem3A_207, %ne3A_208 : i32
      %lt3A_210 = arith.constant 0 : i32
      %lt3A_211 = arith.cmpi slt, %rem3A_207, %lt3A_210 : i32
      %lt3A_212 = arith.constant 0 : i32
      %lt3A_213 = arith.cmpi slt, %select_n3A_206, %lt3A_212 : i32
      %ne3A_214 = arith.xori %lt3A_211, %lt3A_213 : i1
      %and3A_215 = arith.andi %ne3A_214, %ne3A_209 : i1
      %add3A_216 = arith.addi %rem3A_207, %select_n3A_206 : i32
      %select_n3A_217 = arith.select %and3A_215, %add3A_216, %rem3A_207 : i32
      %mul3A_218 = arith.constant 2 : i32
      %mul3A_219 = arith.muli %select_n3A_217, %mul3A_218 : i32
      %add3A_220 = arith.constant 1 : i32
      %add3A_221 = arith.addi %scan3A_201, %add3A_220 : i32
      %jit3A_222 = arith.constant 2 : i32
      %eq3A_223 = arith.constant 0 : i32
      %eq3A_224 = arith.cmpi eq, %jit3A_222, %eq3A_223 : i32
      %jit3A_225 = arith.constant 1 : i32
      %select_n3A_226 = arith.select %eq3A_224, %jit3A_225, %jit3A_222 : i32
      %rem3A_227 = arith.remsi %add3A_221, %select_n3A_226 : i32
      %ne3A_228 = arith.constant 0 : i32
      %ne3A_229 = arith.cmpi ne, %rem3A_227, %ne3A_228 : i32
      %lt3A_230 = arith.constant 0 : i32
      %lt3A_231 = arith.cmpi slt, %rem3A_227, %lt3A_230 : i32
      %lt3A_232 = arith.constant 0 : i32
      %lt3A_233 = arith.cmpi slt, %select_n3A_226, %lt3A_232 : i32
      %ne3A_234 = arith.xori %lt3A_231, %lt3A_233 : i1
      %and3A_235 = arith.andi %ne3A_234, %ne3A_229 : i1
      %add3A_236 = arith.addi %rem3A_227, %select_n3A_226 : i32
      %select_n3A_237 = arith.select %and3A_235, %add3A_236, %rem3A_227 : i32
      %mul3A_238 = arith.constant 2 : i32
      %mul3A_239 = arith.muli %select_n3A_237, %mul3A_238 : i32
      %gt3A_240 = arith.constant 0 : i32
      %gt3A_241 = arith.cmpi sgt, %scan3A_201, %gt3A_240 : i32
      %convert_element_type3A_242 = arith.extui %gt3A_241 : i1 to i32
      %cond3A_243 = arith.constant 0 : i32
      %cond3A_244 = arith.cmpi ne, %convert_element_type3A_242, %cond3A_243 : i32
      scf.if %cond3A_244 {
        %sub3A = arith.constant 1 : i32
        %sub3A_316 = arith.subi %scan3A_201, %sub3A : i32
        %mul3A_317 = arith.constant 2 : i32
        %mul3A_318 = arith.muli %sub3A_316, %mul3A_317 : i32
        %add3A_319 = arith.constant 0 : i32
        %add3A_320 = arith.addi %mul3A_318, %add3A_319 : i32
        %add3A_321 = arith.constant 0 : i32
        %add3A_322 = arith.addi %mul3A_239, %add3A_321 : i32
        %dma_wait3A_323 = arith.constant 0 : i32
        %dma_wait3A_324 = arith.constant 0 : i32
        %dma_wait3A_325 = tpu.memref_slice %arg9[%add3A_322, %dma_wait3A_323, %dma_wait3A_324] : memref<4x128x64xf32, #tpu.memory_space<vmem>> -> memref<1x128x64xf32, #tpu.memory_space<vmem>>
        %dma_wait3A_326 = tpu.memref_squeeze %dma_wait3A_325 : memref<1x128x64xf32, #tpu.memory_space<vmem>> -> memref<128x64xf32, #tpu.memory_space<vmem>>
        %dma_wait3A_327 = arith.constant 0 : i32
        %dma_wait3A_328 = tpu.memref_slice %arg8[%add3A_320, %dma_wait3A_327] : memref<80x128xi32, #tpu.memory_space<vmem>> -> memref<1x128xi32, #tpu.memory_space<vmem>>
        %dma_wait3A_329 = tpu.memref_squeeze %dma_wait3A_328 : memref<1x128xi32, #tpu.memory_space<vmem>> -> memref<128xi32, #tpu.memory_space<vmem>>
        %dma_wait3A_330 = arith.constant 0 : i32
        %dma_wait3A_331 = arith.constant 0 : i32
        %dma_wait3A_332 = tpu.memref_slice %arg10[%dma_wait3A_330, %dma_wait3A_331] : memref<10112x64xf32, #tpu.memory_space<vmem_shared>> -> memref<10112x64xf32, #tpu.memory_space<vmem_shared>>
        tpu.wait_indirect_dma semaphore(%arg14 : memref<!tpu.dma_semaphore, #tpu.memory_space<semaphore_mem>>) src(%dma_wait3A_326 : memref<128x64xf32, #tpu.memory_space<vmem>>) dst(%dma_wait3A_332 : memref<10112x64xf32, #tpu.memory_space<vmem_shared>>)
        %sub3A_333 = arith.constant 1 : i32
        %sub3A_334 = arith.subi %scan3A_201, %sub3A_333 : i32
        %mul3A_335 = arith.constant 2 : i32
        %mul3A_336 = arith.muli %sub3A_334, %mul3A_335 : i32
        %add3A_337 = arith.constant 1 : i32
        %add3A_338 = arith.addi %mul3A_336, %add3A_337 : i32
        %add3A_339 = arith.constant 1 : i32
        %add3A_340 = arith.addi %mul3A_239, %add3A_339 : i32
        %dma_wait3A_341 = arith.constant 0 : i32
        %dma_wait3A_342 = arith.constant 0 : i32
        %dma_wait3A_343 = tpu.memref_slice %arg9[%add3A_340, %dma_wait3A_341, %dma_wait3A_342] : memref<4x128x64xf32, #tpu.memory_space<vmem>> -> memref<1x128x64xf32, #tpu.memory_space<vmem>>
        %dma_wait3A_344 = tpu.memref_squeeze %dma_wait3A_343 : memref<1x128x64xf32, #tpu.memory_space<vmem>> -> memref<128x64xf32, #tpu.memory_space<vmem>>
        %dma_wait3A_345 = arith.constant 0 : i32
        %dma_wait3A_346 = tpu.memref_slice %arg8[%add3A_338, %dma_wait3A_345] : memref<80x128xi32, #tpu.memory_space<vmem>> -> memref<1x128xi32, #tpu.memory_space<vmem>>
        %dma_wait3A_347 = tpu.memref_squeeze %dma_wait3A_346 : memref<1x128xi32, #tpu.memory_space<vmem>> -> memref<128xi32, #tpu.memory_space<vmem>>
        %dma_wait3A_348 = arith.constant 0 : i32
        %dma_wait3A_349 = arith.constant 0 : i32
        %dma_wait3A_350 = tpu.memref_slice %arg10[%dma_wait3A_348, %dma_wait3A_349] : memref<10112x64xf32, #tpu.memory_space<vmem_shared>> -> memref<10112x64xf32, #tpu.memory_space<vmem_shared>>
        tpu.wait_indirect_dma semaphore(%arg14 : memref<!tpu.dma_semaphore, #tpu.memory_space<semaphore_mem>>) src(%dma_wait3A_344 : memref<128x64xf32, #tpu.memory_space<vmem>>) dst(%dma_wait3A_350 : memref<10112x64xf32, #tpu.memory_space<vmem_shared>>)
      } else {
      }
      %add3A_245 = arith.constant 1 : i32
      %add3A_246 = arith.addi %scan3A_201, %add3A_245 : i32
      %lt3A_247 = arith.constant 40 : i32
      %lt3A_248 = arith.cmpi slt, %add3A_246, %lt3A_247 : i32
      %convert_element_type3A_249 = arith.extui %lt3A_248 : i1 to i32
      %cond3A_250 = arith.constant 0 : i32
      %cond3A_251 = arith.cmpi ne, %convert_element_type3A_249, %cond3A_250 : i32
      scf.if %cond3A_251 {
        %add3A_316 = arith.constant 1 : i32
        %add3A_317 = arith.addi %scan3A_201, %add3A_316 : i32
        %mul3A_318 = arith.constant 2 : i32
        %mul3A_319 = arith.muli %add3A_317, %mul3A_318 : i32
        %add3A_320 = arith.constant 0 : i32
        %add3A_321 = arith.addi %mul3A_319, %add3A_320 : i32
        %add3A_322 = arith.constant 0 : i32
        %add3A_323 = arith.addi %mul3A_239, %add3A_322 : i32
        %dma_start3A_324 = arith.constant 0 : i32
        %dma_start3A_325 = arith.constant 0 : i32
        %dma_start3A_326 = tpu.memref_slice %arg9[%add3A_323, %dma_start3A_324, %dma_start3A_325] : memref<4x128x64xf32, #tpu.memory_space<vmem>> -> memref<1x128x64xf32, #tpu.memory_space<vmem>>
        %dma_start3A_327 = tpu.memref_squeeze %dma_start3A_326 : memref<1x128x64xf32, #tpu.memory_space<vmem>> -> memref<128x64xf32, #tpu.memory_space<vmem>>
        %dma_start3A_328 = arith.constant 0 : i32
        %dma_start3A_329 = tpu.memref_slice %arg7[%add3A_321, %dma_start3A_328] : memref<80x128xi32, #tpu.memory_space<vmem>> -> memref<1x128xi32, #tpu.memory_space<vmem>>
        %dma_start3A_330 = tpu.memref_squeeze %dma_start3A_329 : memref<1x128xi32, #tpu.memory_space<vmem>> -> memref<128xi32, #tpu.memory_space<vmem>>
        %dma_start3A_331 = arith.constant 0 : i32
        %dma_start3A_332 = arith.constant 0 : i32
        %dma_start3A_333 = tpu.memref_slice %arg2[%dma_start3A_331, %dma_start3A_332] : memref<10000x64xf32, #tpu.memory_space<hbm>> -> memref<10000x64xf32, #tpu.memory_space<hbm>>
        tpu.enqueue_indirect_dma source(%dma_start3A_333 : memref<10000x64xf32, #tpu.memory_space<hbm>>) target(%dma_start3A_327 : memref<128x64xf32, #tpu.memory_space<vmem>>) offsets(%dma_start3A_330 : memref<128xi32, #tpu.memory_space<vmem>>) semaphore(%arg13 : memref<!tpu.dma_semaphore, #tpu.memory_space<semaphore_mem>>)
        %add3A_334 = arith.constant 1 : i32
        %add3A_335 = arith.addi %scan3A_201, %add3A_334 : i32
        %mul3A_336 = arith.constant 2 : i32
        %mul3A_337 = arith.muli %add3A_335, %mul3A_336 : i32
        %add3A_338 = arith.constant 1 : i32
        %add3A_339 = arith.addi %mul3A_337, %add3A_338 : i32
        %add3A_340 = arith.constant 1 : i32
        %add3A_341 = arith.addi %mul3A_239, %add3A_340 : i32
        %dma_start3A_342 = arith.constant 0 : i32
        %dma_start3A_343 = arith.constant 0 : i32
        %dma_start3A_344 = tpu.memref_slice %arg9[%add3A_341, %dma_start3A_342, %dma_start3A_343] : memref<4x128x64xf32, #tpu.memory_space<vmem>> -> memref<1x128x64xf32, #tpu.memory_space<vmem>>
        %dma_start3A_345 = tpu.memref_squeeze %dma_start3A_344 : memref<1x128x64xf32, #tpu.memory_space<vmem>> -> memref<128x64xf32, #tpu.memory_space<vmem>>
        %dma_start3A_346 = arith.constant 0 : i32
        %dma_start3A_347 = tpu.memref_slice %arg7[%add3A_339, %dma_start3A_346] : memref<80x128xi32, #tpu.memory_space<vmem>> -> memref<1x128xi32, #tpu.memory_space<vmem>>
        %dma_start3A_348 = tpu.memref_squeeze %dma_start3A_347 : memref<1x128xi32, #tpu.memory_space<vmem>> -> memref<128xi32, #tpu.memory_space<vmem>>
        %dma_start3A_349 = arith.constant 0 : i32
        %dma_start3A_350 = arith.constant 0 : i32
        %dma_start3A_351 = tpu.memref_slice %arg2[%dma_start3A_349, %dma_start3A_350] : memref<10000x64xf32, #tpu.memory_space<hbm>> -> memref<10000x64xf32, #tpu.memory_space<hbm>>
        tpu.enqueue_indirect_dma source(%dma_start3A_351 : memref<10000x64xf32, #tpu.memory_space<hbm>>) target(%dma_start3A_345 : memref<128x64xf32, #tpu.memory_space<vmem>>) offsets(%dma_start3A_348 : memref<128xi32, #tpu.memory_space<vmem>>) semaphore(%arg13 : memref<!tpu.dma_semaphore, #tpu.memory_space<semaphore_mem>>)
      } else {
      }
      %mul3A_252 = arith.constant 2 : i32
      %mul3A_253 = arith.muli %scan3A_201, %mul3A_252 : i32
      %add3A_254 = arith.constant 0 : i32
      %add3A_255 = arith.addi %mul3A_253, %add3A_254 : i32
      %add3A_256 = arith.constant 0 : i32
      %add3A_257 = arith.addi %mul3A_219, %add3A_256 : i32
      %dma_wait3A_258 = arith.constant 0 : i32
      %dma_wait3A_259 = arith.constant 0 : i32
      %dma_wait3A_260 = tpu.memref_slice %arg9[%add3A_257, %dma_wait3A_258, %dma_wait3A_259] : memref<4x128x64xf32, #tpu.memory_space<vmem>> -> memref<1x128x64xf32, #tpu.memory_space<vmem>>
      %dma_wait3A_261 = tpu.memref_squeeze %dma_wait3A_260 : memref<1x128x64xf32, #tpu.memory_space<vmem>> -> memref<128x64xf32, #tpu.memory_space<vmem>>
      %dma_wait3A_262 = arith.constant 0 : i32
      %dma_wait3A_263 = tpu.memref_slice %arg7[%add3A_255, %dma_wait3A_262] : memref<80x128xi32, #tpu.memory_space<vmem>> -> memref<1x128xi32, #tpu.memory_space<vmem>>
      %dma_wait3A_264 = tpu.memref_squeeze %dma_wait3A_263 : memref<1x128xi32, #tpu.memory_space<vmem>> -> memref<128xi32, #tpu.memory_space<vmem>>
      %dma_wait3A_265 = arith.constant 0 : i32
      %dma_wait3A_266 = arith.constant 0 : i32
      %dma_wait3A_267 = tpu.memref_slice %arg2[%dma_wait3A_265, %dma_wait3A_266] : memref<10000x64xf32, #tpu.memory_space<hbm>> -> memref<10000x64xf32, #tpu.memory_space<hbm>>
      tpu.wait_indirect_dma semaphore(%arg13 : memref<!tpu.dma_semaphore, #tpu.memory_space<semaphore_mem>>) src(%dma_wait3A_267 : memref<10000x64xf32, #tpu.memory_space<hbm>>) dst(%dma_wait3A_261 : memref<128x64xf32, #tpu.memory_space<vmem>>)
      %mul3A_268 = arith.constant 2 : i32
      %mul3A_269 = arith.muli %scan3A_201, %mul3A_268 : i32
      %add3A_270 = arith.constant 1 : i32
      %add3A_271 = arith.addi %mul3A_269, %add3A_270 : i32
      %add3A_272 = arith.constant 1 : i32
      %add3A_273 = arith.addi %mul3A_219, %add3A_272 : i32
      %dma_wait3A_274 = arith.constant 0 : i32
      %dma_wait3A_275 = arith.constant 0 : i32
      %dma_wait3A_276 = tpu.memref_slice %arg9[%add3A_273, %dma_wait3A_274, %dma_wait3A_275] : memref<4x128x64xf32, #tpu.memory_space<vmem>> -> memref<1x128x64xf32, #tpu.memory_space<vmem>>
      %dma_wait3A_277 = tpu.memref_squeeze %dma_wait3A_276 : memref<1x128x64xf32, #tpu.memory_space<vmem>> -> memref<128x64xf32, #tpu.memory_space<vmem>>
      %dma_wait3A_278 = arith.constant 0 : i32
      %dma_wait3A_279 = tpu.memref_slice %arg7[%add3A_271, %dma_wait3A_278] : memref<80x128xi32, #tpu.memory_space<vmem>> -> memref<1x128xi32, #tpu.memory_space<vmem>>
      %dma_wait3A_280 = tpu.memref_squeeze %dma_wait3A_279 : memref<1x128xi32, #tpu.memory_space<vmem>> -> memref<128xi32, #tpu.memory_space<vmem>>
      %dma_wait3A_281 = arith.constant 0 : i32
      %dma_wait3A_282 = arith.constant 0 : i32
      %dma_wait3A_283 = tpu.memref_slice %arg2[%dma_wait3A_281, %dma_wait3A_282] : memref<10000x64xf32, #tpu.memory_space<hbm>> -> memref<10000x64xf32, #tpu.memory_space<hbm>>
      tpu.wait_indirect_dma semaphore(%arg13 : memref<!tpu.dma_semaphore, #tpu.memory_space<semaphore_mem>>) src(%dma_wait3A_283 : memref<10000x64xf32, #tpu.memory_space<hbm>>) dst(%dma_wait3A_277 : memref<128x64xf32, #tpu.memory_space<vmem>>)
      %mul3A_284 = arith.constant 2 : i32
      %mul3A_285 = arith.muli %scan3A_201, %mul3A_284 : i32
      %add3A_286 = arith.constant 0 : i32
      %add3A_287 = arith.addi %mul3A_285, %add3A_286 : i32
      %add3A_288 = arith.constant 0 : i32
      %add3A_289 = arith.addi %mul3A_219, %add3A_288 : i32
      %dma_start3A_290 = arith.constant 0 : i32
      %dma_start3A_291 = arith.constant 0 : i32
      %dma_start3A_292 = tpu.memref_slice %arg9[%add3A_289, %dma_start3A_290, %dma_start3A_291] : memref<4x128x64xf32, #tpu.memory_space<vmem>> -> memref<1x128x64xf32, #tpu.memory_space<vmem>>
      %dma_start3A_293 = tpu.memref_squeeze %dma_start3A_292 : memref<1x128x64xf32, #tpu.memory_space<vmem>> -> memref<128x64xf32, #tpu.memory_space<vmem>>
      %dma_start3A_294 = arith.constant 0 : i32
      %dma_start3A_295 = tpu.memref_slice %arg8[%add3A_287, %dma_start3A_294] : memref<80x128xi32, #tpu.memory_space<vmem>> -> memref<1x128xi32, #tpu.memory_space<vmem>>
      %dma_start3A_296 = tpu.memref_squeeze %dma_start3A_295 : memref<1x128xi32, #tpu.memory_space<vmem>> -> memref<128xi32, #tpu.memory_space<vmem>>
      %dma_start3A_297 = arith.constant 0 : i32
      %dma_start3A_298 = arith.constant 0 : i32
      %dma_start3A_299 = tpu.memref_slice %arg10[%dma_start3A_297, %dma_start3A_298] : memref<10112x64xf32, #tpu.memory_space<vmem_shared>> -> memref<10112x64xf32, #tpu.memory_space<vmem_shared>>
      tpu.enqueue_indirect_dma source(%dma_start3A_293 : memref<128x64xf32, #tpu.memory_space<vmem>>) target(%dma_start3A_299 : memref<10112x64xf32, #tpu.memory_space<vmem_shared>>) offsets(%dma_start3A_296 : memref<128xi32, #tpu.memory_space<vmem>>) semaphore(%arg14 : memref<!tpu.dma_semaphore, #tpu.memory_space<semaphore_mem>>) {add = true}
      %mul3A_300 = arith.constant 2 : i32
      %mul3A_301 = arith.muli %scan3A_201, %mul3A_300 : i32
      %add3A_302 = arith.constant 1 : i32
      %add3A_303 = arith.addi %mul3A_301, %add3A_302 : i32
      %add3A_304 = arith.constant 1 : i32
      %add3A_305 = arith.addi %mul3A_219, %add3A_304 : i32
      %dma_start3A_306 = arith.constant 0 : i32
      %dma_start3A_307 = arith.constant 0 : i32
      %dma_start3A_308 = tpu.memref_slice %arg9[%add3A_305, %dma_start3A_306, %dma_start3A_307] : memref<4x128x64xf32, #tpu.memory_space<vmem>> -> memref<1x128x64xf32, #tpu.memory_space<vmem>>
      %dma_start3A_309 = tpu.memref_squeeze %dma_start3A_308 : memref<1x128x64xf32, #tpu.memory_space<vmem>> -> memref<128x64xf32, #tpu.memory_space<vmem>>
      %dma_start3A_310 = arith.constant 0 : i32
      %dma_start3A_311 = tpu.memref_slice %arg8[%add3A_303, %dma_start3A_310] : memref<80x128xi32, #tpu.memory_space<vmem>> -> memref<1x128xi32, #tpu.memory_space<vmem>>
      %dma_start3A_312 = tpu.memref_squeeze %dma_start3A_311 : memref<1x128xi32, #tpu.memory_space<vmem>> -> memref<128xi32, #tpu.memory_space<vmem>>
      %dma_start3A_313 = arith.constant 0 : i32
      %dma_start3A_314 = arith.constant 0 : i32
      %dma_start3A_315 = tpu.memref_slice %arg10[%dma_start3A_313, %dma_start3A_314] : memref<10112x64xf32, #tpu.memory_space<vmem_shared>> -> memref<10112x64xf32, #tpu.memory_space<vmem_shared>>
      tpu.enqueue_indirect_dma source(%dma_start3A_309 : memref<128x64xf32, #tpu.memory_space<vmem>>) target(%dma_start3A_315 : memref<10112x64xf32, #tpu.memory_space<vmem_shared>>) offsets(%dma_start3A_312 : memref<128xi32, #tpu.memory_space<vmem>>) semaphore(%arg14 : memref<!tpu.dma_semaphore, #tpu.memory_space<semaphore_mem>>) {add = true}
    }
    %scan3A_69 = arith.constant 40 : i32
    %dma_wait3A_70 = arith.constant 2 : i32
    %dma_wait3A_71 = arith.constant 78 : i32
    %dma_wait3A_72 = arith.constant 0 : i32
    %dma_wait3A_73 = arith.constant 0 : i32
    %dma_wait3A_74 = tpu.memref_slice %arg9[%dma_wait3A_70, %dma_wait3A_72, %dma_wait3A_73] : memref<4x128x64xf32, #tpu.memory_space<vmem>> -> memref<1x128x64xf32, #tpu.memory_space<vmem>>
    %dma_wait3A_75 = tpu.memref_squeeze %dma_wait3A_74 : memref<1x128x64xf32, #tpu.memory_space<vmem>> -> memref<128x64xf32, #tpu.memory_space<vmem>>
    %dma_wait3A_76 = arith.constant 0 : i32
    %dma_wait3A_77 = tpu.memref_slice %arg8[%dma_wait3A_71, %dma_wait3A_76] : memref<80x128xi32, #tpu.memory_space<vmem>> -> memref<1x128xi32, #tpu.memory_space<vmem>>
    %dma_wait3A_78 = tpu.memref_squeeze %dma_wait3A_77 : memref<1x128xi32, #tpu.memory_space<vmem>> -> memref<128xi32, #tpu.memory_space<vmem>>
    %dma_wait3A_79 = arith.constant 0 : i32
    %dma_wait3A_80 = arith.constant 0 : i32
    %dma_wait3A_81 = tpu.memref_slice %arg10[%dma_wait3A_79, %dma_wait3A_80] : memref<10112x64xf32, #tpu.memory_space<vmem_shared>> -> memref<10112x64xf32, #tpu.memory_space<vmem_shared>>
    tpu.wait_indirect_dma semaphore(%arg14 : memref<!tpu.dma_semaphore, #tpu.memory_space<semaphore_mem>>) src(%dma_wait3A_75 : memref<128x64xf32, #tpu.memory_space<vmem>>) dst(%dma_wait3A_81 : memref<10112x64xf32, #tpu.memory_space<vmem_shared>>)
    %dma_wait3A_82 = arith.constant 3 : i32
    %dma_wait3A_83 = arith.constant 79 : i32
    %dma_wait3A_84 = arith.constant 0 : i32
    %dma_wait3A_85 = arith.constant 0 : i32
    %dma_wait3A_86 = tpu.memref_slice %arg9[%dma_wait3A_82, %dma_wait3A_84, %dma_wait3A_85] : memref<4x128x64xf32, #tpu.memory_space<vmem>> -> memref<1x128x64xf32, #tpu.memory_space<vmem>>
    %dma_wait3A_87 = tpu.memref_squeeze %dma_wait3A_86 : memref<1x128x64xf32, #tpu.memory_space<vmem>> -> memref<128x64xf32, #tpu.memory_space<vmem>>
    %dma_wait3A_88 = arith.constant 0 : i32
    %dma_wait3A_89 = tpu.memref_slice %arg8[%dma_wait3A_83, %dma_wait3A_88] : memref<80x128xi32, #tpu.memory_space<vmem>> -> memref<1x128xi32, #tpu.memory_space<vmem>>
    %dma_wait3A_90 = tpu.memref_squeeze %dma_wait3A_89 : memref<1x128xi32, #tpu.memory_space<vmem>> -> memref<128xi32, #tpu.memory_space<vmem>>
    %dma_wait3A_91 = arith.constant 0 : i32
    %dma_wait3A_92 = arith.constant 0 : i32
    %dma_wait3A_93 = tpu.memref_slice %arg10[%dma_wait3A_91, %dma_wait3A_92] : memref<10112x64xf32, #tpu.memory_space<vmem_shared>> -> memref<10112x64xf32, #tpu.memory_space<vmem_shared>>
    tpu.wait_indirect_dma semaphore(%arg14 : memref<!tpu.dma_semaphore, #tpu.memory_space<semaphore_mem>>) src(%dma_wait3A_87 : memref<128x64xf32, #tpu.memory_space<vmem>>) dst(%dma_wait3A_93 : memref<10112x64xf32, #tpu.memory_space<vmem_shared>>)
    %barrier3A_94 = arith.constant 0 : index
    tpu.barrier barrier_id(%barrier3A_94)
    "tpu.region"() ({
      %run_scoped3A = tpu.sem_alloc : memref<!tpu.dma_semaphore, #tpu.memory_space<semaphore_mem>>
      %dma_start3A_95 = arith.constant 0 : i32
      %dma_start3A_96 = tpu.memref_slice %arg6[%arg0, %mul3A_2, %dma_start3A_95] : memref<2x10112x64xf32, #tpu.memory_space<hbm>> -> memref<1x632x64xf32, #tpu.memory_space<hbm>>
      %dma_start3A_97 = tpu.memref_squeeze %dma_start3A_96 : memref<1x632x64xf32, #tpu.memory_space<hbm>> -> memref<632x64xf32, #tpu.memory_space<hbm>>
      %dma_start3A_98 = arith.constant 0 : i32
      %dma_start3A_99 = tpu.memref_slice %arg10[%mul3A_2, %dma_start3A_98] : memref<10112x64xf32, #tpu.memory_space<vmem_shared>> -> memref<632x64xf32, #tpu.memory_space<vmem_shared>>
      tpu.enqueue_dma source(%dma_start3A_99 : memref<632x64xf32, #tpu.memory_space<vmem_shared>>) target(%dma_start3A_97 : memref<632x64xf32, #tpu.memory_space<hbm>>) target_semaphore(%run_scoped3A : memref<!tpu.dma_semaphore, #tpu.memory_space<semaphore_mem>>)
      %dma_wait3A_100 = arith.constant 0 : i32
      %dma_wait3A_101 = tpu.memref_slice %arg6[%arg0, %mul3A_2, %dma_wait3A_100] : memref<2x10112x64xf32, #tpu.memory_space<hbm>> -> memref<1x632x64xf32, #tpu.memory_space<hbm>>
      %dma_wait3A_102 = tpu.memref_squeeze %dma_wait3A_101 : memref<1x632x64xf32, #tpu.memory_space<hbm>> -> memref<632x64xf32, #tpu.memory_space<hbm>>
      %dma_wait3A_103 = arith.constant 0 : i32
      %dma_wait3A_104 = tpu.memref_slice %arg10[%mul3A_2, %dma_wait3A_103] : memref<10112x64xf32, #tpu.memory_space<vmem_shared>> -> memref<632x64xf32, #tpu.memory_space<vmem_shared>>
      tpu.wait_dma2 semaphore(%run_scoped3A : memref<!tpu.dma_semaphore, #tpu.memory_space<semaphore_mem>>) src(%dma_wait3A_104 : memref<632x64xf32, #tpu.memory_space<vmem_shared>>) dst(%dma_wait3A_102 : memref<632x64xf32, #tpu.memory_space<hbm>>)
      tpu.yield
    }) : () -> ()
    return
  }
}

#map = affine_map<(d0, d1) -> (0, 0)>
#map1 = affine_map<(d0, d1) -> (0, 0, 0)>
module attributes {stable_mosaic.version = 14 : i64} {
  func.func @_sc_edge_body(%arg0: i32, %arg1: i32, %arg2: memref<10000x64xf32, #tpu.memory_space<hbm>>, %arg3: memref<32x80x128xi32, #tpu.memory_space<hbm>>, %arg4: memref<32x80x128xi32, #tpu.memory_space<hbm>>, %arg5: memref<10112x64xf32, #tpu.memory_space<hbm>>, %arg6: memref<2x10112x64xf32, #tpu.memory_space<hbm>>, %arg7: memref<80x128xi32, #tpu.memory_space<vmem>>, %arg8: memref<80x128xi32, #tpu.memory_space<vmem>>, %arg9: memref<4x128x64xf32, #tpu.memory_space<vmem>>, %arg10: memref<10112x64xf32, #tpu.memory_space<vmem_shared>>, %arg11: memref<!tpu.dma_semaphore, #tpu.memory_space<semaphore_mem>>, %arg12: memref<!tpu.dma_semaphore, #tpu.memory_space<semaphore_mem>>, %arg13: memref<!tpu.dma_semaphore, #tpu.memory_space<semaphore_mem>>, %arg14: memref<!tpu.dma_semaphore, #tpu.memory_space<semaphore_mem>>) attributes {dimension_semantics = [#tpu.dimension_semantics<core_parallel>, #tpu.dimension_semantics<subcore_parallel>], iteration_bounds = array<i64: 2, 16>, scalar_prefetch = 0 : i64, scratch_operands = 8 : i64, tpu.core_type = #tpu.core_type<sc_vector_subcore>, window_params = [{transform_indices = #map}, {transform_indices = #map1}, {transform_indices = #map1}, {transform_indices = #map}, {transform_indices = #map1}]} {
    %mul3A = arith.constant 2 : i32
    %mul3A_0 = arith.muli %arg1, %mul3A : i32
    %add3A = arith.addi %mul3A_0, %arg0 : i32
    %mul3A_1 = arith.constant 632 : i32
    %mul3A_2 = arith.muli %arg1, %mul3A_1 : i32
    %dma_start3A = arith.constant 0 : i32
    %dma_start3A_3 = arith.constant 0 : i32
    %dma_start3A_4 = tpu.memref_slice %arg3[%add3A, %dma_start3A, %dma_start3A_3] : memref<32x80x128xi32, #tpu.memory_space<hbm>> -> memref<1x80x128xi32, #tpu.memory_space<hbm>>
    %dma_start3A_5 = tpu.memref_squeeze %dma_start3A_4 : memref<1x80x128xi32, #tpu.memory_space<hbm>> -> memref<80x128xi32, #tpu.memory_space<hbm>>
    %dma_start3A_6 = arith.constant 0 : i32
    %dma_start3A_7 = arith.constant 0 : i32
    %dma_start3A_8 = tpu.memref_slice %arg3[%add3A, %dma_start3A_6, %dma_start3A_7] : memref<32x80x128xi32, #tpu.memory_space<hbm>> -> memref<1x80x128xi32, #tpu.memory_space<hbm>>
    %dma_start3A_9 = tpu.memref_squeeze %dma_start3A_8 : memref<1x80x128xi32, #tpu.memory_space<hbm>> -> memref<80x128xi32, #tpu.memory_space<hbm>>
    tpu.enqueue_dma source(%dma_start3A_9 : memref<80x128xi32, #tpu.memory_space<hbm>>) target(%arg7 : memref<80x128xi32, #tpu.memory_space<vmem>>) target_semaphore(%arg11 : memref<!tpu.dma_semaphore, #tpu.memory_space<semaphore_mem>>)
    %dma_start3A_10 = arith.constant 0 : i32
    %dma_start3A_11 = arith.constant 0 : i32
    %dma_start3A_12 = tpu.memref_slice %arg4[%add3A, %dma_start3A_10, %dma_start3A_11] : memref<32x80x128xi32, #tpu.memory_space<hbm>> -> memref<1x80x128xi32, #tpu.memory_space<hbm>>
    %dma_start3A_13 = tpu.memref_squeeze %dma_start3A_12 : memref<1x80x128xi32, #tpu.memory_space<hbm>> -> memref<80x128xi32, #tpu.memory_space<hbm>>
    %dma_start3A_14 = arith.constant 0 : i32
    %dma_start3A_15 = arith.constant 0 : i32
    %dma_start3A_16 = tpu.memref_slice %arg4[%add3A, %dma_start3A_14, %dma_start3A_15] : memref<32x80x128xi32, #tpu.memory_space<hbm>> -> memref<1x80x128xi32, #tpu.memory_space<hbm>>
    %dma_start3A_17 = tpu.memref_squeeze %dma_start3A_16 : memref<1x80x128xi32, #tpu.memory_space<hbm>> -> memref<80x128xi32, #tpu.memory_space<hbm>>
    tpu.enqueue_dma source(%dma_start3A_17 : memref<80x128xi32, #tpu.memory_space<hbm>>) target(%arg8 : memref<80x128xi32, #tpu.memory_space<vmem>>) target_semaphore(%arg12 : memref<!tpu.dma_semaphore, #tpu.memory_space<semaphore_mem>>)
    %dma_start3A_18 = arith.constant 0 : i32
    %dma_start3A_19 = tpu.memref_slice %arg10[%mul3A_2, %dma_start3A_18] : memref<10112x64xf32, #tpu.memory_space<vmem_shared>> -> memref<632x64xf32, #tpu.memory_space<vmem_shared>>
    %dma_start3A_20 = arith.constant 0 : i32
    %dma_start3A_21 = tpu.memref_slice %arg5[%mul3A_2, %dma_start3A_20] : memref<10112x64xf32, #tpu.memory_space<hbm>> -> memref<632x64xf32, #tpu.memory_space<hbm>>
    tpu.enqueue_dma source(%dma_start3A_21 : memref<632x64xf32, #tpu.memory_space<hbm>>) target(%dma_start3A_19 : memref<632x64xf32, #tpu.memory_space<vmem_shared>>) target_semaphore(%arg12 : memref<!tpu.dma_semaphore, #tpu.memory_space<semaphore_mem>>)
    %dma_wait3A = arith.constant 0 : i32
    %dma_wait3A_22 = arith.constant 0 : i32
    %dma_wait3A_23 = tpu.memref_slice %arg3[%add3A, %dma_wait3A, %dma_wait3A_22] : memref<32x80x128xi32, #tpu.memory_space<hbm>> -> memref<1x80x128xi32, #tpu.memory_space<hbm>>
    %dma_wait3A_24 = tpu.memref_squeeze %dma_wait3A_23 : memref<1x80x128xi32, #tpu.memory_space<hbm>> -> memref<80x128xi32, #tpu.memory_space<hbm>>
    %dma_wait3A_25 = arith.constant 0 : i32
    %dma_wait3A_26 = arith.constant 0 : i32
    %dma_wait3A_27 = tpu.memref_slice %arg3[%add3A, %dma_wait3A_25, %dma_wait3A_26] : memref<32x80x128xi32, #tpu.memory_space<hbm>> -> memref<1x80x128xi32, #tpu.memory_space<hbm>>
    %dma_wait3A_28 = tpu.memref_squeeze %dma_wait3A_27 : memref<1x80x128xi32, #tpu.memory_space<hbm>> -> memref<80x128xi32, #tpu.memory_space<hbm>>
    tpu.wait_dma2 semaphore(%arg11 : memref<!tpu.dma_semaphore, #tpu.memory_space<semaphore_mem>>) src(%dma_wait3A_28 : memref<80x128xi32, #tpu.memory_space<hbm>>) dst(%arg7 : memref<80x128xi32, #tpu.memory_space<vmem>>)
    %dma_start3A_29 = arith.constant 0 : i32
    %dma_start3A_30 = arith.constant 0 : i32
    %dma_start3A_31 = arith.constant 0 : i32
    %dma_start3A_32 = arith.constant 0 : i32
    %dma_start3A_33 = tpu.memref_slice %arg9[%dma_start3A_30, %dma_start3A_31, %dma_start3A_32] : memref<4x128x64xf32, #tpu.memory_space<vmem>> -> memref<1x128x64xf32, #tpu.memory_space<vmem>>
    %dma_start3A_34 = tpu.memref_squeeze %dma_start3A_33 : memref<1x128x64xf32, #tpu.memory_space<vmem>> -> memref<128x64xf32, #tpu.memory_space<vmem>>
    %dma_start3A_35 = arith.constant 0 : i32
    %dma_start3A_36 = tpu.memref_slice %arg7[%dma_start3A_29, %dma_start3A_35] : memref<80x128xi32, #tpu.memory_space<vmem>> -> memref<1x128xi32, #tpu.memory_space<vmem>>
    %dma_start3A_37 = tpu.memref_squeeze %dma_start3A_36 : memref<1x128xi32, #tpu.memory_space<vmem>> -> memref<128xi32, #tpu.memory_space<vmem>>
    %dma_start3A_38 = arith.constant 0 : i32
    %dma_start3A_39 = arith.constant 0 : i32
    %dma_start3A_40 = tpu.memref_slice %arg2[%dma_start3A_38, %dma_start3A_39] : memref<10000x64xf32, #tpu.memory_space<hbm>> -> memref<10000x64xf32, #tpu.memory_space<hbm>>
    tpu.enqueue_indirect_dma source(%dma_start3A_40 : memref<10000x64xf32, #tpu.memory_space<hbm>>) target(%dma_start3A_34 : memref<128x64xf32, #tpu.memory_space<vmem>>) offsets(%dma_start3A_37 : memref<128xi32, #tpu.memory_space<vmem>>) semaphore(%arg13 : memref<!tpu.dma_semaphore, #tpu.memory_space<semaphore_mem>>)
    %dma_start3A_41 = arith.constant 1 : i32
    %dma_start3A_42 = arith.constant 1 : i32
    %dma_start3A_43 = arith.constant 0 : i32
    %dma_start3A_44 = arith.constant 0 : i32
    %dma_start3A_45 = tpu.memref_slice %arg9[%dma_start3A_42, %dma_start3A_43, %dma_start3A_44] : memref<4x128x64xf32, #tpu.memory_space<vmem>> -> memref<1x128x64xf32, #tpu.memory_space<vmem>>
    %dma_start3A_46 = tpu.memref_squeeze %dma_start3A_45 : memref<1x128x64xf32, #tpu.memory_space<vmem>> -> memref<128x64xf32, #tpu.memory_space<vmem>>
    %dma_start3A_47 = arith.constant 0 : i32
    %dma_start3A_48 = tpu.memref_slice %arg7[%dma_start3A_41, %dma_start3A_47] : memref<80x128xi32, #tpu.memory_space<vmem>> -> memref<1x128xi32, #tpu.memory_space<vmem>>
    %dma_start3A_49 = tpu.memref_squeeze %dma_start3A_48 : memref<1x128xi32, #tpu.memory_space<vmem>> -> memref<128xi32, #tpu.memory_space<vmem>>
    %dma_start3A_50 = arith.constant 0 : i32
    %dma_start3A_51 = arith.constant 0 : i32
    %dma_start3A_52 = tpu.memref_slice %arg2[%dma_start3A_50, %dma_start3A_51] : memref<10000x64xf32, #tpu.memory_space<hbm>> -> memref<10000x64xf32, #tpu.memory_space<hbm>>
    tpu.enqueue_indirect_dma source(%dma_start3A_52 : memref<10000x64xf32, #tpu.memory_space<hbm>>) target(%dma_start3A_46 : memref<128x64xf32, #tpu.memory_space<vmem>>) offsets(%dma_start3A_49 : memref<128xi32, #tpu.memory_space<vmem>>) semaphore(%arg13 : memref<!tpu.dma_semaphore, #tpu.memory_space<semaphore_mem>>)
    %dma_wait3A_53 = arith.constant 0 : i32
    %dma_wait3A_54 = arith.constant 0 : i32
    %dma_wait3A_55 = tpu.memref_slice %arg4[%add3A, %dma_wait3A_53, %dma_wait3A_54] : memref<32x80x128xi32, #tpu.memory_space<hbm>> -> memref<1x80x128xi32, #tpu.memory_space<hbm>>
    %dma_wait3A_56 = tpu.memref_squeeze %dma_wait3A_55 : memref<1x80x128xi32, #tpu.memory_space<hbm>> -> memref<80x128xi32, #tpu.memory_space<hbm>>
    %dma_wait3A_57 = arith.constant 0 : i32
    %dma_wait3A_58 = arith.constant 0 : i32
    %dma_wait3A_59 = tpu.memref_slice %arg4[%add3A, %dma_wait3A_57, %dma_wait3A_58] : memref<32x80x128xi32, #tpu.memory_space<hbm>> -> memref<1x80x128xi32, #tpu.memory_space<hbm>>
    %dma_wait3A_60 = tpu.memref_squeeze %dma_wait3A_59 : memref<1x80x128xi32, #tpu.memory_space<hbm>> -> memref<80x128xi32, #tpu.memory_space<hbm>>
    tpu.wait_dma2 semaphore(%arg12 : memref<!tpu.dma_semaphore, #tpu.memory_space<semaphore_mem>>) src(%dma_wait3A_60 : memref<80x128xi32, #tpu.memory_space<hbm>>) dst(%arg8 : memref<80x128xi32, #tpu.memory_space<vmem>>)
    %dma_wait3A_61 = arith.constant 0 : i32
    %dma_wait3A_62 = tpu.memref_slice %arg10[%mul3A_2, %dma_wait3A_61] : memref<10112x64xf32, #tpu.memory_space<vmem_shared>> -> memref<632x64xf32, #tpu.memory_space<vmem_shared>>
    %dma_wait3A_63 = arith.constant 0 : i32
    %dma_wait3A_64 = tpu.memref_slice %arg5[%mul3A_2, %dma_wait3A_63] : memref<10112x64xf32, #tpu.memory_space<hbm>> -> memref<632x64xf32, #tpu.memory_space<hbm>>
    tpu.wait_dma2 semaphore(%arg12 : memref<!tpu.dma_semaphore, #tpu.memory_space<semaphore_mem>>) src(%dma_wait3A_64 : memref<632x64xf32, #tpu.memory_space<hbm>>) dst(%dma_wait3A_62 : memref<632x64xf32, #tpu.memory_space<vmem_shared>>)
    %barrier3A = arith.constant 0 : index
    tpu.barrier barrier_id(%barrier3A)
    %scan3A = arith.constant 0 : i32
    %scan3A_65 = arith.constant 0 : i32
    %scan3A_66 = arith.constant 40 : i32
    %scan3A_67 = arith.addi %scan3A_65, %scan3A_66 : i32
    %scan3A_68 = arith.constant 2 : i32
    scf.for %scan3A_95 = %scan3A_65 to %scan3A_67 step %scan3A_68  : i32 {
      %jit3A = arith.constant 2 : i32
      %eq3A = arith.constant 0 : i32
      %eq3A_96 = arith.cmpi eq, %jit3A, %eq3A : i32
      %jit3A_97 = arith.constant 1 : i32
      %select_n3A = arith.select %eq3A_96, %jit3A_97, %jit3A : i32
      %rem3A = arith.remsi %scan3A_95, %select_n3A : i32
      %ne3A = arith.constant 0 : i32
      %ne3A_98 = arith.cmpi ne, %rem3A, %ne3A : i32
      %lt3A = arith.constant 0 : i32
      %lt3A_99 = arith.cmpi slt, %rem3A, %lt3A : i32
      %lt3A_100 = arith.constant 0 : i32
      %lt3A_101 = arith.cmpi slt, %select_n3A, %lt3A_100 : i32
      %ne3A_102 = arith.xori %lt3A_99, %lt3A_101 : i1
      %and3A = arith.andi %ne3A_102, %ne3A_98 : i1
      %add3A_103 = arith.addi %rem3A, %select_n3A : i32
      %select_n3A_104 = arith.select %and3A, %add3A_103, %rem3A : i32
      %mul3A_105 = arith.constant 2 : i32
      %mul3A_106 = arith.muli %select_n3A_104, %mul3A_105 : i32
      %add3A_107 = arith.constant 1 : i32
      %add3A_108 = arith.addi %scan3A_95, %add3A_107 : i32
      %jit3A_109 = arith.constant 2 : i32
      %eq3A_110 = arith.constant 0 : i32
      %eq3A_111 = arith.cmpi eq, %jit3A_109, %eq3A_110 : i32
      %jit3A_112 = arith.constant 1 : i32
      %select_n3A_113 = arith.select %eq3A_111, %jit3A_112, %jit3A_109 : i32
      %rem3A_114 = arith.remsi %add3A_108, %select_n3A_113 : i32
      %ne3A_115 = arith.constant 0 : i32
      %ne3A_116 = arith.cmpi ne, %rem3A_114, %ne3A_115 : i32
      %lt3A_117 = arith.constant 0 : i32
      %lt3A_118 = arith.cmpi slt, %rem3A_114, %lt3A_117 : i32
      %lt3A_119 = arith.constant 0 : i32
      %lt3A_120 = arith.cmpi slt, %select_n3A_113, %lt3A_119 : i32
      %ne3A_121 = arith.xori %lt3A_118, %lt3A_120 : i1
      %and3A_122 = arith.andi %ne3A_121, %ne3A_116 : i1
      %add3A_123 = arith.addi %rem3A_114, %select_n3A_113 : i32
      %select_n3A_124 = arith.select %and3A_122, %add3A_123, %rem3A_114 : i32
      %mul3A_125 = arith.constant 2 : i32
      %mul3A_126 = arith.muli %select_n3A_124, %mul3A_125 : i32
      %gt3A = arith.constant 0 : i32
      %gt3A_127 = arith.cmpi sgt, %scan3A_95, %gt3A : i32
      %convert_element_type3A = arith.extui %gt3A_127 : i1 to i32
      %cond3A = arith.constant 0 : i32
      %cond3A_128 = arith.cmpi ne, %convert_element_type3A, %cond3A : i32
      scf.if %cond3A_128 {
        %sub3A = arith.constant 1 : i32
        %sub3A_316 = arith.subi %scan3A_95, %sub3A : i32
        %mul3A_317 = arith.constant 2 : i32
        %mul3A_318 = arith.muli %sub3A_316, %mul3A_317 : i32
        %add3A_319 = arith.constant 0 : i32
        %add3A_320 = arith.addi %mul3A_318, %add3A_319 : i32
        %add3A_321 = arith.constant 0 : i32
        %add3A_322 = arith.addi %mul3A_126, %add3A_321 : i32
        %dma_wait3A_323 = arith.constant 0 : i32
        %dma_wait3A_324 = arith.constant 0 : i32
        %dma_wait3A_325 = tpu.memref_slice %arg9[%add3A_322, %dma_wait3A_323, %dma_wait3A_324] : memref<4x128x64xf32, #tpu.memory_space<vmem>> -> memref<1x128x64xf32, #tpu.memory_space<vmem>>
        %dma_wait3A_326 = tpu.memref_squeeze %dma_wait3A_325 : memref<1x128x64xf32, #tpu.memory_space<vmem>> -> memref<128x64xf32, #tpu.memory_space<vmem>>
        %dma_wait3A_327 = arith.constant 0 : i32
        %dma_wait3A_328 = tpu.memref_slice %arg8[%add3A_320, %dma_wait3A_327] : memref<80x128xi32, #tpu.memory_space<vmem>> -> memref<1x128xi32, #tpu.memory_space<vmem>>
        %dma_wait3A_329 = tpu.memref_squeeze %dma_wait3A_328 : memref<1x128xi32, #tpu.memory_space<vmem>> -> memref<128xi32, #tpu.memory_space<vmem>>
        %dma_wait3A_330 = arith.constant 0 : i32
        %dma_wait3A_331 = arith.constant 0 : i32
        %dma_wait3A_332 = tpu.memref_slice %arg10[%dma_wait3A_330, %dma_wait3A_331] : memref<10112x64xf32, #tpu.memory_space<vmem_shared>> -> memref<10112x64xf32, #tpu.memory_space<vmem_shared>>
        tpu.wait_indirect_dma semaphore(%arg14 : memref<!tpu.dma_semaphore, #tpu.memory_space<semaphore_mem>>) src(%dma_wait3A_326 : memref<128x64xf32, #tpu.memory_space<vmem>>) dst(%dma_wait3A_332 : memref<10112x64xf32, #tpu.memory_space<vmem_shared>>)
        %sub3A_333 = arith.constant 1 : i32
        %sub3A_334 = arith.subi %scan3A_95, %sub3A_333 : i32
        %mul3A_335 = arith.constant 2 : i32
        %mul3A_336 = arith.muli %sub3A_334, %mul3A_335 : i32
        %add3A_337 = arith.constant 1 : i32
        %add3A_338 = arith.addi %mul3A_336, %add3A_337 : i32
        %add3A_339 = arith.constant 1 : i32
        %add3A_340 = arith.addi %mul3A_126, %add3A_339 : i32
        %dma_wait3A_341 = arith.constant 0 : i32
        %dma_wait3A_342 = arith.constant 0 : i32
        %dma_wait3A_343 = tpu.memref_slice %arg9[%add3A_340, %dma_wait3A_341, %dma_wait3A_342] : memref<4x128x64xf32, #tpu.memory_space<vmem>> -> memref<1x128x64xf32, #tpu.memory_space<vmem>>
        %dma_wait3A_344 = tpu.memref_squeeze %dma_wait3A_343 : memref<1x128x64xf32, #tpu.memory_space<vmem>> -> memref<128x64xf32, #tpu.memory_space<vmem>>
        %dma_wait3A_345 = arith.constant 0 : i32
        %dma_wait3A_346 = tpu.memref_slice %arg8[%add3A_338, %dma_wait3A_345] : memref<80x128xi32, #tpu.memory_space<vmem>> -> memref<1x128xi32, #tpu.memory_space<vmem>>
        %dma_wait3A_347 = tpu.memref_squeeze %dma_wait3A_346 : memref<1x128xi32, #tpu.memory_space<vmem>> -> memref<128xi32, #tpu.memory_space<vmem>>
        %dma_wait3A_348 = arith.constant 0 : i32
        %dma_wait3A_349 = arith.constant 0 : i32
        %dma_wait3A_350 = tpu.memref_slice %arg10[%dma_wait3A_348, %dma_wait3A_349] : memref<10112x64xf32, #tpu.memory_space<vmem_shared>> -> memref<10112x64xf32, #tpu.memory_space<vmem_shared>>
        tpu.wait_indirect_dma semaphore(%arg14 : memref<!tpu.dma_semaphore, #tpu.memory_space<semaphore_mem>>) src(%dma_wait3A_344 : memref<128x64xf32, #tpu.memory_space<vmem>>) dst(%dma_wait3A_350 : memref<10112x64xf32, #tpu.memory_space<vmem_shared>>)
      } else {
      }
      %add3A_129 = arith.constant 1 : i32
      %add3A_130 = arith.addi %scan3A_95, %add3A_129 : i32
      %lt3A_131 = arith.constant 40 : i32
      %lt3A_132 = arith.cmpi slt, %add3A_130, %lt3A_131 : i32
      %convert_element_type3A_133 = arith.extui %lt3A_132 : i1 to i32
      %cond3A_134 = arith.constant 0 : i32
      %cond3A_135 = arith.cmpi ne, %convert_element_type3A_133, %cond3A_134 : i32
      scf.if %cond3A_135 {
        %add3A_316 = arith.constant 1 : i32
        %add3A_317 = arith.addi %scan3A_95, %add3A_316 : i32
        %mul3A_318 = arith.constant 2 : i32
        %mul3A_319 = arith.muli %add3A_317, %mul3A_318 : i32
        %add3A_320 = arith.constant 0 : i32
        %add3A_321 = arith.addi %mul3A_319, %add3A_320 : i32
        %add3A_322 = arith.constant 0 : i32
        %add3A_323 = arith.addi %mul3A_126, %add3A_322 : i32
        %dma_start3A_324 = arith.constant 0 : i32
        %dma_start3A_325 = arith.constant 0 : i32
        %dma_start3A_326 = tpu.memref_slice %arg9[%add3A_323, %dma_start3A_324, %dma_start3A_325] : memref<4x128x64xf32, #tpu.memory_space<vmem>> -> memref<1x128x64xf32, #tpu.memory_space<vmem>>
        %dma_start3A_327 = tpu.memref_squeeze %dma_start3A_326 : memref<1x128x64xf32, #tpu.memory_space<vmem>> -> memref<128x64xf32, #tpu.memory_space<vmem>>
        %dma_start3A_328 = arith.constant 0 : i32
        %dma_start3A_329 = tpu.memref_slice %arg7[%add3A_321, %dma_start3A_328] : memref<80x128xi32, #tpu.memory_space<vmem>> -> memref<1x128xi32, #tpu.memory_space<vmem>>
        %dma_start3A_330 = tpu.memref_squeeze %dma_start3A_329 : memref<1x128xi32, #tpu.memory_space<vmem>> -> memref<128xi32, #tpu.memory_space<vmem>>
        %dma_start3A_331 = arith.constant 0 : i32
        %dma_start3A_332 = arith.constant 0 : i32
        %dma_start3A_333 = tpu.memref_slice %arg2[%dma_start3A_331, %dma_start3A_332] : memref<10000x64xf32, #tpu.memory_space<hbm>> -> memref<10000x64xf32, #tpu.memory_space<hbm>>
        tpu.enqueue_indirect_dma source(%dma_start3A_333 : memref<10000x64xf32, #tpu.memory_space<hbm>>) target(%dma_start3A_327 : memref<128x64xf32, #tpu.memory_space<vmem>>) offsets(%dma_start3A_330 : memref<128xi32, #tpu.memory_space<vmem>>) semaphore(%arg13 : memref<!tpu.dma_semaphore, #tpu.memory_space<semaphore_mem>>)
        %add3A_334 = arith.constant 1 : i32
        %add3A_335 = arith.addi %scan3A_95, %add3A_334 : i32
        %mul3A_336 = arith.constant 2 : i32
        %mul3A_337 = arith.muli %add3A_335, %mul3A_336 : i32
        %add3A_338 = arith.constant 1 : i32
        %add3A_339 = arith.addi %mul3A_337, %add3A_338 : i32
        %add3A_340 = arith.constant 1 : i32
        %add3A_341 = arith.addi %mul3A_126, %add3A_340 : i32
        %dma_start3A_342 = arith.constant 0 : i32
        %dma_start3A_343 = arith.constant 0 : i32
        %dma_start3A_344 = tpu.memref_slice %arg9[%add3A_341, %dma_start3A_342, %dma_start3A_343] : memref<4x128x64xf32, #tpu.memory_space<vmem>> -> memref<1x128x64xf32, #tpu.memory_space<vmem>>
        %dma_start3A_345 = tpu.memref_squeeze %dma_start3A_344 : memref<1x128x64xf32, #tpu.memory_space<vmem>> -> memref<128x64xf32, #tpu.memory_space<vmem>>
        %dma_start3A_346 = arith.constant 0 : i32
        %dma_start3A_347 = tpu.memref_slice %arg7[%add3A_339, %dma_start3A_346] : memref<80x128xi32, #tpu.memory_space<vmem>> -> memref<1x128xi32, #tpu.memory_space<vmem>>
        %dma_start3A_348 = tpu.memref_squeeze %dma_start3A_347 : memref<1x128xi32, #tpu.memory_space<vmem>> -> memref<128xi32, #tpu.memory_space<vmem>>
        %dma_start3A_349 = arith.constant 0 : i32
        %dma_start3A_350 = arith.constant 0 : i32
        %dma_start3A_351 = tpu.memref_slice %arg2[%dma_start3A_349, %dma_start3A_350] : memref<10000x64xf32, #tpu.memory_space<hbm>> -> memref<10000x64xf32, #tpu.memory_space<hbm>>
        tpu.enqueue_indirect_dma source(%dma_start3A_351 : memref<10000x64xf32, #tpu.memory_space<hbm>>) target(%dma_start3A_345 : memref<128x64xf32, #tpu.memory_space<vmem>>) offsets(%dma_start3A_348 : memref<128xi32, #tpu.memory_space<vmem>>) semaphore(%arg13 : memref<!tpu.dma_semaphore, #tpu.memory_space<semaphore_mem>>)
      } else {
      }
      %mul3A_136 = arith.constant 2 : i32
      %mul3A_137 = arith.muli %scan3A_95, %mul3A_136 : i32
      %add3A_138 = arith.constant 0 : i32
      %add3A_139 = arith.addi %mul3A_137, %add3A_138 : i32
      %add3A_140 = arith.constant 0 : i32
      %add3A_141 = arith.addi %mul3A_106, %add3A_140 : i32
      %dma_wait3A_142 = arith.constant 0 : i32
      %dma_wait3A_143 = arith.constant 0 : i32
      %dma_wait3A_144 = tpu.memref_slice %arg9[%add3A_141, %dma_wait3A_142, %dma_wait3A_143] : memref<4x128x64xf32, #tpu.memory_space<vmem>> -> memref<1x128x64xf32, #tpu.memory_space<vmem>>
      %dma_wait3A_145 = tpu.memref_squeeze %dma_wait3A_144 : memref<1x128x64xf32, #tpu.memory_space<vmem>> -> memref<128x64xf32, #tpu.memory_space<vmem>>
      %dma_wait3A_146 = arith.constant 0 : i32
      %dma_wait3A_147 = tpu.memref_slice %arg7[%add3A_139, %dma_wait3A_146] : memref<80x128xi32, #tpu.memory_space<vmem>> -> memref<1x128xi32, #tpu.memory_space<vmem>>
      %dma_wait3A_148 = tpu.memref_squeeze %dma_wait3A_147 : memref<1x128xi32, #tpu.memory_space<vmem>> -> memref<128xi32, #tpu.memory_space<vmem>>
      %dma_wait3A_149 = arith.constant 0 : i32
      %dma_wait3A_150 = arith.constant 0 : i32
      %dma_wait3A_151 = tpu.memref_slice %arg2[%dma_wait3A_149, %dma_wait3A_150] : memref<10000x64xf32, #tpu.memory_space<hbm>> -> memref<10000x64xf32, #tpu.memory_space<hbm>>
      tpu.wait_indirect_dma semaphore(%arg13 : memref<!tpu.dma_semaphore, #tpu.memory_space<semaphore_mem>>) src(%dma_wait3A_151 : memref<10000x64xf32, #tpu.memory_space<hbm>>) dst(%dma_wait3A_145 : memref<128x64xf32, #tpu.memory_space<vmem>>)
      %mul3A_152 = arith.constant 2 : i32
      %mul3A_153 = arith.muli %scan3A_95, %mul3A_152 : i32
      %add3A_154 = arith.constant 1 : i32
      %add3A_155 = arith.addi %mul3A_153, %add3A_154 : i32
      %add3A_156 = arith.constant 1 : i32
      %add3A_157 = arith.addi %mul3A_106, %add3A_156 : i32
      %dma_wait3A_158 = arith.constant 0 : i32
      %dma_wait3A_159 = arith.constant 0 : i32
      %dma_wait3A_160 = tpu.memref_slice %arg9[%add3A_157, %dma_wait3A_158, %dma_wait3A_159] : memref<4x128x64xf32, #tpu.memory_space<vmem>> -> memref<1x128x64xf32, #tpu.memory_space<vmem>>
      %dma_wait3A_161 = tpu.memref_squeeze %dma_wait3A_160 : memref<1x128x64xf32, #tpu.memory_space<vmem>> -> memref<128x64xf32, #tpu.memory_space<vmem>>
      %dma_wait3A_162 = arith.constant 0 : i32
      %dma_wait3A_163 = tpu.memref_slice %arg7[%add3A_155, %dma_wait3A_162] : memref<80x128xi32, #tpu.memory_space<vmem>> -> memref<1x128xi32, #tpu.memory_space<vmem>>
      %dma_wait3A_164 = tpu.memref_squeeze %dma_wait3A_163 : memref<1x128xi32, #tpu.memory_space<vmem>> -> memref<128xi32, #tpu.memory_space<vmem>>
      %dma_wait3A_165 = arith.constant 0 : i32
      %dma_wait3A_166 = arith.constant 0 : i32
      %dma_wait3A_167 = tpu.memref_slice %arg2[%dma_wait3A_165, %dma_wait3A_166] : memref<10000x64xf32, #tpu.memory_space<hbm>> -> memref<10000x64xf32, #tpu.memory_space<hbm>>
      tpu.wait_indirect_dma semaphore(%arg13 : memref<!tpu.dma_semaphore, #tpu.memory_space<semaphore_mem>>) src(%dma_wait3A_167 : memref<10000x64xf32, #tpu.memory_space<hbm>>) dst(%dma_wait3A_161 : memref<128x64xf32, #tpu.memory_space<vmem>>)
      %mul3A_168 = arith.constant 2 : i32
      %mul3A_169 = arith.muli %scan3A_95, %mul3A_168 : i32
      %add3A_170 = arith.constant 0 : i32
      %add3A_171 = arith.addi %mul3A_169, %add3A_170 : i32
      %add3A_172 = arith.constant 0 : i32
      %add3A_173 = arith.addi %mul3A_106, %add3A_172 : i32
      %dma_start3A_174 = arith.constant 0 : i32
      %dma_start3A_175 = arith.constant 0 : i32
      %dma_start3A_176 = tpu.memref_slice %arg9[%add3A_173, %dma_start3A_174, %dma_start3A_175] : memref<4x128x64xf32, #tpu.memory_space<vmem>> -> memref<1x128x64xf32, #tpu.memory_space<vmem>>
      %dma_start3A_177 = tpu.memref_squeeze %dma_start3A_176 : memref<1x128x64xf32, #tpu.memory_space<vmem>> -> memref<128x64xf32, #tpu.memory_space<vmem>>
      %dma_start3A_178 = arith.constant 0 : i32
      %dma_start3A_179 = tpu.memref_slice %arg8[%add3A_171, %dma_start3A_178] : memref<80x128xi32, #tpu.memory_space<vmem>> -> memref<1x128xi32, #tpu.memory_space<vmem>>
      %dma_start3A_180 = tpu.memref_squeeze %dma_start3A_179 : memref<1x128xi32, #tpu.memory_space<vmem>> -> memref<128xi32, #tpu.memory_space<vmem>>
      %dma_start3A_181 = arith.constant 0 : i32
      %dma_start3A_182 = arith.constant 0 : i32
      %dma_start3A_183 = tpu.memref_slice %arg10[%dma_start3A_181, %dma_start3A_182] : memref<10112x64xf32, #tpu.memory_space<vmem_shared>> -> memref<10112x64xf32, #tpu.memory_space<vmem_shared>>
      tpu.enqueue_indirect_dma source(%dma_start3A_177 : memref<128x64xf32, #tpu.memory_space<vmem>>) target(%dma_start3A_183 : memref<10112x64xf32, #tpu.memory_space<vmem_shared>>) offsets(%dma_start3A_180 : memref<128xi32, #tpu.memory_space<vmem>>) semaphore(%arg14 : memref<!tpu.dma_semaphore, #tpu.memory_space<semaphore_mem>>) {add = true}
      %mul3A_184 = arith.constant 2 : i32
      %mul3A_185 = arith.muli %scan3A_95, %mul3A_184 : i32
      %add3A_186 = arith.constant 1 : i32
      %add3A_187 = arith.addi %mul3A_185, %add3A_186 : i32
      %add3A_188 = arith.constant 1 : i32
      %add3A_189 = arith.addi %mul3A_106, %add3A_188 : i32
      %dma_start3A_190 = arith.constant 0 : i32
      %dma_start3A_191 = arith.constant 0 : i32
      %dma_start3A_192 = tpu.memref_slice %arg9[%add3A_189, %dma_start3A_190, %dma_start3A_191] : memref<4x128x64xf32, #tpu.memory_space<vmem>> -> memref<1x128x64xf32, #tpu.memory_space<vmem>>
      %dma_start3A_193 = tpu.memref_squeeze %dma_start3A_192 : memref<1x128x64xf32, #tpu.memory_space<vmem>> -> memref<128x64xf32, #tpu.memory_space<vmem>>
      %dma_start3A_194 = arith.constant 0 : i32
      %dma_start3A_195 = tpu.memref_slice %arg8[%add3A_187, %dma_start3A_194] : memref<80x128xi32, #tpu.memory_space<vmem>> -> memref<1x128xi32, #tpu.memory_space<vmem>>
      %dma_start3A_196 = tpu.memref_squeeze %dma_start3A_195 : memref<1x128xi32, #tpu.memory_space<vmem>> -> memref<128xi32, #tpu.memory_space<vmem>>
      %dma_start3A_197 = arith.constant 0 : i32
      %dma_start3A_198 = arith.constant 0 : i32
      %dma_start3A_199 = tpu.memref_slice %arg10[%dma_start3A_197, %dma_start3A_198] : memref<10112x64xf32, #tpu.memory_space<vmem_shared>> -> memref<10112x64xf32, #tpu.memory_space<vmem_shared>>
      tpu.enqueue_indirect_dma source(%dma_start3A_193 : memref<128x64xf32, #tpu.memory_space<vmem>>) target(%dma_start3A_199 : memref<10112x64xf32, #tpu.memory_space<vmem_shared>>) offsets(%dma_start3A_196 : memref<128xi32, #tpu.memory_space<vmem>>) semaphore(%arg14 : memref<!tpu.dma_semaphore, #tpu.memory_space<semaphore_mem>>) {add = true}
      %scan3A_200 = arith.constant 1 : i32
      %scan3A_201 = arith.addi %scan3A_95, %scan3A_200 : i32
      %jit3A_202 = arith.constant 2 : i32
      %eq3A_203 = arith.constant 0 : i32
      %eq3A_204 = arith.cmpi eq, %jit3A_202, %eq3A_203 : i32
      %jit3A_205 = arith.constant 1 : i32
      %select_n3A_206 = arith.select %eq3A_204, %jit3A_205, %jit3A_202 : i32
      %rem3A_207 = arith.remsi %scan3A_201, %select_n3A_206 : i32
      %ne3A_208 = arith.constant 0 : i32
      %ne3A_209 = arith.cmpi ne, %rem3A_207, %ne3A_208 : i32
      %lt3A_210 = arith.constant 0 : i32
      %lt3A_211 = arith.cmpi slt, %rem3A_207, %lt3A_210 : i32
      %lt3A_212 = arith.constant 0 : i32
      %lt3A_213 = arith.cmpi slt, %select_n3A_206, %lt3A_212 : i32
      %ne3A_214 = arith.xori %lt3A_211, %lt3A_213 : i1
      %and3A_215 = arith.andi %ne3A_214, %ne3A_209 : i1
      %add3A_216 = arith.addi %rem3A_207, %select_n3A_206 : i32
      %select_n3A_217 = arith.select %and3A_215, %add3A_216, %rem3A_207 : i32
      %mul3A_218 = arith.constant 2 : i32
      %mul3A_219 = arith.muli %select_n3A_217, %mul3A_218 : i32
      %add3A_220 = arith.constant 1 : i32
      %add3A_221 = arith.addi %scan3A_201, %add3A_220 : i32
      %jit3A_222 = arith.constant 2 : i32
      %eq3A_223 = arith.constant 0 : i32
      %eq3A_224 = arith.cmpi eq, %jit3A_222, %eq3A_223 : i32
      %jit3A_225 = arith.constant 1 : i32
      %select_n3A_226 = arith.select %eq3A_224, %jit3A_225, %jit3A_222 : i32
      %rem3A_227 = arith.remsi %add3A_221, %select_n3A_226 : i32
      %ne3A_228 = arith.constant 0 : i32
      %ne3A_229 = arith.cmpi ne, %rem3A_227, %ne3A_228 : i32
      %lt3A_230 = arith.constant 0 : i32
      %lt3A_231 = arith.cmpi slt, %rem3A_227, %lt3A_230 : i32
      %lt3A_232 = arith.constant 0 : i32
      %lt3A_233 = arith.cmpi slt, %select_n3A_226, %lt3A_232 : i32
      %ne3A_234 = arith.xori %lt3A_231, %lt3A_233 : i1
      %and3A_235 = arith.andi %ne3A_234, %ne3A_229 : i1
      %add3A_236 = arith.addi %rem3A_227, %select_n3A_226 : i32
      %select_n3A_237 = arith.select %and3A_235, %add3A_236, %rem3A_227 : i32
      %mul3A_238 = arith.constant 2 : i32
      %mul3A_239 = arith.muli %select_n3A_237, %mul3A_238 : i32
      %gt3A_240 = arith.constant 0 : i32
      %gt3A_241 = arith.cmpi sgt, %scan3A_201, %gt3A_240 : i32
      %convert_element_type3A_242 = arith.extui %gt3A_241 : i1 to i32
      %cond3A_243 = arith.constant 0 : i32
      %cond3A_244 = arith.cmpi ne, %convert_element_type3A_242, %cond3A_243 : i32
      scf.if %cond3A_244 {
        %sub3A = arith.constant 1 : i32
        %sub3A_316 = arith.subi %scan3A_201, %sub3A : i32
        %mul3A_317 = arith.constant 2 : i32
        %mul3A_318 = arith.muli %sub3A_316, %mul3A_317 : i32
        %add3A_319 = arith.constant 0 : i32
        %add3A_320 = arith.addi %mul3A_318, %add3A_319 : i32
        %add3A_321 = arith.constant 0 : i32
        %add3A_322 = arith.addi %mul3A_239, %add3A_321 : i32
        %dma_wait3A_323 = arith.constant 0 : i32
        %dma_wait3A_324 = arith.constant 0 : i32
        %dma_wait3A_325 = tpu.memref_slice %arg9[%add3A_322, %dma_wait3A_323, %dma_wait3A_324] : memref<4x128x64xf32, #tpu.memory_space<vmem>> -> memref<1x128x64xf32, #tpu.memory_space<vmem>>
        %dma_wait3A_326 = tpu.memref_squeeze %dma_wait3A_325 : memref<1x128x64xf32, #tpu.memory_space<vmem>> -> memref<128x64xf32, #tpu.memory_space<vmem>>
        %dma_wait3A_327 = arith.constant 0 : i32
        %dma_wait3A_328 = tpu.memref_slice %arg8[%add3A_320, %dma_wait3A_327] : memref<80x128xi32, #tpu.memory_space<vmem>> -> memref<1x128xi32, #tpu.memory_space<vmem>>
        %dma_wait3A_329 = tpu.memref_squeeze %dma_wait3A_328 : memref<1x128xi32, #tpu.memory_space<vmem>> -> memref<128xi32, #tpu.memory_space<vmem>>
        %dma_wait3A_330 = arith.constant 0 : i32
        %dma_wait3A_331 = arith.constant 0 : i32
        %dma_wait3A_332 = tpu.memref_slice %arg10[%dma_wait3A_330, %dma_wait3A_331] : memref<10112x64xf32, #tpu.memory_space<vmem_shared>> -> memref<10112x64xf32, #tpu.memory_space<vmem_shared>>
        tpu.wait_indirect_dma semaphore(%arg14 : memref<!tpu.dma_semaphore, #tpu.memory_space<semaphore_mem>>) src(%dma_wait3A_326 : memref<128x64xf32, #tpu.memory_space<vmem>>) dst(%dma_wait3A_332 : memref<10112x64xf32, #tpu.memory_space<vmem_shared>>)
        %sub3A_333 = arith.constant 1 : i32
        %sub3A_334 = arith.subi %scan3A_201, %sub3A_333 : i32
        %mul3A_335 = arith.constant 2 : i32
        %mul3A_336 = arith.muli %sub3A_334, %mul3A_335 : i32
        %add3A_337 = arith.constant 1 : i32
        %add3A_338 = arith.addi %mul3A_336, %add3A_337 : i32
        %add3A_339 = arith.constant 1 : i32
        %add3A_340 = arith.addi %mul3A_239, %add3A_339 : i32
        %dma_wait3A_341 = arith.constant 0 : i32
        %dma_wait3A_342 = arith.constant 0 : i32
        %dma_wait3A_343 = tpu.memref_slice %arg9[%add3A_340, %dma_wait3A_341, %dma_wait3A_342] : memref<4x128x64xf32, #tpu.memory_space<vmem>> -> memref<1x128x64xf32, #tpu.memory_space<vmem>>
        %dma_wait3A_344 = tpu.memref_squeeze %dma_wait3A_343 : memref<1x128x64xf32, #tpu.memory_space<vmem>> -> memref<128x64xf32, #tpu.memory_space<vmem>>
        %dma_wait3A_345 = arith.constant 0 : i32
        %dma_wait3A_346 = tpu.memref_slice %arg8[%add3A_338, %dma_wait3A_345] : memref<80x128xi32, #tpu.memory_space<vmem>> -> memref<1x128xi32, #tpu.memory_space<vmem>>
        %dma_wait3A_347 = tpu.memref_squeeze %dma_wait3A_346 : memref<1x128xi32, #tpu.memory_space<vmem>> -> memref<128xi32, #tpu.memory_space<vmem>>
        %dma_wait3A_348 = arith.constant 0 : i32
        %dma_wait3A_349 = arith.constant 0 : i32
        %dma_wait3A_350 = tpu.memref_slice %arg10[%dma_wait3A_348, %dma_wait3A_349] : memref<10112x64xf32, #tpu.memory_space<vmem_shared>> -> memref<10112x64xf32, #tpu.memory_space<vmem_shared>>
        tpu.wait_indirect_dma semaphore(%arg14 : memref<!tpu.dma_semaphore, #tpu.memory_space<semaphore_mem>>) src(%dma_wait3A_344 : memref<128x64xf32, #tpu.memory_space<vmem>>) dst(%dma_wait3A_350 : memref<10112x64xf32, #tpu.memory_space<vmem_shared>>)
      } else {
      }
      %add3A_245 = arith.constant 1 : i32
      %add3A_246 = arith.addi %scan3A_201, %add3A_245 : i32
      %lt3A_247 = arith.constant 40 : i32
      %lt3A_248 = arith.cmpi slt, %add3A_246, %lt3A_247 : i32
      %convert_element_type3A_249 = arith.extui %lt3A_248 : i1 to i32
      %cond3A_250 = arith.constant 0 : i32
      %cond3A_251 = arith.cmpi ne, %convert_element_type3A_249, %cond3A_250 : i32
      scf.if %cond3A_251 {
        %add3A_316 = arith.constant 1 : i32
        %add3A_317 = arith.addi %scan3A_201, %add3A_316 : i32
        %mul3A_318 = arith.constant 2 : i32
        %mul3A_319 = arith.muli %add3A_317, %mul3A_318 : i32
        %add3A_320 = arith.constant 0 : i32
        %add3A_321 = arith.addi %mul3A_319, %add3A_320 : i32
        %add3A_322 = arith.constant 0 : i32
        %add3A_323 = arith.addi %mul3A_239, %add3A_322 : i32
        %dma_start3A_324 = arith.constant 0 : i32
        %dma_start3A_325 = arith.constant 0 : i32
        %dma_start3A_326 = tpu.memref_slice %arg9[%add3A_323, %dma_start3A_324, %dma_start3A_325] : memref<4x128x64xf32, #tpu.memory_space<vmem>> -> memref<1x128x64xf32, #tpu.memory_space<vmem>>
        %dma_start3A_327 = tpu.memref_squeeze %dma_start3A_326 : memref<1x128x64xf32, #tpu.memory_space<vmem>> -> memref<128x64xf32, #tpu.memory_space<vmem>>
        %dma_start3A_328 = arith.constant 0 : i32
        %dma_start3A_329 = tpu.memref_slice %arg7[%add3A_321, %dma_start3A_328] : memref<80x128xi32, #tpu.memory_space<vmem>> -> memref<1x128xi32, #tpu.memory_space<vmem>>
        %dma_start3A_330 = tpu.memref_squeeze %dma_start3A_329 : memref<1x128xi32, #tpu.memory_space<vmem>> -> memref<128xi32, #tpu.memory_space<vmem>>
        %dma_start3A_331 = arith.constant 0 : i32
        %dma_start3A_332 = arith.constant 0 : i32
        %dma_start3A_333 = tpu.memref_slice %arg2[%dma_start3A_331, %dma_start3A_332] : memref<10000x64xf32, #tpu.memory_space<hbm>> -> memref<10000x64xf32, #tpu.memory_space<hbm>>
        tpu.enqueue_indirect_dma source(%dma_start3A_333 : memref<10000x64xf32, #tpu.memory_space<hbm>>) target(%dma_start3A_327 : memref<128x64xf32, #tpu.memory_space<vmem>>) offsets(%dma_start3A_330 : memref<128xi32, #tpu.memory_space<vmem>>) semaphore(%arg13 : memref<!tpu.dma_semaphore, #tpu.memory_space<semaphore_mem>>)
        %add3A_334 = arith.constant 1 : i32
        %add3A_335 = arith.addi %scan3A_201, %add3A_334 : i32
        %mul3A_336 = arith.constant 2 : i32
        %mul3A_337 = arith.muli %add3A_335, %mul3A_336 : i32
        %add3A_338 = arith.constant 1 : i32
        %add3A_339 = arith.addi %mul3A_337, %add3A_338 : i32
        %add3A_340 = arith.constant 1 : i32
        %add3A_341 = arith.addi %mul3A_239, %add3A_340 : i32
        %dma_start3A_342 = arith.constant 0 : i32
        %dma_start3A_343 = arith.constant 0 : i32
        %dma_start3A_344 = tpu.memref_slice %arg9[%add3A_341, %dma_start3A_342, %dma_start3A_343] : memref<4x128x64xf32, #tpu.memory_space<vmem>> -> memref<1x128x64xf32, #tpu.memory_space<vmem>>
        %dma_start3A_345 = tpu.memref_squeeze %dma_start3A_344 : memref<1x128x64xf32, #tpu.memory_space<vmem>> -> memref<128x64xf32, #tpu.memory_space<vmem>>
        %dma_start3A_346 = arith.constant 0 : i32
        %dma_start3A_347 = tpu.memref_slice %arg7[%add3A_339, %dma_start3A_346] : memref<80x128xi32, #tpu.memory_space<vmem>> -> memref<1x128xi32, #tpu.memory_space<vmem>>
        %dma_start3A_348 = tpu.memref_squeeze %dma_start3A_347 : memref<1x128xi32, #tpu.memory_space<vmem>> -> memref<128xi32, #tpu.memory_space<vmem>>
        %dma_start3A_349 = arith.constant 0 : i32
        %dma_start3A_350 = arith.constant 0 : i32
        %dma_start3A_351 = tpu.memref_slice %arg2[%dma_start3A_349, %dma_start3A_350] : memref<10000x64xf32, #tpu.memory_space<hbm>> -> memref<10000x64xf32, #tpu.memory_space<hbm>>
        tpu.enqueue_indirect_dma source(%dma_start3A_351 : memref<10000x64xf32, #tpu.memory_space<hbm>>) target(%dma_start3A_345 : memref<128x64xf32, #tpu.memory_space<vmem>>) offsets(%dma_start3A_348 : memref<128xi32, #tpu.memory_space<vmem>>) semaphore(%arg13 : memref<!tpu.dma_semaphore, #tpu.memory_space<semaphore_mem>>)
      } else {
      }
      %mul3A_252 = arith.constant 2 : i32
      %mul3A_253 = arith.muli %scan3A_201, %mul3A_252 : i32
      %add3A_254 = arith.constant 0 : i32
      %add3A_255 = arith.addi %mul3A_253, %add3A_254 : i32
      %add3A_256 = arith.constant 0 : i32
      %add3A_257 = arith.addi %mul3A_219, %add3A_256 : i32
      %dma_wait3A_258 = arith.constant 0 : i32
      %dma_wait3A_259 = arith.constant 0 : i32
      %dma_wait3A_260 = tpu.memref_slice %arg9[%add3A_257, %dma_wait3A_258, %dma_wait3A_259] : memref<4x128x64xf32, #tpu.memory_space<vmem>> -> memref<1x128x64xf32, #tpu.memory_space<vmem>>
      %dma_wait3A_261 = tpu.memref_squeeze %dma_wait3A_260 : memref<1x128x64xf32, #tpu.memory_space<vmem>> -> memref<128x64xf32, #tpu.memory_space<vmem>>
      %dma_wait3A_262 = arith.constant 0 : i32
      %dma_wait3A_263 = tpu.memref_slice %arg7[%add3A_255, %dma_wait3A_262] : memref<80x128xi32, #tpu.memory_space<vmem>> -> memref<1x128xi32, #tpu.memory_space<vmem>>
      %dma_wait3A_264 = tpu.memref_squeeze %dma_wait3A_263 : memref<1x128xi32, #tpu.memory_space<vmem>> -> memref<128xi32, #tpu.memory_space<vmem>>
      %dma_wait3A_265 = arith.constant 0 : i32
      %dma_wait3A_266 = arith.constant 0 : i32
      %dma_wait3A_267 = tpu.memref_slice %arg2[%dma_wait3A_265, %dma_wait3A_266] : memref<10000x64xf32, #tpu.memory_space<hbm>> -> memref<10000x64xf32, #tpu.memory_space<hbm>>
      tpu.wait_indirect_dma semaphore(%arg13 : memref<!tpu.dma_semaphore, #tpu.memory_space<semaphore_mem>>) src(%dma_wait3A_267 : memref<10000x64xf32, #tpu.memory_space<hbm>>) dst(%dma_wait3A_261 : memref<128x64xf32, #tpu.memory_space<vmem>>)
      %mul3A_268 = arith.constant 2 : i32
      %mul3A_269 = arith.muli %scan3A_201, %mul3A_268 : i32
      %add3A_270 = arith.constant 1 : i32
      %add3A_271 = arith.addi %mul3A_269, %add3A_270 : i32
      %add3A_272 = arith.constant 1 : i32
      %add3A_273 = arith.addi %mul3A_219, %add3A_272 : i32
      %dma_wait3A_274 = arith.constant 0 : i32
      %dma_wait3A_275 = arith.constant 0 : i32
      %dma_wait3A_276 = tpu.memref_slice %arg9[%add3A_273, %dma_wait3A_274, %dma_wait3A_275] : memref<4x128x64xf32, #tpu.memory_space<vmem>> -> memref<1x128x64xf32, #tpu.memory_space<vmem>>
      %dma_wait3A_277 = tpu.memref_squeeze %dma_wait3A_276 : memref<1x128x64xf32, #tpu.memory_space<vmem>> -> memref<128x64xf32, #tpu.memory_space<vmem>>
      %dma_wait3A_278 = arith.constant 0 : i32
      %dma_wait3A_279 = tpu.memref_slice %arg7[%add3A_271, %dma_wait3A_278] : memref<80x128xi32, #tpu.memory_space<vmem>> -> memref<1x128xi32, #tpu.memory_space<vmem>>
      %dma_wait3A_280 = tpu.memref_squeeze %dma_wait3A_279 : memref<1x128xi32, #tpu.memory_space<vmem>> -> memref<128xi32, #tpu.memory_space<vmem>>
      %dma_wait3A_281 = arith.constant 0 : i32
      %dma_wait3A_282 = arith.constant 0 : i32
      %dma_wait3A_283 = tpu.memref_slice %arg2[%dma_wait3A_281, %dma_wait3A_282] : memref<10000x64xf32, #tpu.memory_space<hbm>> -> memref<10000x64xf32, #tpu.memory_space<hbm>>
      tpu.wait_indirect_dma semaphore(%arg13 : memref<!tpu.dma_semaphore, #tpu.memory_space<semaphore_mem>>) src(%dma_wait3A_283 : memref<10000x64xf32, #tpu.memory_space<hbm>>) dst(%dma_wait3A_277 : memref<128x64xf32, #tpu.memory_space<vmem>>)
      %mul3A_284 = arith.constant 2 : i32
      %mul3A_285 = arith.muli %scan3A_201, %mul3A_284 : i32
      %add3A_286 = arith.constant 0 : i32
      %add3A_287 = arith.addi %mul3A_285, %add3A_286 : i32
      %add3A_288 = arith.constant 0 : i32
      %add3A_289 = arith.addi %mul3A_219, %add3A_288 : i32
      %dma_start3A_290 = arith.constant 0 : i32
      %dma_start3A_291 = arith.constant 0 : i32
      %dma_start3A_292 = tpu.memref_slice %arg9[%add3A_289, %dma_start3A_290, %dma_start3A_291] : memref<4x128x64xf32, #tpu.memory_space<vmem>> -> memref<1x128x64xf32, #tpu.memory_space<vmem>>
      %dma_start3A_293 = tpu.memref_squeeze %dma_start3A_292 : memref<1x128x64xf32, #tpu.memory_space<vmem>> -> memref<128x64xf32, #tpu.memory_space<vmem>>
      %dma_start3A_294 = arith.constant 0 : i32
      %dma_start3A_295 = tpu.memref_slice %arg8[%add3A_287, %dma_start3A_294] : memref<80x128xi32, #tpu.memory_space<vmem>> -> memref<1x128xi32, #tpu.memory_space<vmem>>
      %dma_start3A_296 = tpu.memref_squeeze %dma_start3A_295 : memref<1x128xi32, #tpu.memory_space<vmem>> -> memref<128xi32, #tpu.memory_space<vmem>>
      %dma_start3A_297 = arith.constant 0 : i32
      %dma_start3A_298 = arith.constant 0 : i32
      %dma_start3A_299 = tpu.memref_slice %arg10[%dma_start3A_297, %dma_start3A_298] : memref<10112x64xf32, #tpu.memory_space<vmem_shared>> -> memref<10112x64xf32, #tpu.memory_space<vmem_shared>>
      tpu.enqueue_indirect_dma source(%dma_start3A_293 : memref<128x64xf32, #tpu.memory_space<vmem>>) target(%dma_start3A_299 : memref<10112x64xf32, #tpu.memory_space<vmem_shared>>) offsets(%dma_start3A_296 : memref<128xi32, #tpu.memory_space<vmem>>) semaphore(%arg14 : memref<!tpu.dma_semaphore, #tpu.memory_space<semaphore_mem>>) {add = true}
      %mul3A_300 = arith.constant 2 : i32
      %mul3A_301 = arith.muli %scan3A_201, %mul3A_300 : i32
      %add3A_302 = arith.constant 1 : i32
      %add3A_303 = arith.addi %mul3A_301, %add3A_302 : i32
      %add3A_304 = arith.constant 1 : i32
      %add3A_305 = arith.addi %mul3A_219, %add3A_304 : i32
      %dma_start3A_306 = arith.constant 0 : i32
      %dma_start3A_307 = arith.constant 0 : i32
      %dma_start3A_308 = tpu.memref_slice %arg9[%add3A_305, %dma_start3A_306, %dma_start3A_307] : memref<4x128x64xf32, #tpu.memory_space<vmem>> -> memref<1x128x64xf32, #tpu.memory_space<vmem>>
      %dma_start3A_309 = tpu.memref_squeeze %dma_start3A_308 : memref<1x128x64xf32, #tpu.memory_space<vmem>> -> memref<128x64xf32, #tpu.memory_space<vmem>>
      %dma_start3A_310 = arith.constant 0 : i32
      %dma_start3A_311 = tpu.memref_slice %arg8[%add3A_303, %dma_start3A_310] : memref<80x128xi32, #tpu.memory_space<vmem>> -> memref<1x128xi32, #tpu.memory_space<vmem>>
      %dma_start3A_312 = tpu.memref_squeeze %dma_start3A_311 : memref<1x128xi32, #tpu.memory_space<vmem>> -> memref<128xi32, #tpu.memory_space<vmem>>
      %dma_start3A_313 = arith.constant 0 : i32
      %dma_start3A_314 = arith.constant 0 : i32
      %dma_start3A_315 = tpu.memref_slice %arg10[%dma_start3A_313, %dma_start3A_314] : memref<10112x64xf32, #tpu.memory_space<vmem_shared>> -> memref<10112x64xf32, #tpu.memory_space<vmem_shared>>
      tpu.enqueue_indirect_dma source(%dma_start3A_309 : memref<128x64xf32, #tpu.memory_space<vmem>>) target(%dma_start3A_315 : memref<10112x64xf32, #tpu.memory_space<vmem_shared>>) offsets(%dma_start3A_312 : memref<128xi32, #tpu.memory_space<vmem>>) semaphore(%arg14 : memref<!tpu.dma_semaphore, #tpu.memory_space<semaphore_mem>>) {add = true}
    }
    %scan3A_69 = arith.constant 40 : i32
    %dma_wait3A_70 = arith.constant 2 : i32
    %dma_wait3A_71 = arith.constant 78 : i32
    %dma_wait3A_72 = arith.constant 0 : i32
    %dma_wait3A_73 = arith.constant 0 : i32
    %dma_wait3A_74 = tpu.memref_slice %arg9[%dma_wait3A_70, %dma_wait3A_72, %dma_wait3A_73] : memref<4x128x64xf32, #tpu.memory_space<vmem>> -> memref<1x128x64xf32, #tpu.memory_space<vmem>>
    %dma_wait3A_75 = tpu.memref_squeeze %dma_wait3A_74 : memref<1x128x64xf32, #tpu.memory_space<vmem>> -> memref<128x64xf32, #tpu.memory_space<vmem>>
    %dma_wait3A_76 = arith.constant 0 : i32
    %dma_wait3A_77 = tpu.memref_slice %arg8[%dma_wait3A_71, %dma_wait3A_76] : memref<80x128xi32, #tpu.memory_space<vmem>> -> memref<1x128xi32, #tpu.memory_space<vmem>>
    %dma_wait3A_78 = tpu.memref_squeeze %dma_wait3A_77 : memref<1x128xi32, #tpu.memory_space<vmem>> -> memref<128xi32, #tpu.memory_space<vmem>>
    %dma_wait3A_79 = arith.constant 0 : i32
    %dma_wait3A_80 = arith.constant 0 : i32
    %dma_wait3A_81 = tpu.memref_slice %arg10[%dma_wait3A_79, %dma_wait3A_80] : memref<10112x64xf32, #tpu.memory_space<vmem_shared>> -> memref<10112x64xf32, #tpu.memory_space<vmem_shared>>
    tpu.wait_indirect_dma semaphore(%arg14 : memref<!tpu.dma_semaphore, #tpu.memory_space<semaphore_mem>>) src(%dma_wait3A_75 : memref<128x64xf32, #tpu.memory_space<vmem>>) dst(%dma_wait3A_81 : memref<10112x64xf32, #tpu.memory_space<vmem_shared>>)
    %dma_wait3A_82 = arith.constant 3 : i32
    %dma_wait3A_83 = arith.constant 79 : i32
    %dma_wait3A_84 = arith.constant 0 : i32
    %dma_wait3A_85 = arith.constant 0 : i32
    %dma_wait3A_86 = tpu.memref_slice %arg9[%dma_wait3A_82, %dma_wait3A_84, %dma_wait3A_85] : memref<4x128x64xf32, #tpu.memory_space<vmem>> -> memref<1x128x64xf32, #tpu.memory_space<vmem>>
    %dma_wait3A_87 = tpu.memref_squeeze %dma_wait3A_86 : memref<1x128x64xf32, #tpu.memory_space<vmem>> -> memref<128x64xf32, #tpu.memory_space<vmem>>
    %dma_wait3A_88 = arith.constant 0 : i32
    %dma_wait3A_89 = tpu.memref_slice %arg8[%dma_wait3A_83, %dma_wait3A_88] : memref<80x128xi32, #tpu.memory_space<vmem>> -> memref<1x128xi32, #tpu.memory_space<vmem>>
    %dma_wait3A_90 = tpu.memref_squeeze %dma_wait3A_89 : memref<1x128xi32, #tpu.memory_space<vmem>> -> memref<128xi32, #tpu.memory_space<vmem>>
    %dma_wait3A_91 = arith.constant 0 : i32
    %dma_wait3A_92 = arith.constant 0 : i32
    %dma_wait3A_93 = tpu.memref_slice %arg10[%dma_wait3A_91, %dma_wait3A_92] : memref<10112x64xf32, #tpu.memory_space<vmem_shared>> -> memref<10112x64xf32, #tpu.memory_space<vmem_shared>>
    tpu.wait_indirect_dma semaphore(%arg14 : memref<!tpu.dma_semaphore, #tpu.memory_space<semaphore_mem>>) src(%dma_wait3A_87 : memref<128x64xf32, #tpu.memory_space<vmem>>) dst(%dma_wait3A_93 : memref<10112x64xf32, #tpu.memory_space<vmem_shared>>)
    %barrier3A_94 = arith.constant 0 : index
    tpu.barrier barrier_id(%barrier3A_94)
    "tpu.region"() ({
      %run_scoped3A = tpu.sem_alloc : memref<!tpu.dma_semaphore, #tpu.memory_space<semaphore_mem>>
      %dma_start3A_95 = arith.constant 0 : i32
      %dma_start3A_96 = tpu.memref_slice %arg6[%arg0, %mul3A_2, %dma_start3A_95] : memref<2x10112x64xf32, #tpu.memory_space<hbm>> -> memref<1x632x64xf32, #tpu.memory_space<hbm>>
      %dma_start3A_97 = tpu.memref_squeeze %dma_start3A_96 : memref<1x632x64xf32, #tpu.memory_space<hbm>> -> memref<632x64xf32, #tpu.memory_space<hbm>>
      %dma_start3A_98 = arith.constant 0 : i32
      %dma_start3A_99 = tpu.memref_slice %arg10[%mul3A_2, %dma_start3A_98] : memref<10112x64xf32, #tpu.memory_space<vmem_shared>> -> memref<632x64xf32, #tpu.memory_space<vmem_shared>>
      tpu.enqueue_dma source(%dma_start3A_99 : memref<632x64xf32, #tpu.memory_space<vmem_shared>>) target(%dma_start3A_97 : memref<632x64xf32, #tpu.memory_space<hbm>>) target_semaphore(%run_scoped3A : memref<!tpu.dma_semaphore, #tpu.memory_space<semaphore_mem>>)
      %dma_wait3A_100 = arith.constant 0 : i32
      %dma_wait3A_101 = tpu.memref_slice %arg6[%arg0, %mul3A_2, %dma_wait3A_100] : memref<2x10112x64xf32, #tpu.memory_space<hbm>> -> memref<1x632x64xf32, #tpu.memory_space<hbm>>
      %dma_wait3A_102 = tpu.memref_squeeze %dma_wait3A_101 : memref<1x632x64xf32, #tpu.memory_space<hbm>> -> memref<632x64xf32, #tpu.memory_space<hbm>>
      %dma_wait3A_103 = arith.constant 0 : i32
      %dma_wait3A_104 = tpu.memref_slice %arg10[%mul3A_2, %dma_wait3A_103] : memref<10112x64xf32, #tpu.memory_space<vmem_shared>> -> memref<632x64xf32, #tpu.memory_space<vmem_shared>>
      tpu.wait_dma2 semaphore(%run_scoped3A : memref<!tpu.dma_semaphore, #tpu.memory_space<semaphore_mem>>) src(%dma_wait3A_104 : memref<632x64xf32, #tpu.memory_space<vmem_shared>>) dst(%dma_wait3A_102 : memref<632x64xf32, #tpu.memory_space<hbm>>)
      tpu.yield
    }) : () -> ()
    return
  }
}

module attributes {stable_mosaic.version = 14 : i64} {
  func.func @_mm_body(%arg0: memref<10000x128xf32, #tpu.memory_space<vmem>>, %arg1: memref<128x64xf32, #tpu.memory_space<vmem>>, %arg2: memref<10000x64xf32, #tpu.memory_space<vmem>>) attributes {dimension_semantics = [], scalar_prefetch = 0 : i64, scratch_operands = 0 : i64, tpu.core_type = #tpu.core_type<tc>} {
    %get3A = arith.constant 0 : index
    %get3A_0 = arith.constant 0 : index
    %get3A_1 = vector.load %arg0[%get3A, %get3A_0] : memref<10000x128xf32, #tpu.memory_space<vmem>>, vector<10000x128xf32>
    %get3A_2 = arith.constant 0 : index
    %get3A_3 = arith.constant 0 : index
    %get3A_4 = vector.load %arg1[%get3A_2, %get3A_3] : memref<128x64xf32, #tpu.memory_space<vmem>>, vector<128x64xf32>
    %dot_general3A = arith.constant dense<0.000000e+00> : vector<10000x64xf32>
    %dot_general3A_5 = tpu.matmul %get3A_1, %get3A_4, %dot_general3A {dimension_numbers = #tpu.dot_dimension_numbers<[1], [0], [0], [1], [0, 0, 1, 1], [], []>, transpose_lhs_hint = false} : vector<10000x128xf32>, vector<128x64xf32>, vector<10000x64xf32> -> vector<10000x64xf32>
    %swap3A = arith.constant 0 : index
    %swap3A_6 = arith.constant 0 : index
    %swap3A_7 = vector.load %arg2[%swap3A, %swap3A_6] : memref<10000x64xf32, #tpu.memory_space<vmem>>, vector<10000x64xf32>
    tpu.vector_store %arg2[%swap3A, %swap3A_6], %dot_general3A_5 {strides = array<i32>} : memref<10000x64xf32, #tpu.memory_space<vmem>>, vector<10000x64xf32>,
    return
  }
}

module attributes {stable_mosaic.version = 14 : i64} {
  func.func @_fuse_body(%arg0: memref<10000x64xf32, #tpu.memory_space<vmem>>, %arg1: memref<2x10112x64xf32, #tpu.memory_space<vmem>>, %arg2: memref<1x64xf32, #tpu.memory_space<vmem>>, %arg3: memref<64x64xf32, #tpu.memory_space<vmem>>, %arg4: memref<10000x64xf32, #tpu.memory_space<vmem>>) attributes {dimension_semantics = [], scalar_prefetch = 0 : i64, scratch_operands = 0 : i64, tpu.core_type = #tpu.core_type<tc>} {
    %get3A = arith.constant 0 : index
    %get3A_0 = arith.constant 0 : index
    %get3A_1 = vector.load %arg0[%get3A, %get3A_0] : memref<10000x64xf32, #tpu.memory_space<vmem>>, vector<10000x64xf32>
    %get3A_2 = arith.constant 0 : index
    %get3A_3 = arith.constant 0 : index
    %get3A_4 = arith.constant 0 : index
    %get3A_5 = vector.load %arg1[%get3A_2, %get3A_3, %get3A_4] : memref<2x10112x64xf32, #tpu.memory_space<vmem>>, vector<1x10000x64xf32>
    %get3A_6 = vector.shape_cast %get3A_5 : vector<1x10000x64xf32> to vector<10000x64xf32>
    %add3A = arith.addf %get3A_1, %get3A_6 : vector<10000x64xf32>
    %get3A_7 = arith.constant 1 : index
    %get3A_8 = arith.constant 0 : index
    %get3A_9 = arith.constant 0 : index
    %get3A_10 = vector.load %arg1[%get3A_7, %get3A_8, %get3A_9] : memref<2x10112x64xf32, #tpu.memory_space<vmem>>, vector<1x10000x64xf32>
    %get3A_11 = vector.shape_cast %get3A_10 : vector<1x10000x64xf32> to vector<10000x64xf32>
    %add3A_12 = arith.addf %add3A, %get3A_11 : vector<10000x64xf32>
    %get3A_13 = arith.constant 0 : index
    %get3A_14 = arith.constant 0 : index
    %get3A_15 = vector.load %arg2[%get3A_13, %get3A_14] : memref<1x64xf32, #tpu.memory_space<vmem>>, vector<1x64xf32>
    %add3A_16 = vector.broadcast %get3A_15 : vector<1x64xf32> to vector<10000x64xf32>
    %add3A_17 = arith.addf %add3A_12, %add3A_16 : vector<10000x64xf32>
    %max3A = arith.constant 0.000000e+00 : f32
    %max3A_18 = vector.broadcast %max3A : f32 to vector<10000x64xf32>
    %max3A_19 = arith.maximumf %add3A_17, %max3A_18 : vector<10000x64xf32>
    %get3A_20 = arith.constant 0 : index
    %get3A_21 = arith.constant 0 : index
    %get3A_22 = vector.load %arg3[%get3A_20, %get3A_21] : memref<64x64xf32, #tpu.memory_space<vmem>>, vector<64x64xf32>
    %dot_general3A = arith.constant dense<0.000000e+00> : vector<10000x64xf32>
    %dot_general3A_23 = tpu.matmul %max3A_19, %get3A_22, %dot_general3A {dimension_numbers = #tpu.dot_dimension_numbers<[1], [0], [0], [1], [0, 0, 1, 1], [], []>, transpose_lhs_hint = false} : vector<10000x64xf32>, vector<64x64xf32>, vector<10000x64xf32> -> vector<10000x64xf32>
    %swap3A = arith.constant 0 : index
    %swap3A_24 = arith.constant 0 : index
    %swap3A_25 = vector.load %arg4[%swap3A, %swap3A_24] : memref<10000x64xf32, #tpu.memory_space<vmem>>, vector<10000x64xf32>
    tpu.vector_store %arg4[%swap3A, %swap3A_24], %dot_general3A_23 {strides = array<i32>} : memref<10000x64xf32, #tpu.memory_space<vmem>>, vector<10000x64xf32>,
    return
  }
}

module attributes {stable_mosaic.version = 14 : i64} {
  func.func @_final_body(%arg0: memref<10000x64xf32, #tpu.memory_space<vmem>>, %arg1: memref<2x10112x64xf32, #tpu.memory_space<vmem>>, %arg2: memref<1x64xf32, #tpu.memory_space<vmem>>, %arg3: memref<1x10000xi32, #tpu.memory_space<vmem>>, %arg4: memref<64x32xf32, #tpu.memory_space<vmem>>, %arg5: memref<1x32xf32, #tpu.memory_space<vmem>>, %arg6: memref<32x1xf32, #tpu.memory_space<vmem>>, %arg7: memref<1x1xf32, #tpu.memory_space<vmem>>, %arg8: memref<100x1xf32, #tpu.memory_space<vmem>>) attributes {dimension_semantics = [], scalar_prefetch = 0 : i64, scratch_operands = 0 : i64, tpu.core_type = #tpu.core_type<tc>} {
    %get3A = arith.constant 0 : index
    %get3A_0 = arith.constant 0 : index
    %get3A_1 = vector.load %arg0[%get3A, %get3A_0] : memref<10000x64xf32, #tpu.memory_space<vmem>>, vector<10000x64xf32>
    %get3A_2 = arith.constant 0 : index
    %get3A_3 = arith.constant 0 : index
    %get3A_4 = arith.constant 0 : index
    %get3A_5 = vector.load %arg1[%get3A_2, %get3A_3, %get3A_4] : memref<2x10112x64xf32, #tpu.memory_space<vmem>>, vector<1x10000x64xf32>
    %get3A_6 = vector.shape_cast %get3A_5 : vector<1x10000x64xf32> to vector<10000x64xf32>
    %add3A = arith.addf %get3A_1, %get3A_6 : vector<10000x64xf32>
    %get3A_7 = arith.constant 1 : index
    %get3A_8 = arith.constant 0 : index
    %get3A_9 = arith.constant 0 : index
    %get3A_10 = vector.load %arg1[%get3A_7, %get3A_8, %get3A_9] : memref<2x10112x64xf32, #tpu.memory_space<vmem>>, vector<1x10000x64xf32>
    %get3A_11 = vector.shape_cast %get3A_10 : vector<1x10000x64xf32> to vector<10000x64xf32>
    %add3A_12 = arith.addf %add3A, %get3A_11 : vector<10000x64xf32>
    %get3A_13 = arith.constant 0 : index
    %get3A_14 = arith.constant 0 : index
    %get3A_15 = vector.load %arg2[%get3A_13, %get3A_14] : memref<1x64xf32, #tpu.memory_space<vmem>>, vector<1x64xf32>
    %add3A_16 = vector.broadcast %get3A_15 : vector<1x64xf32> to vector<10000x64xf32>
    %add3A_17 = arith.addf %add3A_12, %add3A_16 : vector<10000x64xf32>
    %iota3A = tpu.iota {dimensions = array<i32: 0>} : vector<100x10000xi32>
    %get3A_18 = arith.constant 0 : index
    %get3A_19 = arith.constant 0 : index
    %get3A_20 = vector.load %arg3[%get3A_18, %get3A_19] : memref<1x10000xi32, #tpu.memory_space<vmem>>, vector<1x10000xi32>
    %eq3A = vector.broadcast %get3A_20 : vector<1x10000xi32> to vector<100x10000xi32>
    %eq3A_21 = arith.cmpi eq, %eq3A, %iota3A : vector<100x10000xi32>
    %convert_element_type3A = arith.extui %eq3A_21 : vector<100x10000xi1> to vector<100x10000xi32>
    %convert_element_type3A_22 = arith.sitofp %convert_element_type3A : vector<100x10000xi32> to vector<100x10000xf32>
    %dot_general3A = arith.constant dense<0.000000e+00> : vector<100x64xf32>
    %dot_general3A_23 = tpu.matmul %convert_element_type3A_22, %add3A_17, %dot_general3A {dimension_numbers = #tpu.dot_dimension_numbers<[1], [0], [0], [1], [0, 0, 1, 1], [], []>, transpose_lhs_hint = false} : vector<100x10000xf32>, vector<10000x64xf32>, vector<100x64xf32> -> vector<100x64xf32>
    %reduce_sum3A = arith.constant dense<0.000000e+00> : vector<100xf32>
    %reduce_sum3A_24 = vector.multi_reduction <add>, %convert_element_type3A_22, %reduce_sum3A [1] : vector<100x10000xf32> to vector<100xf32>
    %broadcast_in_dim3A = vector.shape_cast %reduce_sum3A_24 : vector<100xf32> to vector<100x1xf32>
    %max3A = arith.constant 1.000000e+00 : f32
    %max3A_25 = vector.broadcast %max3A : f32 to vector<100x1xf32>
    %max3A_26 = arith.maximumf %broadcast_in_dim3A, %max3A_25 : vector<100x1xf32>
    %div3A = vector.broadcast %max3A_26 : vector<100x1xf32> to vector<100x64xf32>
    %div3A_27 = arith.divf %dot_general3A_23, %div3A : vector<100x64xf32>
    %get3A_28 = arith.constant 0 : index
    %get3A_29 = arith.constant 0 : index
    %get3A_30 = vector.load %arg4[%get3A_28, %get3A_29] : memref<64x32xf32, #tpu.memory_space<vmem>>, vector<64x32xf32>
    %dot_general3A_31 = arith.constant dense<0.000000e+00> : vector<100x32xf32>
    %dot_general3A_32 = tpu.matmul %div3A_27, %get3A_30, %dot_general3A_31 {dimension_numbers = #tpu.dot_dimension_numbers<[1], [0], [0], [1], [0, 0, 1, 1], [], []>, transpose_lhs_hint = false} : vector<100x64xf32>, vector<64x32xf32>, vector<100x32xf32> -> vector<100x32xf32>
    %get3A_33 = arith.constant 0 : index
    %get3A_34 = arith.constant 0 : index
    %get3A_35 = vector.load %arg5[%get3A_33, %get3A_34] : memref<1x32xf32, #tpu.memory_space<vmem>>, vector<1x32xf32>
    %add3A_36 = vector.broadcast %get3A_35 : vector<1x32xf32> to vector<100x32xf32>
    %add3A_37 = arith.addf %dot_general3A_32, %add3A_36 : vector<100x32xf32>
    %get3A_38 = arith.constant 0 : index
    %get3A_39 = arith.constant 0 : index
    %get3A_40 = vector.load %arg6[%get3A_38, %get3A_39] : memref<32x1xf32, #tpu.memory_space<vmem>>, vector<32x1xf32>
    %dot_general3A_41 = arith.constant dense<0.000000e+00> : vector<100x1xf32>
    %dot_general3A_42 = tpu.matmul %add3A_37, %get3A_40, %dot_general3A_41 {dimension_numbers = #tpu.dot_dimension_numbers<[1], [0], [0], [1], [0, 0, 1, 1], [], []>, transpose_lhs_hint = false} : vector<100x32xf32>, vector<32x1xf32>, vector<100x1xf32> -> vector<100x1xf32>
    %get3A_43 = arith.constant 0 : index
    %get3A_44 = arith.constant 0 : index
    %get3A_45 = vector.load %arg7[%get3A_43, %get3A_44] : memref<1x1xf32, #tpu.memory_space<vmem>>, vector<1x1xf32>
    %add3A_46 = vector.broadcast %get3A_45 : vector<1x1xf32> to vector<100x1xf32>
    %add3A_47 = arith.addf %dot_general3A_42, %add3A_46 : vector<100x1xf32>
    %logistic3A = arith.negf %add3A_47 : vector<100x1xf32>
    %logistic3A_48 = math.exp %logistic3A : vector<100x1xf32>
    %logistic3A_49 = arith.constant 1.000000e+00 : f32
    %logistic3A_50 = vector.broadcast %logistic3A_49 : f32 to vector<100x1xf32>
    %logistic3A_51 = arith.addf %logistic3A_50, %logistic3A_48 : vector<100x1xf32>
    %logistic3A_52 = arith.divf %logistic3A_50, %logistic3A_51 : vector<100x1xf32>
    %swap3A = arith.constant 0 : index
    %swap3A_53 = arith.constant 0 : index
    %swap3A_54 = vector.load %arg8[%swap3A, %swap3A_53] : memref<100x1xf32, #tpu.memory_space<vmem>>, vector<100x1xf32>
    tpu.vector_store %arg8[%swap3A, %swap3A_53], %logistic3A_52 {strides = array<i32>} : memref<100x1xf32, #tpu.memory_space<vmem>>, vector<100x1xf32>,
    return
  }
}

</mosaic_0001>

<sc_bundles>
// kernel: kernel.12.cloned.1.call-start
scs
__scs_entry_jumppad:
0x0: {  	(pc) =	sbr.rel $0x88, $3  }
0x1: {  	(tag) =	ssettag $0x0;
	lr =	simm.s32 $0x1  }
0x2: {  	[smem:$0x3F94] =	sst lr;
	_ =	strace $0xD0000000  }
0x3: {  	_ = 	snop  }
0x4: {  	_ = 	snop  }
0x5: {  	_ = 	snop  }
0x6: {  	_ = 	snop  }
0x7: {  	_ = 	snop  }
__scs_overlays_trampoline_lowered:
0x8: {  	[smem:$0x3FA3] =	sst s0  }
0x9: {  	[smem:$0x3FA4] =	sst s1  }
0xa: {  	[smem:$0x3FA5] =	sst s2  }
0xb: {  	[smem:$0x3FA6] =	sst s3  }
0xc: {  	[smem:$0x3FA7] =	sst s4  }
0xd: {  	[smem:$0x3FA8] =	sst s5  }
0xe: {  	[smem:$0x3FA9] =	sst s6  }
0xf: {  	[smem:$0x3FAA] =	sst s7  }
0x10: {  	[smem:$0x3FAB] =	sst s8  }
0x11: {  	[smem:$0x3FAC] =	sst s9;
	s0 =	simm.s32 @!p0 $0x0  }
0x12: {  	s1 =	sld [smem:$0x3F92];
	s0 =	simm.s32 @p0 $0x1  }
0x13: {  	[smem:$0x3FAD] =	sst s0;
	s0 =	simm.s32 @!p1 $0x0  }
0x14: {  	s2 =	sld [smem:$0x3F91];
	s0 =	simm.s32 @p1 $0x1  }
0x15: {  	[smem:$0x3FAE] =	sst s0;
	s0 =	simm.s32 @!p2 $0x0  }
0x16: {  	s3 =	sld [smem:$0x3FDB];
	s0 =	simm.s32 @p2 $0x1  }
0x17: {  	s4 =	simm.s32 $0x1BF5;
	[smem:$0x3FB0] =	sst s0  }
0x18: {  	s0 =	sld [smem:$0x3F93];
	_ =	swait.ge [sflag:s4], $0x0  }
0x19: {  	s7 =	sld [smem:$0x3F94]  }
0x1a: {  	s8 =	sadd.s32 $0xFFFFE003, lr  }
0x1b: {  	s9 =	sadd.s32 $0xFFFFFEF7, lr;
	s5 =	simm.s32 $0xFFFFFFFF;
	p2 =	slt.u32 s8, $0xFFFFF086  }
0x1c: {  	p1 =	slt.u32 s9, $0xF7A;
	s5 =	simm.s32 @!p2 $0x0  }
0x1d: {  	s5 =	simm.s32 @p1 $0x1;
	p0 =	seq.s32 s7, s2  }
0x1e: {  	s7 =	smul.u32 @!p0 $0xF7A, s2;
	p2 =	seq.s32 @!p0 s5, $0x0  }
0x1f: {  	s9 =	smul.u32 $0xF7A, s1;
	s8 =	simm.s32 @!p0 $0x1BF5;
	p2 =	por !p2, p0  }
0x20: {  	[sflag:s8] =	ssyncset.s32 @!p0 $0xFFFFF086;
	s6 =	sadd.s32 @!p0 s3, s7;
	s7 =	simm.s32 @!p0 $0x108  }
0x21: {  	s3 =	sadd.s32 s3, s9;
	s6 =	sadd.s32 @!p0 $0x88, s6;
	s7 =	simm.s32 @p2 $0x1082  }
0x22: {  	[simem:s7], [sflag:s8] =	dma.local @!p0 [hbm:s6], $0xF7A  }
0x23: {  	s9 =	sor.u32 $0xD0000000, s2;
	s6 =	simm.s32 $0x108;
	_ =	swait.ge @!p0 [sflag:s8], $0x0  }
0x24: {  	s3 =	sadd.s32 $0x88, s3;
	s6 =	simm.s32 @!p1 $0x1082;
	[sflag:s4] =	ssyncset.s32 $0xFFFFF086  }
0x25: {  	[simem:s6], [sflag:s4] =	dma.local [hbm:s3], $0xF7A  }
0x26: {  	[smem:$0x3F94] =	sst s1;
	(tag) =	ssettag s2;
	_ =	strace s9  }
0x27: {  	s1 =	sld [smem:$0x3FA4]  }
0x28: {  	s2 =	sld [smem:$0x3FA5]  }
0x29: {  	s4 =	sld [smem:$0x3FA7]  }
0x2a: {  	p0 =	seq.s32 s5, $0x0;
	s5 =	sld [smem:$0x3FA8]  }
0x2b: {  	s6 =	sld [smem:$0x3FA9]  }
0x2c: {  	s7 =	sld [smem:$0x3FAA]  }
0x2d: {  	s3 =	simm.s32 $0x108;
	s8 =	sld [smem:$0x3FAB]  }
0x2e: {  	s3 =	simm.s32 @!p0 $0x1082;
	s9 =	sld [smem:$0x3FAC]  }
0x2f: {  	lr =	sadd.s32 s0, s3;
	s0 =	sld [smem:$0x3FA3]  }
0x30: {  	s3 =	sld [smem:$0x3FA6]  }
0x31: {  	[smem:$0x3FAF] =	sst s10  }
0x32: {  	s10 =	sld [smem:$0x3FAD];
	_ =	sdelay $0x3  }
0x33: {  	p0 =	seq.s32 s10, $0x1;
	s10 =	sld [smem:$0x3FAF];
	_ =	sdelay $0x3  }
0x34: {  	[smem:$0x3FAF] =	sst s10  }
0x35: {  	s10 =	sld [smem:$0x3FAE];
	_ =	sdelay $0x3  }
0x36: {  	p1 =	seq.s32 s10, $0x1;
	s10 =	sld [smem:$0x3FAF];
	_ =	sdelay $0x3  }
0x37: {  	[smem:$0x3FAF] =	sst s10  }
0x38: {  	s10 =	sld [smem:$0x3FB0]  }
0x39: {  	_ = 	snop;
	(pc) =	sbr.ind lr, $3  }
0x3a: {  	_ = 	snop  }
0x3b: {  	_ = 	snop  }
0x3c: {  	p2 =	seq.s32 s10, $0x1;
	s10 =	sld [smem:$0x3FAF]  }
0x3d: {  	_ =	shalt  }
0x3e: {  	_ =	shalt  }
0x3f: {  	_ =	shalt  }
0x40: {  	_ =	shalt  }
0x41: {  	_ =	shalt  }
0x42: {  	_ =	shalt  }
0x43: {  	_ =	shalt  }
0x44: {  	_ =	shalt  }
0x45: {  	_ =	shalt  }
0x46: {  	_ =	shalt  }
0x47: {  	_ =	shalt  }
0x48: {  	_ =	shalt  }
0x49: {  	_ =	shalt  }
0x4a: {  	_ =	shalt  }
0x4b: {  	_ =	shalt  }
0x4c: {  	_ =	shalt  }
0x4d: {  	_ =	shalt  }
0x4e: {  	_ =	shalt  }
0x4f: {  	_ =	shalt  }
0x50: {  	_ =	shalt  }
0x51: {  	_ =	shalt  }
0x52: {  	_ =	shalt  }
0x53: {  	_ =	shalt  }
0x54: {  	_ =	shalt  }
0x55: {  	_ =	shalt  }
0x56: {  	_ =	shalt  }
0x57: {  	_ =	shalt  }
0x58: {  	_ =	shalt  }
0x59: {  	_ =	shalt  }
0x5a: {  	_ =	shalt  }
0x5b: {  	_ =	shalt  }
0x5c: {  	_ =	shalt  }
0x5d: {  	_ =	shalt  }
0x5e: {  	_ =	shalt  }
0x5f: {  	_ =	shalt  }
0x60: {  	_ =	shalt  }
0x61: {  	_ =	shalt  }
0x62: {  	_ =	shalt  }
0x63: {  	_ =	shalt  }
0x64: {  	_ =	shalt  }
0x65: {  	_ =	shalt  }
0x66: {  	_ =	shalt  }
0x67: {  	_ =	shalt  }
0x68: {  	_ =	shalt  }
0x69: {  	_ =	shalt  }
0x6a: {  	_ =	shalt  }
0x6b: {  	_ =	shalt  }
0x6c: {  	_ =	shalt  }
0x6d: {  	_ =	shalt  }
0x6e: {  	_ =	shalt  }
0x6f: {  	_ =	shalt  }
0x70: {  	_ =	shalt  }
0x71: {  	_ =	shalt  }
0x72: {  	_ =	shalt  }
0x73: {  	_ =	shalt  }
0x74: {  	_ =	shalt  }
0x75: {  	_ =	shalt  }
0x76: {  	_ =	shalt  }
0x77: {  	_ =	shalt  }
0x78: {  	_ =	shalt  }
0x79: {  	_ =	shalt  }
0x7a: {  	_ =	shalt  }
0x7b: {  	_ =	shalt  }
0x7c: {  	_ =	shalt  }
0x7d: {  	_ =	shalt  }
0x7e: {  	_ =	shalt  }
0x7f: {  	_ =	shalt  }
0x80: {  	_ =	shalt  }
0x81: {  	_ =	shalt  }
0x82: {  	_ =	shalt  }
0x83: {  	_ =	shalt  }
0x84: {  	_ =	shalt  }
0x85: {  	_ =	shalt  }
0x86: {  	_ =	shalt  }
0x87: {  	_ =	shalt  }
.Lfunc_end0:
.L_simem_size_0:
called_computation.1_lowered:
.L_overlay_start_0:
0x88: {  	s2 =	sld [smem:$0x3FD9]  }
0x89: {  	s3 =	sld [smem:$0x3FFE];
	_ =	sdelay $0x1  }
0x8a: {  	s1 =	srdreg.scid  }
0x8b: {  	s0 =	sand.u32 $0x1, s1  }
0x8c: {  	s16 =	sshll.u32 s0, $0xA;
	s2 =	sadd.s32 s3, s2  }
0x8d: {  	s2 =	sadd.s32 s2, s16  }
0x8e: {  	[smem:$0x3FBB] =	sst s2  }
0x8f: {  	_ = 	snop  }
0x90: {  	(tm) =	ssettm $0x1  }
0x91: {  	s17 =	sld [smem:$0x3FFB];
	_ =	sdelay $0x3  }
0x92: {  	_ =	strace s17  }
0x93: {  	s2 =	sld [smem:$0x3FFC];
	_ =	sdelay $0x3  }
0x94: {  	_ =	strace s2  }
0x95: {  	s2 =	sld [smem:$0x3FFD];
	_ =	sdelay $0x3  }
0x96: {  	_ =	strace s2  }
0x97: {  	_ =	strace $0x8FFFFFFF  }
0x98: {  	s18 =	sld [smem:$0x3FDB];
	_ =	sdelay $0x1  }
0x99: {  	s19 =	simm.s32 $_scs_section_size  }
0x9a: {  	s4 =	simm.s32 $_size__tile_overlayer_lowered;
	s5 =	simm.s32 $_tile_overlayer_lowered  }
0x9b: {  	s22 =	simm.s32 $0x1BFF;
	s21 =	sshll.u32 s5, $0x1;
	s2 =	sadd.s32 s19, s18  }
0x9c: {  	s6 =	simm.s32 $0x0;
	s20 =	sshll.u32 s4, $0x1;
	s4 =	sadd.s32 s21, s2  }
0x9d: {  	[timem:s6], [sflag:s22] =	dma.local [hbm:s4], s20  }
0x9e: {  	_ =	swait.ge [sflag:s22], s20  }
0x9f: {  	s3 =	ssub.s32 $0x0, s20;
	[sflag:s22] =	ssyncset.done $0x0  }
0xa0: {  	[sflag:s22] =	ssyncadd.s32 s3;
	_ =	sdelay $0x1  }
0xa1: {  	s23 =	simm.s32 $0x1B8B  }
0xa2: {  	_ =	swait.ge [sflag:s23], $0x1  }
0xa3: {  	[sflag:s23] =	ssyncset.done $0x0  }
0xa4: {  	s25 =	simm.s32 $0x1B8E;
	s24 =	sld [smem:$0x3FFE];
	[sflag:s23] =	ssyncadd.s32 $0xFFFFFFFF  }
0xa5: {  	s26 =	simm.s32 $execute0_lowered;
	[smem:$0x3FD2] =	sst s25  }
0xa6: {  	s4 =	sshll.u32 s26, $0x1;
	_ =	strace $0x80000049;
	[dreg:$0x1] =	wrdreg $0xFFFFFFFF  }
0xa7: {  	s28 =	simm.s32 $_size_execute0_lowered;
	s2 =	sadd.s32 s2, s4;
	[dreg:$0x0] =	wrdreg $0x0  }
0xa8: {  	s4 =	sshll.u32 s28, $0x1;
	[dreg:$0x2] =	wrdreg s2  }
0xa9: {  	[dreg:$0x3] =	wrdreg s4  }
0xaa: {  	[dreg:$0x4] =	wrdreg $0xC0  }
0xab: {  	_ =	task [dreg:s6], $0x5FFFF  }
0xac: {  	[dreg:$0x1] =	wrdreg $0xFFFFFFFF  }
0xad: {  	[dreg:$0x0] =	wrdreg $0x60  }
0xae: {  	[dreg:$0x2] =	wrdreg s24  }
0xaf: {  	[dreg:$0x3] =	wrdreg $0xD0000  }
0xb0: {  	[dreg:$0x4] =	wrdreg $0x9  }
0xb1: {  	_ =	task.clear_ibuf [dreg:s6], $0x5FFFF;
	_ =	strace $0x90000049  }
0xb2: {  	s29 =	simm.s32 $0x9;
	_ =	strace $0x8000004B  }
0xb3: {  	_ =	swait.ge [sflag:s29], $0x1  }
0xb4: {  	[sflag:s29] =	ssyncadd.s32 $0xFFFFFFFF  }
0xb5: {  	_ =	strace $0x9000004B  }
0xb6: {  	_ =	sfence  }
0xb7: {  	s30 =	sld [smem:$0x0];
	_ =	sdelay $0x2  }
0xb8: {  	s31 =	sshll.u32 s1, $0xD;
	s1 =	sshrl.u32 s1, $0x2  }
0xb9: {  	s3 =	sand.u32 $0x4000, s31;
	s1 =	sadd.s32 s1, s30  }
0xba: {  	s0 =	sor.u32 s3, s0;
	s1 =	sshll.u32 s1, $0x11  }
0xbb: {  	s0 =	sor.u32 s1, s0  }
0xbc: {  	s0 =	sadd.s32 $0x8F2B, s0  }
0xbd: {  	[sflag:s0] =	ssyncadd.remote.s32 $0x1  }
0xbe: {  	_ =	sfence.sel $0xFFFF  }
0xbf: {  	[dreg:$0x0] =	wrdreg $0xFFFFFFFF;
	(pc) =	sbr.abs _section_cstart, $3  }
0xc0: {  	[dreg:$0x1] =	wrdreg $0xFFFFFFFF  }
0xc1: {  	_ =	task.clear_ibuf [dreg:s6], $0x2FFFF;
	_ =	strace $0x9FFFFFFF  }
0xc2: {  	(tm) =	ssettm $0x7FFFFFFF  }
0xc3: {  	_ =	shalt  }
tec
execute0_lowered:
.L_overlay_start_1:
0x0: {  	(tag) =	ssettag $0x1  }
0x1: {  	s0 =	srdreg.scid;
	s5 =	rddreg [dreg:$0x0]  }
0x2: {  	s9 =	stileid.u32;
	s2 =	rddreg [dreg:$0x1]  }
0x3: {  	s3 =	simm.s32 $0x0;
	s12 =	simm.s32 $0x2800;
	s14 =	simm.s32 $0x1  }
0x4: {  	s15 =	simm.s32 $0x80;
	s16 =	simm.s32 $0x5000;
	s17 =	simm.s32 $0x7000  }
0x5: {  	s19 =	simm.s32 $0x9000;
	s20 =	simm.s32 $0x180;
	s21 =	simm.s32 $0xB000  }
0x6: {  	s22 =	simm.s32 $0x3;
	s23 =	simm.s32 $0x2880;
	s24 =	simm.s32 $0x4  }
0x7: {  	s25 =	simm.s32 $0x200;
	s28 =	simm.s32 $0x2900;
	s29 =	simm.s32 $0x5  }
0x8: {  	s30 =	simm.s32 $0x0;
	s0 =	sand.u32 $0x1, s0;
	s1 =	sshll.u32 s9, $0x1  }
0x9: {  	s7 =	smul.u32 $0x9E00, s9;
	[smem:$0x7FF] =	sst s3;
	s4 =	sadd.s32 $0x1C00, s5  }
0xa: {  	s1 =	sor.u32 s0, s1;
	s6 =	smul.u32 $0x9E000, s0;
	_ =	strace $0x8000004A  }
0xb: {  	s0 =	ssub.s32 $0x2, s0;
	s1 =	smul.u32 $0x500, s1;
	s8 =	sshrl.u32 s7, $0x3  }
0xc: {  	s26 =	sshrl.u32 s0, $0x1;
	s31 =	sadd.s32 s7, s2;
	s6 =	sadd.s32 s7, s6  }
.Ltmp0:
0xd: {  	s8 =	sadd.s32 s8, s5;
	s0 =	ssub.s32 s0, s26;
	(pc) =	sbr.rel .LBB2_1-.Ltmp0, $4  }
0xe: {  	s13 =	sshrl.u32 s31, $0x3;
	s26 =	simm.s32 $0x280;
	s1 =	sadd.s32 s1, s5  }
0xf: {  	s6 =	sshrl.u32 s6, $0x3;
	s7 =	sadd.s32 $0x29600, s8;
	s8 =	sshll.u32 s9, $0x6  }
0x10: {  	s11 =	smax.u32 s0, $0x1;
	s10 =	sadd.s32 s6, s5;
	s5 =	sadd.s32 $0x15600, s1  }
0x11: {  	s6 =	sadd.s32 $0x1F600, s1;
	s9 =	sor.u32 $0x1C02, s8;
	s10 =	sadd.s32 $0x3D200, s10  }
.LBB2_4:
0x12: {  	_ =	swait.ge [sflag:s22], $0x2000  }
0x13: {  	[sflag:s22] =	ssyncset.done $0x0  }
0x14: {  	[sflag:s22] =	ssyncadd.s32 $0xFFFFE000  }
0x15: {  	_ =	swait.ge [sflag:s22], $0x2000  }
0x16: {  	[sflag:s22] =	ssyncset.done $0x0  }
0x17: {  	s0 =	sadd.s32 $0x2B00, s1;
	[sflag:s22] =	ssyncadd.s32 $0xFFFFE000  }
0x18: {  	[spmem:s2] =	stream.indirect.scatter.add.f32 [tilespmem:s19], [sflag:$0x4], $0x40, s0, s15, $0xb8;
	[tilespmem:$0x16E00] =	vst v63  }
0x19: {  	s18 =	sadd.s32 $0x2B80, s1  }
0x1a: {  	[spmem:s2] =	stream.indirect.scatter.add.f32 [tilespmem:s21], [sflag:$0x4], $0x40, s18, s15, $0xb8;
	[tilespmem:$0x16E00] =	vst v63  }
0x1b: {  	_ =	swait.ge [sflag:s24], $0x2000  }
0x1c: {  	[sflag:s24] =	ssyncset.done $0x0  }
0x1d: {  	[sflag:s24] =	ssyncadd.s32 $0xFFFFE000  }
0x1e: {  	_ =	swait.ge [sflag:s24], $0x2000  }
0x1f: {  	s30 =	sadd.s32 $0x1, s30;
	[sflag:s24] =	ssyncset.done $0x0  }
0x20: {  	p0 =	sne.s32 s30, s11;
	[sflag:s24] =	ssyncadd.s32 $0xFFFFE000  }
.Ltmp1:
0x21: {  	s31 =	sor.u32 $0x1C05, s8;
	[bflag:$0x0] =	sbarrier.arrive $0xFFFF;
	(pc) =	sbr.rel @!p0 .LBB2_5-.Ltmp1, $4  }
0x22: {  	[hbm:s10], [sflag:s31] =	dma.local [spmem:s13], $0x13C0  }
0x23: {  	_ =	swait.ge [sflag:s29], $0x13C0  }
0x24: {  	[sflag:s29] =	ssyncset.done $0x0  }
0x25: {  	[sflag:s29] =	ssyncadd.s32 $0xFFFFEC40  }
.LBB2_1:
0x26: {  	[tilespmem:s3], [sflag:$0x1] =	stream.linear.gather [hbm4b:s5+s3], $0x2800, $0x38;
	[tilespmem:$0x16E00] =	vst v63  }
0x27: {  	_ = 	snop  }
0x28: {  	[tilespmem:s12], [sflag:$0x2] =	stream.linear.gather [hbm4b:s6+s3], $0x2800, $0x38;
	[tilespmem:$0x16E00] =	vst v63  }
0x29: {  	[spmem:s13], [sflag:s9] =	dma.local [hbm:s7], $0x13C0  }
0x2a: {  	_ =	swait.ge [sflag:s14], $0x2800  }
0x2b: {  	[sflag:s14] =	ssyncset.done $0x0  }
0x2c: {  	[sflag:s14] =	ssyncadd.s32 $0xFFFFD800  }
0x2d: {  	[tilespmem:s16], [sflag:$0x3] =	stream.indirect.gather [hbm4b:s4+s15], $0x40, s3, s15, $0xb8;
	[tilespmem:$0x16E00] =	vst v63  }
0x2e: {  	s31 =	simm.s32 $0x2  }
0x2f: {  	[tilespmem:s17], [sflag:$0x3] =	stream.indirect.gather [hbm4b:s4+s15], $0x40, s15, s15, $0xb8;
	[tilespmem:$0x16E00] =	vst v63  }
0x30: {  	_ =	swait.ge [sflag:s31], $0x2800  }
0x31: {  	[sflag:s31] =	ssyncset.done $0x0  }
0x32: {  	[sflag:s31] =	ssyncadd.s32 $0xFFFFD800  }
0x33: {  	_ =	swait.ge [sflag:s31], $0x13C0  }
0x34: {  	[sflag:s31] =	ssyncset.done $0x0  }
0x35: {  	[sflag:s31] =	ssyncadd.s32 $0xFFFFEC40  }
0x36: {  	s0 =	simm.s32 $0x100;
	[bflag:$0x0] =	sbarrier.arrive $0xFFFF  }
0x37: {  	[tilespmem:s19], [sflag:$0x3] =	stream.indirect.gather [hbm4b:s4+s15], $0x40, s0, s15, $0xb8;
	[tilespmem:$0x16E00] =	vst v63  }
0x38: {  	_ = 	snop  }
0x39: {  	[tilespmem:s21], [sflag:$0x3] =	stream.indirect.gather [hbm4b:s4+s15], $0x40, s20, s15, $0xb8;
	[tilespmem:$0x16E00] =	vst v63  }
0x3a: {  	_ =	swait.ge [sflag:s22], $0x2000  }
0x3b: {  	[sflag:s22] =	ssyncset.done $0x0  }
0x3c: {  	[sflag:s22] =	ssyncadd.s32 $0xFFFFE000  }
0x3d: {  	_ =	swait.ge [sflag:s22], $0x2000  }
0x3e: {  	[sflag:s22] =	ssyncset.done $0x0  }
0x3f: {  	[sflag:s22] =	ssyncadd.s32 $0xFFFFE000  }
0x40: {  	[spmem:s2] =	stream.indirect.scatter.add.f32 [tilespmem:s16], [sflag:$0x4], $0x40, s12, s15, $0xb8;
	[tilespmem:$0x16E00] =	vst v63  }
0x41: {  	_ = 	snop  }
0x42: {  	[spmem:s2] =	stream.indirect.scatter.add.f32 [tilespmem:s17], [sflag:$0x4], $0x40, s23, s15, $0xb8;
	[tilespmem:$0x16E00] =	vst v63  }
0x43: {  	_ =	swait.ge [sflag:s24], $0x2000  }
0x44: {  	[sflag:s24] =	ssyncset.done $0x0  }
0x45: {  	[sflag:s24] =	ssyncadd.s32 $0xFFFFE000  }
0x46: {  	_ =	swait.ge [sflag:s24], $0x2000  }
0x47: {  	[sflag:s24] =	ssyncset.done $0x0  }
0x48: {  	[sflag:s24] =	ssyncadd.s32 $0xFFFFE000  }
0x49: {  	[tilespmem:s16], [sflag:$0x3] =	stream.indirect.gather [hbm4b:s4+s15], $0x40, s25, s15, $0xb8;
	[tilespmem:$0x16E00] =	vst v63  }
0x4a: {  	_ = 	snop  }
0x4b: {  	[tilespmem:s17], [sflag:$0x3] =	stream.indirect.gather [hbm4b:s4+s15], $0x40, s26, s15, $0xb8;
	[tilespmem:$0x16E00] =	vst v63  }
0x4c: {  	_ =	swait.ge [sflag:s22], $0x2000  }
0x4d: {  	[sflag:s22] =	ssyncset.done $0x0  }
0x4e: {  	[sflag:s22] =	ssyncadd.s32 $0xFFFFE000  }
0x4f: {  	_ =	swait.ge [sflag:s22], $0x2000  }
0x50: {  	[sflag:s22] =	ssyncset.done $0x0  }
0x51: {  	s0 =	simm.s32 $0x0;
	[sflag:s22] =	ssyncadd.s32 $0xFFFFE000  }
0x52: {  	[spmem:s2] =	stream.indirect.scatter.add.f32 [tilespmem:s19], [sflag:$0x4], $0x40, s28, s15, $0xb8;
	[tilespmem:$0x16E00] =	vst v63  }
.LBB2_2:
0x53: {  	s1 =	sshra.s32 s0, $0x2  }
0x54: {  	s18 =	sadd.s32 $0x2980, s1  }
0x55: {  	[spmem:s2] =	stream.indirect.scatter.add.f32 [tilespmem:s21], [sflag:$0x4], $0x40, s18, s15, $0xb8;
	[tilespmem:$0x16E00] =	vst v63  }
0x56: {  	_ =	swait.ge [sflag:s24], $0x2000  }
0x57: {  	[sflag:s24] =	ssyncset.done $0x0  }
0x58: {  	[sflag:s24] =	ssyncadd.s32 $0xFFFFE000  }
0x59: {  	_ =	swait.ge [sflag:s24], $0x2000  }
0x5a: {  	[sflag:s24] =	ssyncset.done $0x0  }
0x5b: {  	s18 =	sadd.s32 $0x300, s1;
	[sflag:s24] =	ssyncadd.s32 $0xFFFFE000  }
0x5c: {  	[tilespmem:s19], [sflag:$0x3] =	stream.indirect.gather [hbm4b:s4+s15], $0x40, s18, s15, $0xb8;
	[tilespmem:$0x16E00] =	vst v63  }
0x5d: {  	s18 =	sadd.s32 $0x380, s1  }
0x5e: {  	[tilespmem:s21], [sflag:$0x3] =	stream.indirect.gather [hbm4b:s4+s15], $0x40, s18, s15, $0xb8;
	[tilespmem:$0x16E00] =	vst v63  }
0x5f: {  	_ =	swait.ge [sflag:s22], $0x2000  }
0x60: {  	[sflag:s22] =	ssyncset.done $0x0  }
0x61: {  	[sflag:s22] =	ssyncadd.s32 $0xFFFFE000  }
0x62: {  	_ =	swait.ge [sflag:s22], $0x2000  }
0x63: {  	[sflag:s22] =	ssyncset.done $0x0  }
0x64: {  	s18 =	sadd.s32 $0x2A00, s1;
	[sflag:s22] =	ssyncadd.s32 $0xFFFFE000  }
0x65: {  	[spmem:s2] =	stream.indirect.scatter.add.f32 [tilespmem:s16], [sflag:$0x4], $0x40, s18, s15, $0xb8;
	[tilespmem:$0x16E00] =	vst v63  }
0x66: {  	s18 =	sadd.s32 $0x2A80, s1  }
0x67: {  	[spmem:s2] =	stream.indirect.scatter.add.f32 [tilespmem:s17], [sflag:$0x4], $0x40, s18, s15, $0xb8;
	[tilespmem:$0x16E00] =	vst v63  }
0x68: {  	p0 =	sgt.u32 s31, $0x25;
	_ =	swait.ge [sflag:s24], $0x2000  }
.Ltmp2:
0x69: {  	[sflag:s24] =	ssyncset.done $0x0;
	(pc) =	sbr.rel @p0 .LBB2_4-.Ltmp2, $4  }
0x6a: {  	[sflag:s24] =	ssyncadd.s32 $0xFFFFE000  }
0x6b: {  	_ =	swait.ge [sflag:s24], $0x2000  }
0x6c: {  	[sflag:s24] =	ssyncset.done $0x0  }
0x6d: {  	[sflag:s24] =	ssyncadd.s32 $0xFFFFE000  }
0x6e: {  	s18 =	sadd.s32 $0x400, s1  }
0x6f: {  	[tilespmem:s16], [sflag:$0x3] =	stream.indirect.gather [hbm4b:s4+s15], $0x40, s18, s15, $0xb8;
	[tilespmem:$0x16E00] =	vst v63  }
0x70: {  	s18 =	sadd.s32 $0x480, s1  }
0x71: {  	[tilespmem:s17], [sflag:$0x3] =	stream.indirect.gather [hbm4b:s4+s15], $0x40, s18, s15, $0xb8;
	[tilespmem:$0x16E00] =	vst v63  }
0x72: {  	_ =	swait.ge [sflag:s22], $0x2000  }
0x73: {  	[sflag:s22] =	ssyncset.done $0x0  }
.Ltmp3:
0x74: {  	[sflag:s22] =	ssyncadd.s32 $0xFFFFE000;
	(pc) =	sbr.rel .LBB2_2-.Ltmp3, $4  }
0x75: {  	_ =	swait.ge [sflag:s22], $0x2000  }
0x76: {  	s31 =	sadd.s32 $0x2, s31;
	[sflag:s22] =	ssyncset.done $0x0  }
0x77: {  	s0 =	sadd.s32 $0x800, s0;
	s18 =	sadd.s32 $0x2B00, s1;
	[sflag:s22] =	ssyncadd.s32 $0xFFFFE000  }
0x78: {  	[spmem:s2] =	stream.indirect.scatter.add.f32 [tilespmem:s19], [sflag:$0x4], $0x40, s18, s15, $0xb8;
	[tilespmem:$0x16E00] =	vst v63  }
.LBB2_5:
0x79: {  	_ =	sfence.sel $0x180000  }
0x7a: {  	[bflag:$0x0] =	sbarrier.arrive $0xFFFF  }
0x7b: {  	_ =	strace $0x9000004A  }
0x7c: {  	s0 =	stileid.u32;
	[bflag:$0x2] =	sbarrier.arrive $0xFFFF  }
0x7d: {  	p0 =	sne.s32 s0, $0x0;
	s0 =	rddreg [dreg:$0x2]  }
0x7e: {  	s0 =	sadd.s32 @!p0 $0x100000, s0  }
0x7f: {  	[sflag:s0] =	ssyncadd.tile.s32 @!p0 $0x1;
	_ =	shalt  }
.Lfunc_end2:
_tile_overlayer_lowered:
.L_overlay_start_2:
0x80: {  	(tag) =	ssettag $0x2  }
0x81: {  	s0 =	rddreg [dreg:$0x0];
	s2 =	stileid.u32  }
0x82: {  	s1 =	rddreg [dreg:$0x1];
	p0 =	sne.s32 s2, $0x0  }
0x83: {  	s3 =	rddreg [dreg:$0x2];
	[bflag:$0x3] =	sbarrier.arrive $0xFFFF;
	s2 =	simm.s32 @!p0 $0x1C05  }
0x84: {  	[timem:s3], [sflag:s2] =	dma.local @!p0 [hbm:s0], s1  }
0x85: {  	s0 =	simm.s32 @!p0 $0x5  }
0x86: {  	_ =	swait.ge @!p0 [sflag:s0], s1  }
0x87: {  	s1 =	ssub.s32 @!p0 $0x0, s1;
	[sflag:s0] =	ssyncset.done @!p0 $0x0  }
0x88: {  	[sflag:s0] =	ssyncadd.s32 @!p0 s1  }
0x89: {  	[bflag:$0x3] =	sbarrier.arrive $0xFFFF  }
0x8a: {  	_ =	shalt  }

// kernel: kernel.15.cloned.1.call-start
scs
__scs_entry_jumppad:
0x0: {  	(pc) =	sbr.rel $0x88, $3  }
0x1: {  	(tag) =	ssettag $0x0;
	lr =	simm.s32 $0x1  }
0x2: {  	[smem:$0x3F94] =	sst lr;
	_ =	strace $0xD0000000  }
0x3: {  	_ = 	snop  }
0x4: {  	_ = 	snop  }
0x5: {  	_ = 	snop  }
0x6: {  	_ = 	snop  }
0x7: {  	_ = 	snop  }
__scs_overlays_trampoline_lowered:
0x8: {  	[smem:$0x3FA3] =	sst s0  }
0x9: {  	[smem:$0x3FA4] =	sst s1  }
0xa: {  	[smem:$0x3FA5] =	sst s2  }
0xb: {  	[smem:$0x3FA6] =	sst s3  }
0xc: {  	[smem:$0x3FA7] =	sst s4  }
0xd: {  	[smem:$0x3FA8] =	sst s5  }
0xe: {  	[smem:$0x3FA9] =	sst s6  }
0xf: {  	[smem:$0x3FAA] =	sst s7  }
0x10: {  	[smem:$0x3FAB] =	sst s8  }
0x11: {  	[smem:$0x3FAC] =	sst s9;
	s0 =	simm.s32 @!p0 $0x0  }
0x12: {  	s1 =	sld [smem:$0x3F92];
	s0 =	simm.s32 @p0 $0x1  }
0x13: {  	[smem:$0x3FAD] =	sst s0;
	s0 =	simm.s32 @!p1 $0x0  }
0x14: {  	s2 =	sld [smem:$0x3F91];
	s0 =	simm.s32 @p1 $0x1  }
0x15: {  	[smem:$0x3FAE] =	sst s0;
	s0 =	simm.s32 @!p2 $0x0  }
0x16: {  	s3 =	sld [smem:$0x3FDB];
	s0 =	simm.s32 @p2 $0x1  }
0x17: {  	s4 =	simm.s32 $0x1BF5;
	[smem:$0x3FB0] =	sst s0  }
0x18: {  	s0 =	sld [smem:$0x3F93];
	_ =	swait.ge [sflag:s4], $0x0  }
0x19: {  	s7 =	sld [smem:$0x3F94]  }
0x1a: {  	s8 =	sadd.s32 $0xFFFFE003, lr  }
0x1b: {  	s9 =	sadd.s32 $0xFFFFFEF7, lr;
	s5 =	simm.s32 $0xFFFFFFFF;
	p2 =	slt.u32 s8, $0xFFFFF086  }
0x1c: {  	p1 =	slt.u32 s9, $0xF7A;
	s5 =	simm.s32 @!p2 $0x0  }
0x1d: {  	s5 =	simm.s32 @p1 $0x1;
	p0 =	seq.s32 s7, s2  }
0x1e: {  	s7 =	smul.u32 @!p0 $0xF7A, s2;
	p2 =	seq.s32 @!p0 s5, $0x0  }
0x1f: {  	s9 =	smul.u32 $0xF7A, s1;
	s8 =	simm.s32 @!p0 $0x1BF5;
	p2 =	por !p2, p0  }
0x20: {  	[sflag:s8] =	ssyncset.s32 @!p0 $0xFFFFF086;
	s6 =	sadd.s32 @!p0 s3, s7;
	s7 =	simm.s32 @!p0 $0x108  }
0x21: {  	s3 =	sadd.s32 s3, s9;
	s6 =	sadd.s32 @!p0 $0x88, s6;
	s7 =	simm.s32 @p2 $0x1082  }
0x22: {  	[simem:s7], [sflag:s8] =	dma.local @!p0 [hbm:s6], $0xF7A  }
0x23: {  	s9 =	sor.u32 $0xD0000000, s2;
	s6 =	simm.s32 $0x108;
	_ =	swait.ge @!p0 [sflag:s8], $0x0  }
0x24: {  	s3 =	sadd.s32 $0x88, s3;
	s6 =	simm.s32 @!p1 $0x1082;
	[sflag:s4] =	ssyncset.s32 $0xFFFFF086  }
0x25: {  	[simem:s6], [sflag:s4] =	dma.local [hbm:s3], $0xF7A  }
0x26: {  	[smem:$0x3F94] =	sst s1;
	(tag) =	ssettag s2;
	_ =	strace s9  }
0x27: {  	s1 =	sld [smem:$0x3FA4]  }
0x28: {  	s2 =	sld [smem:$0x3FA5]  }
0x29: {  	s4 =	sld [smem:$0x3FA7]  }
0x2a: {  	p0 =	seq.s32 s5, $0x0;
	s5 =	sld [smem:$0x3FA8]  }
0x2b: {  	s6 =	sld [smem:$0x3FA9]  }
0x2c: {  	s7 =	sld [smem:$0x3FAA]  }
0x2d: {  	s3 =	simm.s32 $0x108;
	s8 =	sld [smem:$0x3FAB]  }
0x2e: {  	s3 =	simm.s32 @!p0 $0x1082;
	s9 =	sld [smem:$0x3FAC]  }
0x2f: {  	lr =	sadd.s32 s0, s3;
	s0 =	sld [smem:$0x3FA3]  }
0x30: {  	s3 =	sld [smem:$0x3FA6]  }
0x31: {  	[smem:$0x3FAF] =	sst s10  }
0x32: {  	s10 =	sld [smem:$0x3FAD];
	_ =	sdelay $0x3  }
0x33: {  	p0 =	seq.s32 s10, $0x1;
	s10 =	sld [smem:$0x3FAF];
	_ =	sdelay $0x3  }
0x34: {  	[smem:$0x3FAF] =	sst s10  }
0x35: {  	s10 =	sld [smem:$0x3FAE];
	_ =	sdelay $0x3  }
0x36: {  	p1 =	seq.s32 s10, $0x1;
	s10 =	sld [smem:$0x3FAF];
	_ =	sdelay $0x3  }
0x37: {  	[smem:$0x3FAF] =	sst s10  }
0x38: {  	s10 =	sld [smem:$0x3FB0]  }
0x39: {  	_ = 	snop;
	(pc) =	sbr.ind lr, $3  }
0x3a: {  	_ = 	snop  }
0x3b: {  	_ = 	snop  }
0x3c: {  	p2 =	seq.s32 s10, $0x1;
	s10 =	sld [smem:$0x3FAF]  }
0x3d: {  	_ =	shalt  }
0x3e: {  	_ =	shalt  }
0x3f: {  	_ =	shalt  }
0x40: {  	_ =	shalt  }
0x41: {  	_ =	shalt  }
0x42: {  	_ =	shalt  }
0x43: {  	_ =	shalt  }
0x44: {  	_ =	shalt  }
0x45: {  	_ =	shalt  }
0x46: {  	_ =	shalt  }
0x47: {  	_ =	shalt  }
0x48: {  	_ =	shalt  }
0x49: {  	_ =	shalt  }
0x4a: {  	_ =	shalt  }
0x4b: {  	_ =	shalt  }
0x4c: {  	_ =	shalt  }
0x4d: {  	_ =	shalt  }
0x4e: {  	_ =	shalt  }
0x4f: {  	_ =	shalt  }
0x50: {  	_ =	shalt  }
0x51: {  	_ =	shalt  }
0x52: {  	_ =	shalt  }
0x53: {  	_ =	shalt  }
0x54: {  	_ =	shalt  }
0x55: {  	_ =	shalt  }
0x56: {  	_ =	shalt  }
0x57: {  	_ =	shalt  }
0x58: {  	_ =	shalt  }
0x59: {  	_ =	shalt  }
0x5a: {  	_ =	shalt  }
0x5b: {  	_ =	shalt  }
0x5c: {  	_ =	shalt  }
0x5d: {  	_ =	shalt  }
0x5e: {  	_ =	shalt  }
0x5f: {  	_ =	shalt  }
0x60: {  	_ =	shalt  }
0x61: {  	_ =	shalt  }
0x62: {  	_ =	shalt  }
0x63: {  	_ =	shalt  }
0x64: {  	_ =	shalt  }
0x65: {  	_ =	shalt  }
0x66: {  	_ =	shalt  }
0x67: {  	_ =	shalt  }
0x68: {  	_ =	shalt  }
0x69: {  	_ =	shalt  }
0x6a: {  	_ =	shalt  }
0x6b: {  	_ =	shalt  }
0x6c: {  	_ =	shalt  }
0x6d: {  	_ =	shalt  }
0x6e: {  	_ =	shalt  }
0x6f: {  	_ =	shalt  }
0x70: {  	_ =	shalt  }
0x71: {  	_ =	shalt  }
0x72: {  	_ =	shalt  }
0x73: {  	_ =	shalt  }
0x74: {  	_ =	shalt  }
0x75: {  	_ =	shalt  }
0x76: {  	_ =	shalt  }
0x77: {  	_ =	shalt  }
0x78: {  	_ =	shalt  }
0x79: {  	_ =	shalt  }
0x7a: {  	_ =	shalt  }
0x7b: {  	_ =	shalt  }
0x7c: {  	_ =	shalt  }
0x7d: {  	_ =	shalt  }
0x7e: {  	_ =	shalt  }
0x7f: {  	_ =	shalt  }
0x80: {  	_ =	shalt  }
0x81: {  	_ =	shalt  }
0x82: {  	_ =	shalt  }
0x83: {  	_ =	shalt  }
0x84: {  	_ =	shalt  }
0x85: {  	_ =	shalt  }
0x86: {  	_ =	shalt  }
0x87: {  	_ =	shalt  }
.Lfunc_end0:
.L_simem_size_0:
called_computation.2_lowered:
.L_overlay_start_0:
0x88: {  	s2 =	sld [smem:$0x3FD9]  }
0x89: {  	s3 =	sld [smem:$0x3FFE];
	_ =	sdelay $0x1  }
0x8a: {  	s1 =	srdreg.scid  }
0x8b: {  	s0 =	sand.u32 $0x1, s1  }
0x8c: {  	s16 =	sshll.u32 s0, $0xA;
	s2 =	sadd.s32 s3, s2  }
0x8d: {  	s2 =	sadd.s32 s2, s16  }
0x8e: {  	[smem:$0x3FBB] =	sst s2  }
0x8f: {  	_ = 	snop  }
0x90: {  	(tm) =	ssettm $0x1  }
0x91: {  	s17 =	sld [smem:$0x3FFB];
	_ =	sdelay $0x3  }
0x92: {  	_ =	strace s17  }
0x93: {  	s2 =	sld [smem:$0x3FFC];
	_ =	sdelay $0x3  }
0x94: {  	_ =	strace s2  }
0x95: {  	s2 =	sld [smem:$0x3FFD];
	_ =	sdelay $0x3  }
0x96: {  	_ =	strace s2  }
0x97: {  	_ =	strace $0x8FFFFFFF  }
0x98: {  	s18 =	sld [smem:$0x3FDB];
	_ =	sdelay $0x1  }
0x99: {  	s19 =	simm.s32 $_scs_section_size  }
0x9a: {  	s4 =	simm.s32 $_size__tile_overlayer_lowered;
	s5 =	simm.s32 $_tile_overlayer_lowered  }
0x9b: {  	s22 =	simm.s32 $0x1BFF;
	s21 =	sshll.u32 s5, $0x1;
	s2 =	sadd.s32 s19, s18  }
0x9c: {  	s6 =	simm.s32 $0x0;
	s20 =	sshll.u32 s4, $0x1;
	s4 =	sadd.s32 s21, s2  }
0x9d: {  	[timem:s6], [sflag:s22] =	dma.local [hbm:s4], s20  }
0x9e: {  	_ =	swait.ge [sflag:s22], s20  }
0x9f: {  	s3 =	ssub.s32 $0x0, s20;
	[sflag:s22] =	ssyncset.done $0x0  }
0xa0: {  	[sflag:s22] =	ssyncadd.s32 s3;
	_ =	sdelay $0x1  }
0xa1: {  	s23 =	simm.s32 $0x1B8B  }
0xa2: {  	_ =	swait.ge [sflag:s23], $0x1  }
0xa3: {  	[sflag:s23] =	ssyncset.done $0x0  }
0xa4: {  	s25 =	simm.s32 $0x1B8E;
	s24 =	sld [smem:$0x3FFE];
	[sflag:s23] =	ssyncadd.s32 $0xFFFFFFFF  }
0xa5: {  	s26 =	simm.s32 $execute0_lowered;
	[smem:$0x3FD2] =	sst s25  }
0xa6: {  	s4 =	sshll.u32 s26, $0x1;
	_ =	strace $0x8000004C;
	[dreg:$0x1] =	wrdreg $0xFFFFFFFF  }
0xa7: {  	s28 =	simm.s32 $_size_execute0_lowered;
	s2 =	sadd.s32 s2, s4;
	[dreg:$0x0] =	wrdreg $0x0  }
0xa8: {  	s4 =	sshll.u32 s28, $0x1;
	[dreg:$0x2] =	wrdreg s2  }
0xa9: {  	[dreg:$0x3] =	wrdreg s4  }
0xaa: {  	[dreg:$0x4] =	wrdreg $0xC0  }
0xab: {  	_ =	task [dreg:s6], $0x5FFFF  }
0xac: {  	[dreg:$0x1] =	wrdreg $0xFFFFFFFF  }
0xad: {  	[dreg:$0x0] =	wrdreg $0x60  }
0xae: {  	[dreg:$0x2] =	wrdreg s24  }
0xaf: {  	[dreg:$0x3] =	wrdreg $0xD0000  }
0xb0: {  	[dreg:$0x4] =	wrdreg $0x9  }
0xb1: {  	_ =	task.clear_ibuf [dreg:s6], $0x5FFFF;
	_ =	strace $0x9000004C  }
0xb2: {  	s29 =	simm.s32 $0x9;
	_ =	strace $0x8000004E  }
0xb3: {  	_ =	swait.ge [sflag:s29], $0x1  }
0xb4: {  	[sflag:s29] =	ssyncadd.s32 $0xFFFFFFFF  }
0xb5: {  	_ =	strace $0x9000004E  }
0xb6: {  	_ =	sfence  }
0xb7: {  	s30 =	sld [smem:$0x0];
	_ =	sdelay $0x2  }
0xb8: {  	s31 =	sshll.u32 s1, $0xD;
	s1 =	sshrl.u32 s1, $0x2  }
0xb9: {  	s3 =	sand.u32 $0x4000, s31;
	s1 =	sadd.s32 s1, s30  }
0xba: {  	s0 =	sor.u32 s3, s0;
	s1 =	sshll.u32 s1, $0x11  }
0xbb: {  	s0 =	sor.u32 s1, s0  }
0xbc: {  	s0 =	sadd.s32 $0x8F2B, s0  }
0xbd: {  	[sflag:s0] =	ssyncadd.remote.s32 $0x1  }
0xbe: {  	_ =	sfence.sel $0xFFFF  }
0xbf: {  	[dreg:$0x0] =	wrdreg $0xFFFFFFFF;
	(pc) =	sbr.abs _section_cstart, $3  }
0xc0: {  	[dreg:$0x1] =	wrdreg $0xFFFFFFFF  }
0xc1: {  	_ =	task.clear_ibuf [dreg:s6], $0x2FFFF;
	_ =	strace $0x9FFFFFFF  }
0xc2: {  	(tm) =	ssettm $0x7FFFFFFF  }
0xc3: {  	_ =	shalt  }
tec
execute0_lowered:
.L_overlay_start_1:
0x0: {  	(tag) =	ssettag $0x1  }
0x1: {  	s0 =	srdreg.scid;
	s5 =	rddreg [dreg:$0x0]  }
0x2: {  	s9 =	stileid.u32;
	s2 =	rddreg [dreg:$0x1]  }
0x3: {  	s3 =	simm.s32 $0x0;
	s12 =	simm.s32 $0x2800;
	s14 =	simm.s32 $0x1  }
0x4: {  	s15 =	simm.s32 $0x80;
	s16 =	simm.s32 $0x5000;
	s17 =	simm.s32 $0x7000  }
0x5: {  	s19 =	simm.s32 $0x9000;
	s20 =	simm.s32 $0x180;
	s21 =	simm.s32 $0xB000  }
0x6: {  	s22 =	simm.s32 $0x3;
	s23 =	simm.s32 $0x2880;
	s24 =	simm.s32 $0x4  }
0x7: {  	s25 =	simm.s32 $0x200;
	s28 =	simm.s32 $0x2900;
	s29 =	simm.s32 $0x5  }
0x8: {  	s30 =	simm.s32 $0x0;
	s0 =	sand.u32 $0x1, s0;
	s1 =	sshll.u32 s9, $0x1  }
0x9: {  	s7 =	smul.u32 $0x9E00, s9;
	[smem:$0x7FF] =	sst s3;
	s4 =	sadd.s32 $0x1C00, s5  }
0xa: {  	s1 =	sor.u32 s0, s1;
	s6 =	smul.u32 $0x9E000, s0;
	_ =	strace $0x8000004D  }
0xb: {  	s0 =	ssub.s32 $0x2, s0;
	s1 =	smul.u32 $0x500, s1;
	s8 =	sshrl.u32 s7, $0x3  }
0xc: {  	s26 =	sshrl.u32 s0, $0x1;
	s31 =	sadd.s32 s7, s2;
	s6 =	sadd.s32 s7, s6  }
.Ltmp0:
0xd: {  	s8 =	sadd.s32 s8, s5;
	s0 =	ssub.s32 s0, s26;
	(pc) =	sbr.rel .LBB2_1-.Ltmp0, $4  }
0xe: {  	s13 =	sshrl.u32 s31, $0x3;
	s26 =	simm.s32 $0x280;
	s1 =	sadd.s32 s1, s5  }
0xf: {  	s6 =	sshrl.u32 s6, $0x3;
	s7 =	sadd.s32 $0x29600, s8;
	s8 =	sshll.u32 s9, $0x6  }
0x10: {  	s11 =	smax.u32 s0, $0x1;
	s10 =	sadd.s32 s6, s5;
	s5 =	sadd.s32 $0x15600, s1  }
0x11: {  	s6 =	sadd.s32 $0x1F600, s1;
	s9 =	sor.u32 $0x1C02, s8;
	s10 =	sadd.s32 $0x3D200, s10  }
.LBB2_4:
0x12: {  	_ =	swait.ge [sflag:s22], $0x2000  }
0x13: {  	[sflag:s22] =	ssyncset.done $0x0  }
0x14: {  	[sflag:s22] =	ssyncadd.s32 $0xFFFFE000  }
0x15: {  	_ =	swait.ge [sflag:s22], $0x2000  }
0x16: {  	[sflag:s22] =	ssyncset.done $0x0  }
0x17: {  	s0 =	sadd.s32 $0x2B00, s1;
	[sflag:s22] =	ssyncadd.s32 $0xFFFFE000  }
0x18: {  	[spmem:s2] =	stream.indirect.scatter.add.f32 [tilespmem:s19], [sflag:$0x4], $0x40, s0, s15, $0xb8;
	[tilespmem:$0x16E00] =	vst v63  }
0x19: {  	s18 =	sadd.s32 $0x2B80, s1  }
0x1a: {  	[spmem:s2] =	stream.indirect.scatter.add.f32 [tilespmem:s21], [sflag:$0x4], $0x40, s18, s15, $0xb8;
	[tilespmem:$0x16E00] =	vst v63  }
0x1b: {  	_ =	swait.ge [sflag:s24], $0x2000  }
0x1c: {  	[sflag:s24] =	ssyncset.done $0x0  }
0x1d: {  	[sflag:s24] =	ssyncadd.s32 $0xFFFFE000  }
0x1e: {  	_ =	swait.ge [sflag:s24], $0x2000  }
0x1f: {  	s30 =	sadd.s32 $0x1, s30;
	[sflag:s24] =	ssyncset.done $0x0  }
0x20: {  	p0 =	sne.s32 s30, s11;
	[sflag:s24] =	ssyncadd.s32 $0xFFFFE000  }
.Ltmp1:
0x21: {  	s31 =	sor.u32 $0x1C05, s8;
	[bflag:$0x0] =	sbarrier.arrive $0xFFFF;
	(pc) =	sbr.rel @!p0 .LBB2_5-.Ltmp1, $4  }
0x22: {  	[hbm:s10], [sflag:s31] =	dma.local [spmem:s13], $0x13C0  }
0x23: {  	_ =	swait.ge [sflag:s29], $0x13C0  }
0x24: {  	[sflag:s29] =	ssyncset.done $0x0  }
0x25: {  	[sflag:s29] =	ssyncadd.s32 $0xFFFFEC40  }
.LBB2_1:
0x26: {  	[tilespmem:s3], [sflag:$0x1] =	stream.linear.gather [hbm4b:s5+s3], $0x2800, $0x38;
	[tilespmem:$0x16E00] =	vst v63  }
0x27: {  	_ = 	snop  }
0x28: {  	[tilespmem:s12], [sflag:$0x2] =	stream.linear.gather [hbm4b:s6+s3], $0x2800, $0x38;
	[tilespmem:$0x16E00] =	vst v63  }
0x29: {  	[spmem:s13], [sflag:s9] =	dma.local [hbm:s7], $0x13C0  }
0x2a: {  	_ =	swait.ge [sflag:s14], $0x2800  }
0x2b: {  	[sflag:s14] =	ssyncset.done $0x0  }
0x2c: {  	[sflag:s14] =	ssyncadd.s32 $0xFFFFD800  }
0x2d: {  	[tilespmem:s16], [sflag:$0x3] =	stream.indirect.gather [hbm4b:s4+s15], $0x40, s3, s15, $0xb8;
	[tilespmem:$0x16E00] =	vst v63  }
0x2e: {  	s31 =	simm.s32 $0x2  }
0x2f: {  	[tilespmem:s17], [sflag:$0x3] =	stream.indirect.gather [hbm4b:s4+s15], $0x40, s15, s15, $0xb8;
	[tilespmem:$0x16E00] =	vst v63  }
0x30: {  	_ =	swait.ge [sflag:s31], $0x2800  }
0x31: {  	[sflag:s31] =	ssyncset.done $0x0  }
0x32: {  	[sflag:s31] =	ssyncadd.s32 $0xFFFFD800  }
0x33: {  	_ =	swait.ge [sflag:s31], $0x13C0  }
0x34: {  	[sflag:s31] =	ssyncset.done $0x0  }
0x35: {  	[sflag:s31] =	ssyncadd.s32 $0xFFFFEC40  }
0x36: {  	s0 =	simm.s32 $0x100;
	[bflag:$0x0] =	sbarrier.arrive $0xFFFF  }
0x37: {  	[tilespmem:s19], [sflag:$0x3] =	stream.indirect.gather [hbm4b:s4+s15], $0x40, s0, s15, $0xb8;
	[tilespmem:$0x16E00] =	vst v63  }
0x38: {  	_ = 	snop  }
0x39: {  	[tilespmem:s21], [sflag:$0x3] =	stream.indirect.gather [hbm4b:s4+s15], $0x40, s20, s15, $0xb8;
	[tilespmem:$0x16E00] =	vst v63  }
0x3a: {  	_ =	swait.ge [sflag:s22], $0x2000  }
0x3b: {  	[sflag:s22] =	ssyncset.done $0x0  }
0x3c: {  	[sflag:s22] =	ssyncadd.s32 $0xFFFFE000  }
0x3d: {  	_ =	swait.ge [sflag:s22], $0x2000  }
0x3e: {  	[sflag:s22] =	ssyncset.done $0x0  }
0x3f: {  	[sflag:s22] =	ssyncadd.s32 $0xFFFFE000  }
0x40: {  	[spmem:s2] =	stream.indirect.scatter.add.f32 [tilespmem:s16], [sflag:$0x4], $0x40, s12, s15, $0xb8;
	[tilespmem:$0x16E00] =	vst v63  }
0x41: {  	_ = 	snop  }
0x42: {  	[spmem:s2] =	stream.indirect.scatter.add.f32 [tilespmem:s17], [sflag:$0x4], $0x40, s23, s15, $0xb8;
	[tilespmem:$0x16E00] =	vst v63  }
0x43: {  	_ =	swait.ge [sflag:s24], $0x2000  }
0x44: {  	[sflag:s24] =	ssyncset.done $0x0  }
0x45: {  	[sflag:s24] =	ssyncadd.s32 $0xFFFFE000  }
0x46: {  	_ =	swait.ge [sflag:s24], $0x2000  }
0x47: {  	[sflag:s24] =	ssyncset.done $0x0  }
0x48: {  	[sflag:s24] =	ssyncadd.s32 $0xFFFFE000  }
0x49: {  	[tilespmem:s16], [sflag:$0x3] =	stream.indirect.gather [hbm4b:s4+s15], $0x40, s25, s15, $0xb8;
	[tilespmem:$0x16E00] =	vst v63  }
0x4a: {  	_ = 	snop  }
0x4b: {  	[tilespmem:s17], [sflag:$0x3] =	stream.indirect.gather [hbm4b:s4+s15], $0x40, s26, s15, $0xb8;
	[tilespmem:$0x16E00] =	vst v63  }
0x4c: {  	_ =	swait.ge [sflag:s22], $0x2000  }
0x4d: {  	[sflag:s22] =	ssyncset.done $0x0  }
0x4e: {  	[sflag:s22] =	ssyncadd.s32 $0xFFFFE000  }
0x4f: {  	_ =	swait.ge [sflag:s22], $0x2000  }
0x50: {  	[sflag:s22] =	ssyncset.done $0x0  }
0x51: {  	s0 =	simm.s32 $0x0;
	[sflag:s22] =	ssyncadd.s32 $0xFFFFE000  }
0x52: {  	[spmem:s2] =	stream.indirect.scatter.add.f32 [tilespmem:s19], [sflag:$0x4], $0x40, s28, s15, $0xb8;
	[tilespmem:$0x16E00] =	vst v63  }
.LBB2_2:
0x53: {  	s1 =	sshra.s32 s0, $0x2  }
0x54: {  	s18 =	sadd.s32 $0x2980, s1  }
0x55: {  	[spmem:s2] =	stream.indirect.scatter.add.f32 [tilespmem:s21], [sflag:$0x4], $0x40, s18, s15, $0xb8;
	[tilespmem:$0x16E00] =	vst v63  }
0x56: {  	_ =	swait.ge [sflag:s24], $0x2000  }
0x57: {  	[sflag:s24] =	ssyncset.done $0x0  }
0x58: {  	[sflag:s24] =	ssyncadd.s32 $0xFFFFE000  }
0x59: {  	_ =	swait.ge [sflag:s24], $0x2000  }
0x5a: {  	[sflag:s24] =	ssyncset.done $0x0  }
0x5b: {  	s18 =	sadd.s32 $0x300, s1;
	[sflag:s24] =	ssyncadd.s32 $0xFFFFE000  }
0x5c: {  	[tilespmem:s19], [sflag:$0x3] =	stream.indirect.gather [hbm4b:s4+s15], $0x40, s18, s15, $0xb8;
	[tilespmem:$0x16E00] =	vst v63  }
0x5d: {  	s18 =	sadd.s32 $0x380, s1  }
0x5e: {  	[tilespmem:s21], [sflag:$0x3] =	stream.indirect.gather [hbm4b:s4+s15], $0x40, s18, s15, $0xb8;
	[tilespmem:$0x16E00] =	vst v63  }
0x5f: {  	_ =	swait.ge [sflag:s22], $0x2000  }
0x60: {  	[sflag:s22] =	ssyncset.done $0x0  }
0x61: {  	[sflag:s22] =	ssyncadd.s32 $0xFFFFE000  }
0x62: {  	_ =	swait.ge [sflag:s22], $0x2000  }
0x63: {  	[sflag:s22] =	ssyncset.done $0x0  }
0x64: {  	s18 =	sadd.s32 $0x2A00, s1;
	[sflag:s22] =	ssyncadd.s32 $0xFFFFE000  }
0x65: {  	[spmem:s2] =	stream.indirect.scatter.add.f32 [tilespmem:s16], [sflag:$0x4], $0x40, s18, s15, $0xb8;
	[tilespmem:$0x16E00] =	vst v63  }
0x66: {  	s18 =	sadd.s32 $0x2A80, s1  }
0x67: {  	[spmem:s2] =	stream.indirect.scatter.add.f32 [tilespmem:s17], [sflag:$0x4], $0x40, s18, s15, $0xb8;
	[tilespmem:$0x16E00] =	vst v63  }
0x68: {  	p0 =	sgt.u32 s31, $0x25;
	_ =	swait.ge [sflag:s24], $0x2000  }
.Ltmp2:
0x69: {  	[sflag:s24] =	ssyncset.done $0x0;
	(pc) =	sbr.rel @p0 .LBB2_4-.Ltmp2, $4  }
0x6a: {  	[sflag:s24] =	ssyncadd.s32 $0xFFFFE000  }
0x6b: {  	_ =	swait.ge [sflag:s24], $0x2000  }
0x6c: {  	[sflag:s24] =	ssyncset.done $0x0  }
0x6d: {  	[sflag:s24] =	ssyncadd.s32 $0xFFFFE000  }
0x6e: {  	s18 =	sadd.s32 $0x400, s1  }
0x6f: {  	[tilespmem:s16], [sflag:$0x3] =	stream.indirect.gather [hbm4b:s4+s15], $0x40, s18, s15, $0xb8;
	[tilespmem:$0x16E00] =	vst v63  }
0x70: {  	s18 =	sadd.s32 $0x480, s1  }
0x71: {  	[tilespmem:s17], [sflag:$0x3] =	stream.indirect.gather [hbm4b:s4+s15], $0x40, s18, s15, $0xb8;
	[tilespmem:$0x16E00] =	vst v63  }
0x72: {  	_ =	swait.ge [sflag:s22], $0x2000  }
0x73: {  	[sflag:s22] =	ssyncset.done $0x0  }
.Ltmp3:
0x74: {  	[sflag:s22] =	ssyncadd.s32 $0xFFFFE000;
	(pc) =	sbr.rel .LBB2_2-.Ltmp3, $4  }
0x75: {  	_ =	swait.ge [sflag:s22], $0x2000  }
0x76: {  	s31 =	sadd.s32 $0x2, s31;
	[sflag:s22] =	ssyncset.done $0x0  }
0x77: {  	s0 =	sadd.s32 $0x800, s0;
	s18 =	sadd.s32 $0x2B00, s1;
	[sflag:s22] =	ssyncadd.s32 $0xFFFFE000  }
0x78: {  	[spmem:s2] =	stream.indirect.scatter.add.f32 [tilespmem:s19], [sflag:$0x4], $0x40, s18, s15, $0xb8;
	[tilespmem:$0x16E00] =	vst v63  }
.LBB2_5:
0x79: {  	_ =	sfence.sel $0x180000  }
0x7a: {  	[bflag:$0x0] =	sbarrier.arrive $0xFFFF  }
0x7b: {  	_ =	strace $0x9000004D  }
0x7c: {  	s0 =	stileid.u32;
	[bflag:$0x2] =	sbarrier.arrive $0xFFFF  }
0x7d: {  	p0 =	sne.s32 s0, $0x0;
	s0 =	rddreg [dreg:$0x2]  }
0x7e: {  	s0 =	sadd.s32 @!p0 $0x100000, s0  }
0x7f: {  	[sflag:s0] =	ssyncadd.tile.s32 @!p0 $0x1;
	_ =	shalt  }
.Lfunc_end2:
_tile_overlayer_lowered:
.L_overlay_start_2:
0x80: {  	(tag) =	ssettag $0x2  }
0x81: {  	s0 =	rddreg [dreg:$0x0];
	s2 =	stileid.u32  }
0x82: {  	s1 =	rddreg [dreg:$0x1];
	p0 =	sne.s32 s2, $0x0  }
0x83: {  	s3 =	rddreg [dreg:$0x2];
	[bflag:$0x3] =	sbarrier.arrive $0xFFFF;
	s2 =	simm.s32 @!p0 $0x1C05  }
0x84: {  	[timem:s3], [sflag:s2] =	dma.local @!p0 [hbm:s0], s1  }
0x85: {  	s0 =	simm.s32 @!p0 $0x5  }
0x86: {  	_ =	swait.ge @!p0 [sflag:s0], s1  }
0x87: {  	s1 =	ssub.s32 @!p0 $0x0, s1;
	[sflag:s0] =	ssyncset.done @!p0 $0x0  }
0x88: {  	[sflag:s0] =	ssyncadd.s32 @!p0 s1  }
0x89: {  	[bflag:$0x3] =	sbarrier.arrive $0xFFFF  }
0x8a: {  	_ =	shalt  }

// kernel: kernel.9.cloned.1.call-start
scs
__scs_entry_jumppad:
0x0: {  	(pc) =	sbr.rel $0x88, $3  }
0x1: {  	(tag) =	ssettag $0x0;
	lr =	simm.s32 $0x1  }
0x2: {  	[smem:$0x3F94] =	sst lr;
	_ =	strace $0xD0000000  }
0x3: {  	_ = 	snop  }
0x4: {  	_ = 	snop  }
0x5: {  	_ = 	snop  }
0x6: {  	_ = 	snop  }
0x7: {  	_ = 	snop  }
__scs_overlays_trampoline_lowered:
0x8: {  	[smem:$0x3FA3] =	sst s0  }
0x9: {  	[smem:$0x3FA4] =	sst s1  }
0xa: {  	[smem:$0x3FA5] =	sst s2  }
0xb: {  	[smem:$0x3FA6] =	sst s3  }
0xc: {  	[smem:$0x3FA7] =	sst s4  }
0xd: {  	[smem:$0x3FA8] =	sst s5  }
0xe: {  	[smem:$0x3FA9] =	sst s6  }
0xf: {  	[smem:$0x3FAA] =	sst s7  }
0x10: {  	[smem:$0x3FAB] =	sst s8  }
0x11: {  	[smem:$0x3FAC] =	sst s9;
	s0 =	simm.s32 @!p0 $0x0  }
0x12: {  	s1 =	sld [smem:$0x3F92];
	s0 =	simm.s32 @p0 $0x1  }
0x13: {  	[smem:$0x3FAD] =	sst s0;
	s0 =	simm.s32 @!p1 $0x0  }
0x14: {  	s2 =	sld [smem:$0x3F91];
	s0 =	simm.s32 @p1 $0x1  }
0x15: {  	[smem:$0x3FAE] =	sst s0;
	s0 =	simm.s32 @!p2 $0x0  }
0x16: {  	s3 =	sld [smem:$0x3FDB];
	s0 =	simm.s32 @p2 $0x1  }
0x17: {  	s4 =	simm.s32 $0x1BF5;
	[smem:$0x3FB0] =	sst s0  }
0x18: {  	s0 =	sld [smem:$0x3F93];
	_ =	swait.ge [sflag:s4], $0x0  }
0x19: {  	s7 =	sld [smem:$0x3F94]  }
0x1a: {  	s8 =	sadd.s32 $0xFFFFE003, lr  }
0x1b: {  	s9 =	sadd.s32 $0xFFFFFEF7, lr;
	s5 =	simm.s32 $0xFFFFFFFF;
	p2 =	slt.u32 s8, $0xFFFFF086  }
0x1c: {  	p1 =	slt.u32 s9, $0xF7A;
	s5 =	simm.s32 @!p2 $0x0  }
0x1d: {  	s5 =	simm.s32 @p1 $0x1;
	p0 =	seq.s32 s7, s2  }
0x1e: {  	s7 =	smul.u32 @!p0 $0xF7A, s2;
	p2 =	seq.s32 @!p0 s5, $0x0  }
0x1f: {  	s9 =	smul.u32 $0xF7A, s1;
	s8 =	simm.s32 @!p0 $0x1BF5;
	p2 =	por !p2, p0  }
0x20: {  	[sflag:s8] =	ssyncset.s32 @!p0 $0xFFFFF086;
	s6 =	sadd.s32 @!p0 s3, s7;
	s7 =	simm.s32 @!p0 $0x108  }
0x21: {  	s3 =	sadd.s32 s3, s9;
	s6 =	sadd.s32 @!p0 $0x88, s6;
	s7 =	simm.s32 @p2 $0x1082  }
0x22: {  	[simem:s7], [sflag:s8] =	dma.local @!p0 [hbm:s6], $0xF7A  }
0x23: {  	s9 =	sor.u32 $0xD0000000, s2;
	s6 =	simm.s32 $0x108;
	_ =	swait.ge @!p0 [sflag:s8], $0x0  }
0x24: {  	s3 =	sadd.s32 $0x88, s3;
	s6 =	simm.s32 @!p1 $0x1082;
	[sflag:s4] =	ssyncset.s32 $0xFFFFF086  }
0x25: {  	[simem:s6], [sflag:s4] =	dma.local [hbm:s3], $0xF7A  }
0x26: {  	[smem:$0x3F94] =	sst s1;
	(tag) =	ssettag s2;
	_ =	strace s9  }
0x27: {  	s1 =	sld [smem:$0x3FA4]  }
0x28: {  	s2 =	sld [smem:$0x3FA5]  }
0x29: {  	s4 =	sld [smem:$0x3FA7]  }
0x2a: {  	p0 =	seq.s32 s5, $0x0;
	s5 =	sld [smem:$0x3FA8]  }
0x2b: {  	s6 =	sld [smem:$0x3FA9]  }
0x2c: {  	s7 =	sld [smem:$0x3FAA]  }
0x2d: {  	s3 =	simm.s32 $0x108;
	s8 =	sld [smem:$0x3FAB]  }
0x2e: {  	s3 =	simm.s32 @!p0 $0x1082;
	s9 =	sld [smem:$0x3FAC]  }
0x2f: {  	lr =	sadd.s32 s0, s3;
	s0 =	sld [smem:$0x3FA3]  }
0x30: {  	s3 =	sld [smem:$0x3FA6]  }
0x31: {  	[smem:$0x3FAF] =	sst s10  }
0x32: {  	s10 =	sld [smem:$0x3FAD];
	_ =	sdelay $0x3  }
0x33: {  	p0 =	seq.s32 s10, $0x1;
	s10 =	sld [smem:$0x3FAF];
	_ =	sdelay $0x3  }
0x34: {  	[smem:$0x3FAF] =	sst s10  }
0x35: {  	s10 =	sld [smem:$0x3FAE];
	_ =	sdelay $0x3  }
0x36: {  	p1 =	seq.s32 s10, $0x1;
	s10 =	sld [smem:$0x3FAF];
	_ =	sdelay $0x3  }
0x37: {  	[smem:$0x3FAF] =	sst s10  }
0x38: {  	s10 =	sld [smem:$0x3FB0]  }
0x39: {  	_ = 	snop;
	(pc) =	sbr.ind lr, $3  }
0x3a: {  	_ = 	snop  }
0x3b: {  	_ = 	snop  }
0x3c: {  	p2 =	seq.s32 s10, $0x1;
	s10 =	sld [smem:$0x3FAF]  }
0x3d: {  	_ =	shalt  }
0x3e: {  	_ =	shalt  }
0x3f: {  	_ =	shalt  }
0x40: {  	_ =	shalt  }
0x41: {  	_ =	shalt  }
0x42: {  	_ =	shalt  }
0x43: {  	_ =	shalt  }
0x44: {  	_ =	shalt  }
0x45: {  	_ =	shalt  }
0x46: {  	_ =	shalt  }
0x47: {  	_ =	shalt  }
0x48: {  	_ =	shalt  }
0x49: {  	_ =	shalt  }
0x4a: {  	_ =	shalt  }
0x4b: {  	_ =	shalt  }
0x4c: {  	_ =	shalt  }
0x4d: {  	_ =	shalt  }
0x4e: {  	_ =	shalt  }
0x4f: {  	_ =	shalt  }
0x50: {  	_ =	shalt  }
0x51: {  	_ =	shalt  }
0x52: {  	_ =	shalt  }
0x53: {  	_ =	shalt  }
0x54: {  	_ =	shalt  }
0x55: {  	_ =	shalt  }
0x56: {  	_ =	shalt  }
0x57: {  	_ =	shalt  }
0x58: {  	_ =	shalt  }
0x59: {  	_ =	shalt  }
0x5a: {  	_ =	shalt  }
0x5b: {  	_ =	shalt  }
0x5c: {  	_ =	shalt  }
0x5d: {  	_ =	shalt  }
0x5e: {  	_ =	shalt  }
0x5f: {  	_ =	shalt  }
0x60: {  	_ =	shalt  }
0x61: {  	_ =	shalt  }
0x62: {  	_ =	shalt  }
0x63: {  	_ =	shalt  }
0x64: {  	_ =	shalt  }
0x65: {  	_ =	shalt  }
0x66: {  	_ =	shalt  }
0x67: {  	_ =	shalt  }
0x68: {  	_ =	shalt  }
0x69: {  	_ =	shalt  }
0x6a: {  	_ =	shalt  }
0x6b: {  	_ =	shalt  }
0x6c: {  	_ =	shalt  }
0x6d: {  	_ =	shalt  }
0x6e: {  	_ =	shalt  }
0x6f: {  	_ =	shalt  }
0x70: {  	_ =	shalt  }
0x71: {  	_ =	shalt  }
0x72: {  	_ =	shalt  }
0x73: {  	_ =	shalt  }
0x74: {  	_ =	shalt  }
0x75: {  	_ =	shalt  }
0x76: {  	_ =	shalt  }
0x77: {  	_ =	shalt  }
0x78: {  	_ =	shalt  }
0x79: {  	_ =	shalt  }
0x7a: {  	_ =	shalt  }
0x7b: {  	_ =	shalt  }
0x7c: {  	_ =	shalt  }
0x7d: {  	_ =	shalt  }
0x7e: {  	_ =	shalt  }
0x7f: {  	_ =	shalt  }
0x80: {  	_ =	shalt  }
0x81: {  	_ =	shalt  }
0x82: {  	_ =	shalt  }
0x83: {  	_ =	shalt  }
0x84: {  	_ =	shalt  }
0x85: {  	_ =	shalt  }
0x86: {  	_ =	shalt  }
0x87: {  	_ =	shalt  }
.Lfunc_end0:
.L_simem_size_0:
called_computation_lowered:
.L_overlay_start_0:
0x88: {  	s2 =	sld [smem:$0x3FD9]  }
0x89: {  	s3 =	sld [smem:$0x3FFE];
	_ =	sdelay $0x1  }
0x8a: {  	s1 =	srdreg.scid  }
0x8b: {  	s0 =	sand.u32 $0x1, s1  }
0x8c: {  	s16 =	sshll.u32 s0, $0xA;
	s2 =	sadd.s32 s3, s2  }
0x8d: {  	s2 =	sadd.s32 s2, s16  }
0x8e: {  	[smem:$0x3FBB] =	sst s2  }
0x8f: {  	_ = 	snop  }
0x90: {  	(tm) =	ssettm $0x1  }
0x91: {  	s17 =	sld [smem:$0x3FFB];
	_ =	sdelay $0x3  }
0x92: {  	_ =	strace s17  }
0x93: {  	s2 =	sld [smem:$0x3FFC];
	_ =	sdelay $0x3  }
0x94: {  	_ =	strace s2  }
0x95: {  	s2 =	sld [smem:$0x3FFD];
	_ =	sdelay $0x3  }
0x96: {  	_ =	strace s2  }
0x97: {  	_ =	strace $0x8FFFFFFF  }
0x98: {  	s18 =	sld [smem:$0x3FDB];
	_ =	sdelay $0x1  }
0x99: {  	s19 =	simm.s32 $_scs_section_size  }
0x9a: {  	s4 =	simm.s32 $_size__tile_overlayer_lowered;
	s5 =	simm.s32 $_tile_overlayer_lowered  }
0x9b: {  	s22 =	simm.s32 $0x1BFF;
	s21 =	sshll.u32 s5, $0x1;
	s2 =	sadd.s32 s19, s18  }
0x9c: {  	s6 =	simm.s32 $0x0;
	s20 =	sshll.u32 s4, $0x1;
	s4 =	sadd.s32 s21, s2  }
0x9d: {  	[timem:s6], [sflag:s22] =	dma.local [hbm:s4], s20  }
0x9e: {  	_ =	swait.ge [sflag:s22], s20  }
0x9f: {  	s3 =	ssub.s32 $0x0, s20;
	[sflag:s22] =	ssyncset.done $0x0  }
0xa0: {  	[sflag:s22] =	ssyncadd.s32 s3;
	_ =	sdelay $0x1  }
0xa1: {  	s23 =	simm.s32 $0x1B8B  }
0xa2: {  	_ =	swait.ge [sflag:s23], $0x1  }
0xa3: {  	[sflag:s23] =	ssyncset.done $0x0  }
0xa4: {  	s25 =	simm.s32 $0x1B8E;
	s24 =	sld [smem:$0x3FFE];
	[sflag:s23] =	ssyncadd.s32 $0xFFFFFFFF  }
0xa5: {  	s26 =	simm.s32 $execute0_lowered;
	[smem:$0x3FD2] =	sst s25  }
0xa6: {  	s4 =	sshll.u32 s26, $0x1;
	_ =	strace $0x80000046;
	[dreg:$0x1] =	wrdreg $0xFFFFFFFF  }
0xa7: {  	s28 =	simm.s32 $_size_execute0_lowered;
	s2 =	sadd.s32 s2, s4;
	[dreg:$0x0] =	wrdreg $0x0  }
0xa8: {  	s4 =	sshll.u32 s28, $0x1;
	[dreg:$0x2] =	wrdreg s2  }
0xa9: {  	[dreg:$0x3] =	wrdreg s4  }
0xaa: {  	[dreg:$0x4] =	wrdreg $0xC0  }
0xab: {  	_ =	task [dreg:s6], $0x5FFFF  }
0xac: {  	[dreg:$0x1] =	wrdreg $0xFFFFFFFF  }
0xad: {  	[dreg:$0x0] =	wrdreg $0x60  }
0xae: {  	[dreg:$0x2] =	wrdreg s24  }
0xaf: {  	[dreg:$0x3] =	wrdreg $0xD0000  }
0xb0: {  	[dreg:$0x4] =	wrdreg $0x9  }
0xb1: {  	_ =	task.clear_ibuf [dreg:s6], $0x5FFFF;
	_ =	strace $0x90000046  }
0xb2: {  	s29 =	simm.s32 $0x9;
	_ =	strace $0x80000048  }
0xb3: {  	_ =	swait.ge [sflag:s29], $0x1  }
0xb4: {  	[sflag:s29] =	ssyncadd.s32 $0xFFFFFFFF  }
0xb5: {  	_ =	strace $0x90000048  }
0xb6: {  	_ =	sfence  }
0xb7: {  	s30 =	sld [smem:$0x0];
	_ =	sdelay $0x2  }
0xb8: {  	s31 =	sshll.u32 s1, $0xD;
	s1 =	sshrl.u32 s1, $0x2  }
0xb9: {  	s3 =	sand.u32 $0x4000, s31;
	s1 =	sadd.s32 s1, s30  }
0xba: {  	s0 =	sor.u32 s3, s0;
	s1 =	sshll.u32 s1, $0x11  }
0xbb: {  	s0 =	sor.u32 s1, s0  }
0xbc: {  	s0 =	sadd.s32 $0x8F2B, s0  }
0xbd: {  	[sflag:s0] =	ssyncadd.remote.s32 $0x1  }
0xbe: {  	_ =	sfence.sel $0xFFFF  }
0xbf: {  	[dreg:$0x0] =	wrdreg $0xFFFFFFFF;
	(pc) =	sbr.abs _section_cstart, $3  }
0xc0: {  	[dreg:$0x1] =	wrdreg $0xFFFFFFFF  }
0xc1: {  	_ =	task.clear_ibuf [dreg:s6], $0x2FFFF;
	_ =	strace $0x9FFFFFFF  }
0xc2: {  	(tm) =	ssettm $0x7FFFFFFF  }
0xc3: {  	_ =	shalt  }
tec
execute0_lowered:
.L_overlay_start_1:
0x0: {  	(tag) =	ssettag $0x1  }
0x1: {  	s0 =	srdreg.scid;
	s5 =	rddreg [dreg:$0x0]  }
0x2: {  	s9 =	stileid.u32;
	s2 =	rddreg [dreg:$0x1]  }
0x3: {  	s3 =	simm.s32 $0x0;
	s12 =	simm.s32 $0x2800;
	s14 =	simm.s32 $0x1  }
0x4: {  	s15 =	simm.s32 $0x80;
	s16 =	simm.s32 $0x5000;
	s17 =	simm.s32 $0x7000  }
0x5: {  	s19 =	simm.s32 $0x9000;
	s20 =	simm.s32 $0x180;
	s21 =	simm.s32 $0xB000  }
0x6: {  	s22 =	simm.s32 $0x3;
	s23 =	simm.s32 $0x2880;
	s24 =	simm.s32 $0x4  }
0x7: {  	s25 =	simm.s32 $0x200;
	s28 =	simm.s32 $0x2900;
	s29 =	simm.s32 $0x5  }
0x8: {  	s30 =	simm.s32 $0x0;
	s0 =	sand.u32 $0x1, s0;
	s1 =	sshll.u32 s9, $0x1  }
0x9: {  	s7 =	smul.u32 $0x9E00, s9;
	[smem:$0x7FF] =	sst s3;
	s4 =	sadd.s32 $0x1C00, s5  }
0xa: {  	s1 =	sor.u32 s0, s1;
	s6 =	smul.u32 $0x9E000, s0;
	_ =	strace $0x80000047  }
0xb: {  	s0 =	ssub.s32 $0x2, s0;
	s1 =	smul.u32 $0x500, s1;
	s8 =	sshrl.u32 s7, $0x3  }
0xc: {  	s26 =	sshrl.u32 s0, $0x1;
	s31 =	sadd.s32 s7, s2;
	s6 =	sadd.s32 s7, s6  }
.Ltmp0:
0xd: {  	s8 =	sadd.s32 s8, s5;
	s0 =	ssub.s32 s0, s26;
	(pc) =	sbr.rel .LBB2_1-.Ltmp0, $4  }
0xe: {  	s13 =	sshrl.u32 s31, $0x3;
	s26 =	simm.s32 $0x280;
	s1 =	sadd.s32 s1, s5  }
0xf: {  	s6 =	sshrl.u32 s6, $0x3;
	s7 =	sadd.s32 $0x29600, s8;
	s8 =	sshll.u32 s9, $0x6  }
0x10: {  	s11 =	smax.u32 s0, $0x1;
	s10 =	sadd.s32 s6, s5;
	s5 =	sadd.s32 $0x15600, s1  }
0x11: {  	s6 =	sadd.s32 $0x1F600, s1;
	s9 =	sor.u32 $0x1C02, s8;
	s10 =	sadd.s32 $0x3D200, s10  }
.LBB2_4:
0x12: {  	_ =	swait.ge [sflag:s22], $0x2000  }
0x13: {  	[sflag:s22] =	ssyncset.done $0x0  }
0x14: {  	[sflag:s22] =	ssyncadd.s32 $0xFFFFE000  }
0x15: {  	_ =	swait.ge [sflag:s22], $0x2000  }
0x16: {  	[sflag:s22] =	ssyncset.done $0x0  }
0x17: {  	s0 =	sadd.s32 $0x2B00, s1;
	[sflag:s22] =	ssyncadd.s32 $0xFFFFE000  }
0x18: {  	[spmem:s2] =	stream.indirect.scatter.add.f32 [tilespmem:s19], [sflag:$0x4], $0x40, s0, s15, $0xb8;
	[tilespmem:$0x16E00] =	vst v63  }
0x19: {  	s18 =	sadd.s32 $0x2B80, s1  }
0x1a: {  	[spmem:s2] =	stream.indirect.scatter.add.f32 [tilespmem:s21], [sflag:$0x4], $0x40, s18, s15, $0xb8;
	[tilespmem:$0x16E00] =	vst v63  }
0x1b: {  	_ =	swait.ge [sflag:s24], $0x2000  }
0x1c: {  	[sflag:s24] =	ssyncset.done $0x0  }
0x1d: {  	[sflag:s24] =	ssyncadd.s32 $0xFFFFE000  }
0x1e: {  	_ =	swait.ge [sflag:s24], $0x2000  }
0x1f: {  	s30 =	sadd.s32 $0x1, s30;
	[sflag:s24] =	ssyncset.done $0x0  }
0x20: {  	p0 =	sne.s32 s30, s11;
	[sflag:s24] =	ssyncadd.s32 $0xFFFFE000  }
.Ltmp1:
0x21: {  	s31 =	sor.u32 $0x1C05, s8;
	[bflag:$0x0] =	sbarrier.arrive $0xFFFF;
	(pc) =	sbr.rel @!p0 .LBB2_5-.Ltmp1, $4  }
0x22: {  	[hbm:s10], [sflag:s31] =	dma.local [spmem:s13], $0x13C0  }
0x23: {  	_ =	swait.ge [sflag:s29], $0x13C0  }
0x24: {  	[sflag:s29] =	ssyncset.done $0x0  }
0x25: {  	[sflag:s29] =	ssyncadd.s32 $0xFFFFEC40  }
.LBB2_1:
0x26: {  	[tilespmem:s3], [sflag:$0x1] =	stream.linear.gather [hbm4b:s5+s3], $0x2800, $0x38;
	[tilespmem:$0x16E00] =	vst v63  }
0x27: {  	_ = 	snop  }
0x28: {  	[tilespmem:s12], [sflag:$0x2] =	stream.linear.gather [hbm4b:s6+s3], $0x2800, $0x38;
	[tilespmem:$0x16E00] =	vst v63  }
0x29: {  	[spmem:s13], [sflag:s9] =	dma.local [hbm:s7], $0x13C0  }
0x2a: {  	_ =	swait.ge [sflag:s14], $0x2800  }
0x2b: {  	[sflag:s14] =	ssyncset.done $0x0  }
0x2c: {  	[sflag:s14] =	ssyncadd.s32 $0xFFFFD800  }
0x2d: {  	[tilespmem:s16], [sflag:$0x3] =	stream.indirect.gather [hbm4b:s4+s15], $0x40, s3, s15, $0xb8;
	[tilespmem:$0x16E00] =	vst v63  }
0x2e: {  	s31 =	simm.s32 $0x2  }
0x2f: {  	[tilespmem:s17], [sflag:$0x3] =	stream.indirect.gather [hbm4b:s4+s15], $0x40, s15, s15, $0xb8;
	[tilespmem:$0x16E00] =	vst v63  }
0x30: {  	_ =	swait.ge [sflag:s31], $0x2800  }
0x31: {  	[sflag:s31] =	ssyncset.done $0x0  }
0x32: {  	[sflag:s31] =	ssyncadd.s32 $0xFFFFD800  }
0x33: {  	_ =	swait.ge [sflag:s31], $0x13C0  }
0x34: {  	[sflag:s31] =	ssyncset.done $0x0  }
0x35: {  	[sflag:s31] =	ssyncadd.s32 $0xFFFFEC40  }
0x36: {  	s0 =	simm.s32 $0x100;
	[bflag:$0x0] =	sbarrier.arrive $0xFFFF  }
0x37: {  	[tilespmem:s19], [sflag:$0x3] =	stream.indirect.gather [hbm4b:s4+s15], $0x40, s0, s15, $0xb8;
	[tilespmem:$0x16E00] =	vst v63  }
0x38: {  	_ = 	snop  }
0x39: {  	[tilespmem:s21], [sflag:$0x3] =	stream.indirect.gather [hbm4b:s4+s15], $0x40, s20, s15, $0xb8;
	[tilespmem:$0x16E00] =	vst v63  }
0x3a: {  	_ =	swait.ge [sflag:s22], $0x2000  }
0x3b: {  	[sflag:s22] =	ssyncset.done $0x0  }
0x3c: {  	[sflag:s22] =	ssyncadd.s32 $0xFFFFE000  }
0x3d: {  	_ =	swait.ge [sflag:s22], $0x2000  }
0x3e: {  	[sflag:s22] =	ssyncset.done $0x0  }
0x3f: {  	[sflag:s22] =	ssyncadd.s32 $0xFFFFE000  }
0x40: {  	[spmem:s2] =	stream.indirect.scatter.add.f32 [tilespmem:s16], [sflag:$0x4], $0x40, s12, s15, $0xb8;
	[tilespmem:$0x16E00] =	vst v63  }
0x41: {  	_ = 	snop  }
0x42: {  	[spmem:s2] =	stream.indirect.scatter.add.f32 [tilespmem:s17], [sflag:$0x4], $0x40, s23, s15, $0xb8;
	[tilespmem:$0x16E00] =	vst v63  }
0x43: {  	_ =	swait.ge [sflag:s24], $0x2000  }
0x44: {  	[sflag:s24] =	ssyncset.done $0x0  }
0x45: {  	[sflag:s24] =	ssyncadd.s32 $0xFFFFE000  }
0x46: {  	_ =	swait.ge [sflag:s24], $0x2000  }
0x47: {  	[sflag:s24] =	ssyncset.done $0x0  }
0x48: {  	[sflag:s24] =	ssyncadd.s32 $0xFFFFE000  }
0x49: {  	[tilespmem:s16], [sflag:$0x3] =	stream.indirect.gather [hbm4b:s4+s15], $0x40, s25, s15, $0xb8;
	[tilespmem:$0x16E00] =	vst v63  }
0x4a: {  	_ = 	snop  }
0x4b: {  	[tilespmem:s17], [sflag:$0x3] =	stream.indirect.gather [hbm4b:s4+s15], $0x40, s26, s15, $0xb8;
	[tilespmem:$0x16E00] =	vst v63  }
0x4c: {  	_ =	swait.ge [sflag:s22], $0x2000  }
0x4d: {  	[sflag:s22] =	ssyncset.done $0x0  }
0x4e: {  	[sflag:s22] =	ssyncadd.s32 $0xFFFFE000  }
0x4f: {  	_ =	swait.ge [sflag:s22], $0x2000  }
0x50: {  	[sflag:s22] =	ssyncset.done $0x0  }
0x51: {  	s0 =	simm.s32 $0x0;
	[sflag:s22] =	ssyncadd.s32 $0xFFFFE000  }
0x52: {  	[spmem:s2] =	stream.indirect.scatter.add.f32 [tilespmem:s19], [sflag:$0x4], $0x40, s28, s15, $0xb8;
	[tilespmem:$0x16E00] =	vst v63  }
.LBB2_2:
0x53: {  	s1 =	sshra.s32 s0, $0x2  }
0x54: {  	s18 =	sadd.s32 $0x2980, s1  }
0x55: {  	[spmem:s2] =	stream.indirect.scatter.add.f32 [tilespmem:s21], [sflag:$0x4], $0x40, s18, s15, $0xb8;
	[tilespmem:$0x16E00] =	vst v63  }
0x56: {  	_ =	swait.ge [sflag:s24], $0x2000  }
0x57: {  	[sflag:s24] =	ssyncset.done $0x0  }
0x58: {  	[sflag:s24] =	ssyncadd.s32 $0xFFFFE000  }
0x59: {  	_ =	swait.ge [sflag:s24], $0x2000  }
0x5a: {  	[sflag:s24] =	ssyncset.done $0x0  }
0x5b: {  	s18 =	sadd.s32 $0x300, s1;
	[sflag:s24] =	ssyncadd.s32 $0xFFFFE000  }
0x5c: {  	[tilespmem:s19], [sflag:$0x3] =	stream.indirect.gather [hbm4b:s4+s15], $0x40, s18, s15, $0xb8;
	[tilespmem:$0x16E00] =	vst v63  }
0x5d: {  	s18 =	sadd.s32 $0x380, s1  }
0x5e: {  	[tilespmem:s21], [sflag:$0x3] =	stream.indirect.gather [hbm4b:s4+s15], $0x40, s18, s15, $0xb8;
	[tilespmem:$0x16E00] =	vst v63  }
0x5f: {  	_ =	swait.ge [sflag:s22], $0x2000  }
0x60: {  	[sflag:s22] =	ssyncset.done $0x0  }
0x61: {  	[sflag:s22] =	ssyncadd.s32 $0xFFFFE000  }
0x62: {  	_ =	swait.ge [sflag:s22], $0x2000  }
0x63: {  	[sflag:s22] =	ssyncset.done $0x0  }
0x64: {  	s18 =	sadd.s32 $0x2A00, s1;
	[sflag:s22] =	ssyncadd.s32 $0xFFFFE000  }
0x65: {  	[spmem:s2] =	stream.indirect.scatter.add.f32 [tilespmem:s16], [sflag:$0x4], $0x40, s18, s15, $0xb8;
	[tilespmem:$0x16E00] =	vst v63  }
0x66: {  	s18 =	sadd.s32 $0x2A80, s1  }
0x67: {  	[spmem:s2] =	stream.indirect.scatter.add.f32 [tilespmem:s17], [sflag:$0x4], $0x40, s18, s15, $0xb8;
	[tilespmem:$0x16E00] =	vst v63  }
0x68: {  	p0 =	sgt.u32 s31, $0x25;
	_ =	swait.ge [sflag:s24], $0x2000  }
.Ltmp2:
0x69: {  	[sflag:s24] =	ssyncset.done $0x0;
	(pc) =	sbr.rel @p0 .LBB2_4-.Ltmp2, $4  }
0x6a: {  	[sflag:s24] =	ssyncadd.s32 $0xFFFFE000  }
0x6b: {  	_ =	swait.ge [sflag:s24], $0x2000  }
0x6c: {  	[sflag:s24] =	ssyncset.done $0x0  }
0x6d: {  	[sflag:s24] =	ssyncadd.s32 $0xFFFFE000  }
0x6e: {  	s18 =	sadd.s32 $0x400, s1  }
0x6f: {  	[tilespmem:s16], [sflag:$0x3] =	stream.indirect.gather [hbm4b:s4+s15], $0x40, s18, s15, $0xb8;
	[tilespmem:$0x16E00] =	vst v63  }
0x70: {  	s18 =	sadd.s32 $0x480, s1  }
0x71: {  	[tilespmem:s17], [sflag:$0x3] =	stream.indirect.gather [hbm4b:s4+s15], $0x40, s18, s15, $0xb8;
	[tilespmem:$0x16E00] =	vst v63  }
0x72: {  	_ =	swait.ge [sflag:s22], $0x2000  }
0x73: {  	[sflag:s22] =	ssyncset.done $0x0  }
.Ltmp3:
0x74: {  	[sflag:s22] =	ssyncadd.s32 $0xFFFFE000;
	(pc) =	sbr.rel .LBB2_2-.Ltmp3, $4  }
0x75: {  	_ =	swait.ge [sflag:s22], $0x2000  }
0x76: {  	s31 =	sadd.s32 $0x2, s31;
	[sflag:s22] =	ssyncset.done $0x0  }
0x77: {  	s0 =	sadd.s32 $0x800, s0;
	s18 =	sadd.s32 $0x2B00, s1;
	[sflag:s22] =	ssyncadd.s32 $0xFFFFE000  }
0x78: {  	[spmem:s2] =	stream.indirect.scatter.add.f32 [tilespmem:s19], [sflag:$0x4], $0x40, s18, s15, $0xb8;
	[tilespmem:$0x16E00] =	vst v63  }
.LBB2_5:
0x79: {  	_ =	sfence.sel $0x180000  }
0x7a: {  	[bflag:$0x0] =	sbarrier.arrive $0xFFFF  }
0x7b: {  	_ =	strace $0x90000047  }
0x7c: {  	s0 =	stileid.u32;
	[bflag:$0x2] =	sbarrier.arrive $0xFFFF  }
0x7d: {  	p0 =	sne.s32 s0, $0x0;
	s0 =	rddreg [dreg:$0x2]  }
0x7e: {  	s0 =	sadd.s32 @!p0 $0x100000, s0  }
0x7f: {  	[sflag:s0] =	ssyncadd.tile.s32 @!p0 $0x1;
	_ =	shalt  }
.Lfunc_end2:
_tile_overlayer_lowered:
.L_overlay_start_2:
0x80: {  	(tag) =	ssettag $0x2  }
0x81: {  	s0 =	rddreg [dreg:$0x0];
	s2 =	stileid.u32  }
0x82: {  	s1 =	rddreg [dreg:$0x1];
	p0 =	sne.s32 s2, $0x0  }
0x83: {  	s3 =	rddreg [dreg:$0x2];
	[bflag:$0x3] =	sbarrier.arrive $0xFFFF;
	s2 =	simm.s32 @!p0 $0x1C05  }
0x84: {  	[timem:s3], [sflag:s2] =	dma.local @!p0 [hbm:s0], s1  }
0x85: {  	s0 =	simm.s32 @!p0 $0x5  }
0x86: {  	_ =	swait.ge @!p0 [sflag:s0], s1  }
0x87: {  	s1 =	ssub.s32 @!p0 $0x0, s1;
	[sflag:s0] =	ssyncset.done @!p0 $0x0  }
0x88: {  	[sflag:s0] =	ssyncadd.s32 @!p0 s1  }
0x89: {  	[bflag:$0x3] =	sbarrier.arrive $0xFFFF  }
0x8a: {  	_ =	shalt  }

</sc_bundles>
